<compile_context>
chip_gen: v7x
topology: tpu7x:2x2x1
jax: 0.10.2.dev20260603
libtpu: 0.0.44.dev20260713+nightly
codegen_flags: <defaults>
</compile_context>

<pallas_src>
import jax
import jax.numpy as jnp
import numpy as np
from jax import lax
from jax.experimental import pallas as pl
from jax.experimental.pallas import tpu as pltpu
from jax.experimental.pallas import tpu_sc as plsc

NUM_LEVELS = 16
MIN_RES = 16.0
MAX_RES = 512.0
TABLE_SZ = 524288
MASK = TABLE_SZ - 1
FEATURE_DIM = 2
BATCH = 262144
C1 = np.int32(-1640531535)
C2 = np.int32(805459861)

NC, NS, L = 2, 16, 16
NW = NC * NS
SAMP = BATCH // NW
N = 1024
NCHUNK = SAMP // N
G = N // L
NROW = 8 * N
IPD = 256
NDMA = NROW // IPD
OUT_DIM = 2 * NUM_LEVELS

NBLK = NUM_LEVELS * TABLE_SZ // 128
BPT = NBLK // NS
BB = 16
NBATCH = BPT // BB


def _body(x0_hbm, x1_hbm, x2_hbm, tab_hbm, res_hbm, out_hbm, pair_hbm,
          x0_v, x1_v, x2_v, res_v, idx_v, rows_v, out_v,
          st_in, st_out, sem):
    sid = lax.axis_index("s")
    wid = sid * NC + lax.axis_index("c")
    base = wid * SAMP

    pltpu.sync_copy(res_hbm, res_v)

    iota = lax.iota(jnp.int32, L)

    zcol = jnp.full((L,), 0, jnp.int32)
    onecol = jnp.full((L,), 1, jnp.int32)

    @pl.loop(0, NBATCH)
    def _relayout(t):
        blk0 = sid * BPT + t * BB
        pltpu.sync_copy(tab_hbm.at[pl.ds(blk0 * 256, BB * 256)], st_in)
        for bk in range(BB):
            for g in range(8):
                a = st_in[pl.ds(bk * 256 + g * 16, L)]
                b = st_in[pl.ds(bk * 256 + 128 + g * 16, L)]
                rowids = bk * 128 + g * 16 + iota
                plsc.store_scatter(st_out, [rowids, zcol], a)
                plsc.store_scatter(st_out, [rowids, onecol], b)
        pltpu.sync_copy(st_out, pair_hbm.at[pl.ds(blk0 * 128, BB * 128)])

    plsc.subcore_barrier()

    pair2d = pair_hbm

    def hash_into(level, ob):
        res = res_v[pl.ds(level * L, L)]
        lbase = level * jnp.full((L,), TABLE_SZ, jnp.int32)

        @pl.loop(0, G)
        def _hash(g):
            s0 = g * L
            xv = x0_v[pl.ds(s0, L)]
            yv = x1_v[pl.ds(s0, L)]
            zv = x2_v[pl.ds(s0, L)]
            sx = res * xv
            sy = res * yv
            sz = res * zv
            xl = sx.astype(jnp.int32)
            yl = sy.astype(jnp.int32)
            zl = sz.astype(jnp.int32)
            xh = jnp.where(sx > xl.astype(jnp.float32), xl + 1, xl)
            yh = jnp.where(sy > yl.astype(jnp.float32), yl + 1, yl)
            zh = jnp.where(sz > zl.astype(jnp.float32), zl + 1, zl)
            cyl = C1 * yl
            cyh = C1 * yh
            czl = C2 * zl
            czh = C2 * zh
            a = cyl ^ czl
            b = cyh ^ czl
            cc = cyl ^ czh
            d = cyh ^ czh
            hs = (xl ^ a, xh ^ a, xh ^ b, xl ^ b,
                  xl ^ cc, xh ^ cc, xh ^ d, xl ^ d)
            for k in range(8):
                idx_v[pl.ds(ob + k * N + s0, L)] = (hs[k] & MASK) + lbase

    def fire(ob):
        @pl.loop(0, NDMA)
        def _fire(j):
            pltpu.async_copy(
                pair2d.at[idx_v.at[pl.ds(ob + j * IPD, IPD)]],
                rows_v.at[pl.ds(ob + j * IPD, IPD)], sem)

    def drain():
        @pl.loop(0, NDMA)
        def _drain(j):
            pltpu.make_async_copy(
                pair2d.at[idx_v.at[pl.ds(0, IPD)]],
                rows_v.at[pl.ds(0, IPD)], sem).wait()

    def interp(level, ob):
        @pl.loop(0, G)
        def _interp(g):
            s0 = g * L
            xv = x0_v[pl.ds(s0, L)]
            yv = x1_v[pl.ds(s0, L)]
            zv = x2_v[pl.ds(s0, L)]
            xw = xv - xv.astype(jnp.int32).astype(jnp.float32)
            yw = yv - yv.astype(jnp.int32).astype(jnp.float32)
            zw = zv - zv.astype(jnp.int32).astype(jnp.float32)
            xw1 = 1.0 - xw
            yw1 = 1.0 - yw
            zw1 = 1.0 - zw
            srow = s0 + iota
            for f in range(FEATURE_DIM):
                col = jnp.full((L,), f, jnp.int32)
                v = [plsc.load_gather(rows_v, [ob + k * N + srow, col])
                     for k in range(8)]
                c00 = v[0] * xw1 + v[1] * xw
                c01 = v[4] * xw1 + v[5] * xw
                c10 = v[3] * xw1 + v[2] * xw
                c11 = v[7] * xw1 + v[6] * xw
                c0 = c00 * yw1 + c10 * yw
                c1 = c01 * yw1 + c11 * yw
                outval = c0 * zw1 + c1 * zw
                fcol = 2 * level + f
                off = ((fcol // 8) * (8 * N) + ((s0 >> 7) << 10)
                       + (fcol % 8) * 128 + (s0 & 127))
                out_v[pl.ds(off, L)] = outval

    @pl.loop(0, NCHUNK)
    def _chunk(c):
        gbase = base + c * N
        pltpu.sync_copy(x0_hbm.at[pl.ds(gbase, N)], x0_v)
        pltpu.sync_copy(x1_hbm.at[pl.ds(gbase, N)], x1_v)
        pltpu.sync_copy(x2_hbm.at[pl.ds(gbase, N)], x2_v)

        @pl.loop(0, NUM_LEVELS)
        def _level(level):
            hash_into(level, 0)
            fire(0)
            drain()
            interp(level, 0)

        for r in range(4):
            pltpu.sync_copy(
                out_v.at[pl.ds(r * 8 * N, 8 * N)],
                out_hbm.at[pl.ds(r * (BATCH * 8) + gbase * 8, 8 * N)])


@jax.jit
def kernel(x, tables):
    b = jnp.exp((jnp.log(MAX_RES) - jnp.log(MIN_RES)) / (NUM_LEVELS - 1))
    res_list = [jnp.floor(MIN_RES * b ** level) for level in range(NUM_LEVELS)]
    res_bcast = jnp.broadcast_to(
        jnp.stack(res_list).reshape(NUM_LEVELS, 1), (NUM_LEVELS, L)).reshape(-1)

    x0 = x[:, 0]
    x1 = x[:, 1]
    x2 = x[:, 2]
    tab_flat = tables.reshape(NUM_LEVELS, TABLE_SZ // 128, 128, FEATURE_DIM)
    tab_flat = tab_flat.transpose(0, 1, 3, 2).reshape(-1)

    run = pl.kernel(
        _body,
        out_type=(
            jax.ShapeDtypeStruct((BATCH * OUT_DIM,), jnp.float32),
            jax.ShapeDtypeStruct((NUM_LEVELS * TABLE_SZ, FEATURE_DIM),
                                 jnp.float32),
        ),
        mesh=plsc.VectorSubcoreMesh(core_axis_name="c", subcore_axis_name="s"),
        scratch_types=[
            pltpu.VMEM((N,), jnp.float32),
            pltpu.VMEM((N,), jnp.float32),
            pltpu.VMEM((N,), jnp.float32),
            pltpu.VMEM((NUM_LEVELS * L,), jnp.float32),
            pltpu.VMEM((NROW,), jnp.int32),
            pltpu.VMEM((NROW, FEATURE_DIM), jnp.float32),
            pltpu.VMEM((N * OUT_DIM,), jnp.float32),
            pltpu.VMEM((BB * 256,), jnp.float32),
            pltpu.VMEM((BB * 128, FEATURE_DIM), jnp.float32),
            pltpu.SemaphoreType.DMA,
        ],
        compiler_params=pltpu.CompilerParams(
            needs_layout_passes=False, use_tc_tiling_on_sc=False),
    )
    out_flat, _ = run(x0, x1, x2, tab_flat, res_bcast)
    out4 = out_flat.reshape(4, BATCH // 128, 8, 128)
    return out4.transpose(1, 3, 0, 2).reshape(BATCH, OUT_DIM)

# --- scband reference (transcript-rebuilt; emitter-appended) ---
"""Pipeline reference for scband-multi-resolution-hash-encoding-77773267796436 (READ-ONLY COPY).

The authoritative reference and input builder live on the scoring server;
editing this copy changes nothing except your own understanding.
"""

import jax, jax.numpy as jnp
import numpy as np

NUM_LEVELS = 16
MIN_RES = 16.0
MAX_RES = 512.0
TABLE_SZ = 524288
FEATURE_DIM = 2
BATCH = 262144
# 2654435761 does not fit in int32; TF int32 math wraps, equivalent int32 constant:
C1 = np.int32(np.uint32(2654435761).view(np.int32))
C2 = np.int32(805459861)


def setup_inputs(seed: int = 0) -> dict:
    key = jax.random.key(seed)
    k1, k2 = jax.random.split(key)
    x = jax.random.uniform(k1, (BATCH, 3), dtype=jnp.float32)
    tables = jax.random.uniform(k2, (NUM_LEVELS, TABLE_SZ, FEATURE_DIM),
                                minval=-1e-4, maxval=1e-4, dtype=jnp.float32)
    return {"x": x, "tables": tables}


def _forward(x, tables):
    b = jnp.exp((jnp.log(MAX_RES) - jnp.log(MIN_RES)) / (NUM_LEVELS - 1))
    feats = []
    for level in range(NUM_LEVELS):
        res = jnp.floor(MIN_RES * b ** level)
        scaled = res * x
        low = jnp.floor(scaled).astype(jnp.int32)
        high = jnp.ceil(scaled).astype(jnp.int32)
        xl, yl, zl = low[:, 0], low[:, 1], low[:, 2]
        xh, yh, zh = high[:, 0], high[:, 1], high[:, 2]
        # vertex order: v0..v7 as in get_nearest_vertices_coords
        vx = jnp.stack([xl, xh, xh, xl, xl, xh, xh, xl], axis=1)
        vy = jnp.stack([yl, yl, yh, yh, yl, yl, yh, yh], axis=1)
        vz = jnp.stack([zl, zl, zl, zl, zh, zh, zh, zh], axis=1)
        h = jnp.bitwise_xor(jnp.bitwise_xor(vx, C1 * vy), C2 * vz)
        idx = jnp.mod(h, TABLE_SZ)  # floormod, non-negative
        hashed_feats = jnp.take(tables[level], idx, axis=0)  # [B, 8, feat_dim]
        # NOTE: faithful to original: interp weights from *unscaled* position
        w = x - jnp.floor(x)
        xw = w[:, 0:1]
        yw = w[:, 1:2]
        zw = w[:, 2:3]
        v0, v1, v2, v3, v4, v5, v6, v7 = [hashed_feats[:, i, :] for i in range(8)]
        c00 = v0 * (1 - xw) + v1 * xw
        c01 = v4 * (1 - xw) + v5 * xw
        c10 = v3 * (1 - xw) + v2 * xw
        c11 = v7 * (1 - xw) + v6 * xw
        c0 = c00 * (1 - yw) + c10 * yw
        c1 = c01 * (1 - yw) + c11 * yw
        feats.append(c0 * (1 - zw) + c1 * zw)
    return jnp.concatenate(feats, axis=1)


def reference(x, tables):
    return _forward(x, tables)

if __name__ == "__main__":
    import jax
    _d = setup_inputs()
    print(jax.jit(kernel)(*tuple(_d.values())))

</pallas_src>

<mosaic_0001>
#map = affine_map<(d0, d1) -> (0)>
#map1 = affine_map<(d0, d1) -> (0, 0)>
module attributes {stable_mosaic.version = 14 : i64} {
  func.func @_body(%arg0: i32, %arg1: i32, %arg2: memref<262144xf32, #tpu.memory_space<hbm>>, %arg3: memref<262144xf32, #tpu.memory_space<hbm>>, %arg4: memref<262144xf32, #tpu.memory_space<hbm>>, %arg5: memref<16777216xf32, #tpu.memory_space<hbm>>, %arg6: memref<256xf32, #tpu.memory_space<hbm>>, %arg7: memref<8388608xf32, #tpu.memory_space<hbm>>, %arg8: memref<8388608x2xf32, #tpu.memory_space<hbm>>, %arg9: memref<1024xf32, #tpu.memory_space<vmem>>, %arg10: memref<1024xf32, #tpu.memory_space<vmem>>, %arg11: memref<1024xf32, #tpu.memory_space<vmem>>, %arg12: memref<256xf32, #tpu.memory_space<vmem>>, %arg13: memref<8192xi32, #tpu.memory_space<vmem>>, %arg14: memref<8192x2xf32, #tpu.memory_space<vmem>>, %arg15: memref<32768xf32, #tpu.memory_space<vmem>>, %arg16: memref<4096xf32, #tpu.memory_space<vmem>>, %arg17: memref<2048x2xf32, #tpu.memory_space<vmem>>, %arg18: memref<!tpu.dma_semaphore, #tpu.memory_space<semaphore_mem>>) attributes {dimension_semantics = [#tpu.dimension_semantics<core_parallel>, #tpu.dimension_semantics<subcore_parallel>], iteration_bounds = array<i64: 2, 16>, scalar_prefetch = 0 : i64, scratch_operands = 10 : i64, tpu.core_type = #tpu.core_type<sc_vector_subcore>, window_params = [{transform_indices = #map}, {transform_indices = #map}, {transform_indices = #map}, {transform_indices = #map}, {transform_indices = #map}, {transform_indices = #map}, {transform_indices = #map1}]} {
    %mul3A = arith.constant 2 : i32
    %mul3A_0 = arith.muli %arg1, %mul3A : i32
    %add3A = arith.addi %mul3A_0, %arg0 : i32
    %mul3A_1 = arith.constant 8192 : i32
    %mul3A_2 = arith.muli %add3A, %mul3A_1 : i32
    "tpu.region"() ({
      %run_scoped3A = tpu.sem_alloc : memref<!tpu.dma_semaphore, #tpu.memory_space<semaphore_mem>>
      tpu.enqueue_dma source(%arg6 : memref<256xf32, #tpu.memory_space<hbm>>) target(%arg12 : memref<256xf32, #tpu.memory_space<vmem>>) target_semaphore(%run_scoped3A : memref<!tpu.dma_semaphore, #tpu.memory_space<semaphore_mem>>)
      tpu.wait_dma2 semaphore(%run_scoped3A : memref<!tpu.dma_semaphore, #tpu.memory_space<semaphore_mem>>) src(%arg6 : memref<256xf32, #tpu.memory_space<hbm>>) dst(%arg12 : memref<256xf32, #tpu.memory_space<vmem>>)
      tpu.yield
    }) : () -> ()
    %iota3A = tpu.iota {dimensions = array<i32: 0>} : vector<16xi32>
    %broadcast_in_dim3A = arith.constant 0 : i32
    %broadcast_in_dim3A_3 = vector.broadcast %broadcast_in_dim3A : i32 to vector<16xi32>
    %broadcast_in_dim3A_4 = arith.constant 1 : i32
    %broadcast_in_dim3A_5 = vector.broadcast %broadcast_in_dim3A_4 : i32 to vector<16xi32>
    %scan3A = arith.constant 0 : i32
    %scan3A_6 = arith.constant 256 : i32
    %scan3A_7 = arith.addi %scan3A, %scan3A_6 : i32
    %scan3A_8 = arith.constant 1 : i32
    scf.for %scan3A_15 = %scan3A to %scan3A_7 step %scan3A_8  : i32 {
      %mul3A_16 = arith.constant 1 : i32
      %mul3A_17 = arith.muli %scan3A_15, %mul3A_16 : i32
      %add3A_18 = arith.constant 0 : i32
      %add3A_19 = arith.addi %add3A_18, %mul3A_17 : i32
      %mul3A_20 = arith.constant 4096 : i32
      %mul3A_21 = arith.muli %arg1, %mul3A_20 : i32
      %mul3A_22 = arith.constant 16 : i32
      %mul3A_23 = arith.muli %add3A_19, %mul3A_22 : i32
      %add3A_24 = arith.addi %mul3A_21, %mul3A_23 : i32
      %mul3A_25 = arith.constant 256 : i32
      %mul3A_26 = arith.muli %add3A_24, %mul3A_25 : i32
      "tpu.region"() ({
        %run_scoped3A = tpu.sem_alloc : memref<!tpu.dma_semaphore, #tpu.memory_space<semaphore_mem>>
        %dma_start3A = tpu.memref_slice %arg5[%mul3A_26] : memref<16777216xf32, #tpu.memory_space<hbm>> -> memref<4096xf32, #tpu.memory_space<hbm>>
        %dma_start3A_924 = tpu.memref_slice %arg5[%mul3A_26] : memref<16777216xf32, #tpu.memory_space<hbm>> -> memref<4096xf32, #tpu.memory_space<hbm>>
        tpu.enqueue_dma source(%dma_start3A_924 : memref<4096xf32, #tpu.memory_space<hbm>>) target(%arg16 : memref<4096xf32, #tpu.memory_space<vmem>>) target_semaphore(%run_scoped3A : memref<!tpu.dma_semaphore, #tpu.memory_space<semaphore_mem>>)
        %dma_wait3A = tpu.memref_slice %arg5[%mul3A_26] : memref<16777216xf32, #tpu.memory_space<hbm>> -> memref<4096xf32, #tpu.memory_space<hbm>>
        %dma_wait3A_925 = tpu.memref_slice %arg5[%mul3A_26] : memref<16777216xf32, #tpu.memory_space<hbm>> -> memref<4096xf32, #tpu.memory_space<hbm>>
        tpu.wait_dma2 semaphore(%run_scoped3A : memref<!tpu.dma_semaphore, #tpu.memory_space<semaphore_mem>>) src(%dma_wait3A_925 : memref<4096xf32, #tpu.memory_space<hbm>>) dst(%arg16 : memref<4096xf32, #tpu.memory_space<vmem>>)
        tpu.yield
      }) : () -> ()
      %get3A = arith.constant 0 : index
      %get3A_27 = tpu.vector_load %arg16[%get3A] {strides = array<i32>} : memref<4096xf32, #tpu.memory_space<vmem>>, vector<16xf32>,
      %get3A_28 = arith.constant 128 : index
      %get3A_29 = tpu.vector_load %arg16[%get3A_28] {strides = array<i32>} : memref<4096xf32, #tpu.memory_space<vmem>>, vector<16xf32>,
      %add3A_30 = arith.constant 0 : i32
      %add3A_31 = vector.broadcast %add3A_30 : i32 to vector<16xi32>
      %add3A_32 = arith.addi %add3A_31, %iota3A : vector<16xi32>
      tpu.vector_store_idx %arg17[%add3A_32, %broadcast_in_dim3A_3], %get3A_27 : memref<2048x2xf32, #tpu.memory_space<vmem>>[vector<16xi32>, vector<16xi32>], vector<16xf32>,
      tpu.vector_store_idx %arg17[%add3A_32, %broadcast_in_dim3A_5], %get3A_29 : memref<2048x2xf32, #tpu.memory_space<vmem>>[vector<16xi32>, vector<16xi32>], vector<16xf32>,
      %get3A_33 = arith.constant 16 : index
      %get3A_34 = tpu.vector_load %arg16[%get3A_33] {strides = array<i32>} : memref<4096xf32, #tpu.memory_space<vmem>>, vector<16xf32>,
      %get3A_35 = arith.constant 144 : index
      %get3A_36 = tpu.vector_load %arg16[%get3A_35] {strides = array<i32>} : memref<4096xf32, #tpu.memory_space<vmem>>, vector<16xf32>,
      %add3A_37 = arith.constant 16 : i32
      %add3A_38 = vector.broadcast %add3A_37 : i32 to vector<16xi32>
      %add3A_39 = arith.addi %add3A_38, %iota3A : vector<16xi32>
      tpu.vector_store_idx %arg17[%add3A_39, %broadcast_in_dim3A_3], %get3A_34 : memref<2048x2xf32, #tpu.memory_space<vmem>>[vector<16xi32>, vector<16xi32>], vector<16xf32>,
      tpu.vector_store_idx %arg17[%add3A_39, %broadcast_in_dim3A_5], %get3A_36 : memref<2048x2xf32, #tpu.memory_space<vmem>>[vector<16xi32>, vector<16xi32>], vector<16xf32>,
      %get3A_40 = arith.constant 32 : index
      %get3A_41 = tpu.vector_load %arg16[%get3A_40] {strides = array<i32>} : memref<4096xf32, #tpu.memory_space<vmem>>, vector<16xf32>,
      %get3A_42 = arith.constant 160 : index
      %get3A_43 = tpu.vector_load %arg16[%get3A_42] {strides = array<i32>} : memref<4096xf32, #tpu.memory_space<vmem>>, vector<16xf32>,
      %add3A_44 = arith.constant 32 : i32
      %add3A_45 = vector.broadcast %add3A_44 : i32 to vector<16xi32>
      %add3A_46 = arith.addi %add3A_45, %iota3A : vector<16xi32>
      tpu.vector_store_idx %arg17[%add3A_46, %broadcast_in_dim3A_3], %get3A_41 : memref<2048x2xf32, #tpu.memory_space<vmem>>[vector<16xi32>, vector<16xi32>], vector<16xf32>,
      tpu.vector_store_idx %arg17[%add3A_46, %broadcast_in_dim3A_5], %get3A_43 : memref<2048x2xf32, #tpu.memory_space<vmem>>[vector<16xi32>, vector<16xi32>], vector<16xf32>,
      %get3A_47 = arith.constant 48 : index
      %get3A_48 = tpu.vector_load %arg16[%get3A_47] {strides = array<i32>} : memref<4096xf32, #tpu.memory_space<vmem>>, vector<16xf32>,
      %get3A_49 = arith.constant 176 : index
      %get3A_50 = tpu.vector_load %arg16[%get3A_49] {strides = array<i32>} : memref<4096xf32, #tpu.memory_space<vmem>>, vector<16xf32>,
      %add3A_51 = arith.constant 48 : i32
      %add3A_52 = vector.broadcast %add3A_51 : i32 to vector<16xi32>
      %add3A_53 = arith.addi %add3A_52, %iota3A : vector<16xi32>
      tpu.vector_store_idx %arg17[%add3A_53, %broadcast_in_dim3A_3], %get3A_48 : memref<2048x2xf32, #tpu.memory_space<vmem>>[vector<16xi32>, vector<16xi32>], vector<16xf32>,
      tpu.vector_store_idx %arg17[%add3A_53, %broadcast_in_dim3A_5], %get3A_50 : memref<2048x2xf32, #tpu.memory_space<vmem>>[vector<16xi32>, vector<16xi32>], vector<16xf32>,
      %get3A_54 = arith.constant 64 : index
      %get3A_55 = tpu.vector_load %arg16[%get3A_54] {strides = array<i32>} : memref<4096xf32, #tpu.memory_space<vmem>>, vector<16xf32>,
      %get3A_56 = arith.constant 192 : index
      %get3A_57 = tpu.vector_load %arg16[%get3A_56] {strides = array<i32>} : memref<4096xf32, #tpu.memory_space<vmem>>, vector<16xf32>,
      %add3A_58 = arith.constant 64 : i32
      %add3A_59 = vector.broadcast %add3A_58 : i32 to vector<16xi32>
      %add3A_60 = arith.addi %add3A_59, %iota3A : vector<16xi32>
      tpu.vector_store_idx %arg17[%add3A_60, %broadcast_in_dim3A_3], %get3A_55 : memref<2048x2xf32, #tpu.memory_space<vmem>>[vector<16xi32>, vector<16xi32>], vector<16xf32>,
      tpu.vector_store_idx %arg17[%add3A_60, %broadcast_in_dim3A_5], %get3A_57 : memref<2048x2xf32, #tpu.memory_space<vmem>>[vector<16xi32>, vector<16xi32>], vector<16xf32>,
      %get3A_61 = arith.constant 80 : index
      %get3A_62 = tpu.vector_load %arg16[%get3A_61] {strides = array<i32>} : memref<4096xf32, #tpu.memory_space<vmem>>, vector<16xf32>,
      %get3A_63 = arith.constant 208 : index
      %get3A_64 = tpu.vector_load %arg16[%get3A_63] {strides = array<i32>} : memref<4096xf32, #tpu.memory_space<vmem>>, vector<16xf32>,
      %add3A_65 = arith.constant 80 : i32
      %add3A_66 = vector.broadcast %add3A_65 : i32 to vector<16xi32>
      %add3A_67 = arith.addi %add3A_66, %iota3A : vector<16xi32>
      tpu.vector_store_idx %arg17[%add3A_67, %broadcast_in_dim3A_3], %get3A_62 : memref<2048x2xf32, #tpu.memory_space<vmem>>[vector<16xi32>, vector<16xi32>], vector<16xf32>,
      tpu.vector_store_idx %arg17[%add3A_67, %broadcast_in_dim3A_5], %get3A_64 : memref<2048x2xf32, #tpu.memory_space<vmem>>[vector<16xi32>, vector<16xi32>], vector<16xf32>,
      %get3A_68 = arith.constant 96 : index
      %get3A_69 = tpu.vector_load %arg16[%get3A_68] {strides = array<i32>} : memref<4096xf32, #tpu.memory_space<vmem>>, vector<16xf32>,
      %get3A_70 = arith.constant 224 : index
      %get3A_71 = tpu.vector_load %arg16[%get3A_70] {strides = array<i32>} : memref<4096xf32, #tpu.memory_space<vmem>>, vector<16xf32>,
      %add3A_72 = arith.constant 96 : i32
      %add3A_73 = vector.broadcast %add3A_72 : i32 to vector<16xi32>
      %add3A_74 = arith.addi %add3A_73, %iota3A : vector<16xi32>
      tpu.vector_store_idx %arg17[%add3A_74, %broadcast_in_dim3A_3], %get3A_69 : memref<2048x2xf32, #tpu.memory_space<vmem>>[vector<16xi32>, vector<16xi32>], vector<16xf32>,
      tpu.vector_store_idx %arg17[%add3A_74, %broadcast_in_dim3A_5], %get3A_71 : memref<2048x2xf32, #tpu.memory_space<vmem>>[vector<16xi32>, vector<16xi32>], vector<16xf32>,
      %get3A_75 = arith.constant 112 : index
      %get3A_76 = tpu.vector_load %arg16[%get3A_75] {strides = array<i32>} : memref<4096xf32, #tpu.memory_space<vmem>>, vector<16xf32>,
      %get3A_77 = arith.constant 240 : index
      %get3A_78 = tpu.vector_load %arg16[%get3A_77] {strides = array<i32>} : memref<4096xf32, #tpu.memory_space<vmem>>, vector<16xf32>,
      %add3A_79 = arith.constant 112 : i32
      %add3A_80 = vector.broadcast %add3A_79 : i32 to vector<16xi32>
      %add3A_81 = arith.addi %add3A_80, %iota3A : vector<16xi32>
      tpu.vector_store_idx %arg17[%add3A_81, %broadcast_in_dim3A_3], %get3A_76 : memref<2048x2xf32, #tpu.memory_space<vmem>>[vector<16xi32>, vector<16xi32>], vector<16xf32>,
      tpu.vector_store_idx %arg17[%add3A_81, %broadcast_in_dim3A_5], %get3A_78 : memref<2048x2xf32, #tpu.memory_space<vmem>>[vector<16xi32>, vector<16xi32>], vector<16xf32>,
      %get3A_82 = arith.constant 256 : index
      %get3A_83 = tpu.vector_load %arg16[%get3A_82] {strides = array<i32>} : memref<4096xf32, #tpu.memory_space<vmem>>, vector<16xf32>,
      %get3A_84 = arith.constant 384 : index
      %get3A_85 = tpu.vector_load %arg16[%get3A_84] {strides = array<i32>} : memref<4096xf32, #tpu.memory_space<vmem>>, vector<16xf32>,
      %add3A_86 = arith.constant 128 : i32
      %add3A_87 = vector.broadcast %add3A_86 : i32 to vector<16xi32>
      %add3A_88 = arith.addi %add3A_87, %iota3A : vector<16xi32>
      tpu.vector_store_idx %arg17[%add3A_88, %broadcast_in_dim3A_3], %get3A_83 : memref<2048x2xf32, #tpu.memory_space<vmem>>[vector<16xi32>, vector<16xi32>], vector<16xf32>,
      tpu.vector_store_idx %arg17[%add3A_88, %broadcast_in_dim3A_5], %get3A_85 : memref<2048x2xf32, #tpu.memory_space<vmem>>[vector<16xi32>, vector<16xi32>], vector<16xf32>,
      %get3A_89 = arith.constant 272 : index
      %get3A_90 = tpu.vector_load %arg16[%get3A_89] {strides = array<i32>} : memref<4096xf32, #tpu.memory_space<vmem>>, vector<16xf32>,
      %get3A_91 = arith.constant 400 : index
      %get3A_92 = tpu.vector_load %arg16[%get3A_91] {strides = array<i32>} : memref<4096xf32, #tpu.memory_space<vmem>>, vector<16xf32>,
      %add3A_93 = arith.constant 144 : i32
      %add3A_94 = vector.broadcast %add3A_93 : i32 to vector<16xi32>
      %add3A_95 = arith.addi %add3A_94, %iota3A : vector<16xi32>
      tpu.vector_store_idx %arg17[%add3A_95, %broadcast_in_dim3A_3], %get3A_90 : memref<2048x2xf32, #tpu.memory_space<vmem>>[vector<16xi32>, vector<16xi32>], vector<16xf32>,
      tpu.vector_store_idx %arg17[%add3A_95, %broadcast_in_dim3A_5], %get3A_92 : memref<2048x2xf32, #tpu.memory_space<vmem>>[vector<16xi32>, vector<16xi32>], vector<16xf32>,
      %get3A_96 = arith.constant 288 : index
      %get3A_97 = tpu.vector_load %arg16[%get3A_96] {strides = array<i32>} : memref<4096xf32, #tpu.memory_space<vmem>>, vector<16xf32>,
      %get3A_98 = arith.constant 416 : index
      %get3A_99 = tpu.vector_load %arg16[%get3A_98] {strides = array<i32>} : memref<4096xf32, #tpu.memory_space<vmem>>, vector<16xf32>,
      %add3A_100 = arith.constant 160 : i32
      %add3A_101 = vector.broadcast %add3A_100 : i32 to vector<16xi32>
      %add3A_102 = arith.addi %add3A_101, %iota3A : vector<16xi32>
      tpu.vector_store_idx %arg17[%add3A_102, %broadcast_in_dim3A_3], %get3A_97 : memref<2048x2xf32, #tpu.memory_space<vmem>>[vector<16xi32>, vector<16xi32>], vector<16xf32>,
      tpu.vector_store_idx %arg17[%add3A_102, %broadcast_in_dim3A_5], %get3A_99 : memref<2048x2xf32, #tpu.memory_space<vmem>>[vector<16xi32>, vector<16xi32>], vector<16xf32>,
      %get3A_103 = arith.constant 304 : index
      %get3A_104 = tpu.vector_load %arg16[%get3A_103] {strides = array<i32>} : memref<4096xf32, #tpu.memory_space<vmem>>, vector<16xf32>,
      %get3A_105 = arith.constant 432 : index
      %get3A_106 = tpu.vector_load %arg16[%get3A_105] {strides = array<i32>} : memref<4096xf32, #tpu.memory_space<vmem>>, vector<16xf32>,
      %add3A_107 = arith.constant 176 : i32
      %add3A_108 = vector.broadcast %add3A_107 : i32 to vector<16xi32>
      %add3A_109 = arith.addi %add3A_108, %iota3A : vector<16xi32>
      tpu.vector_store_idx %arg17[%add3A_109, %broadcast_in_dim3A_3], %get3A_104 : memref<2048x2xf32, #tpu.memory_space<vmem>>[vector<16xi32>, vector<16xi32>], vector<16xf32>,
      tpu.vector_store_idx %arg17[%add3A_109, %broadcast_in_dim3A_5], %get3A_106 : memref<2048x2xf32, #tpu.memory_space<vmem>>[vector<16xi32>, vector<16xi32>], vector<16xf32>,
      %get3A_110 = arith.constant 320 : index
      %get3A_111 = tpu.vector_load %arg16[%get3A_110] {strides = array<i32>} : memref<4096xf32, #tpu.memory_space<vmem>>, vector<16xf32>,
      %get3A_112 = arith.constant 448 : index
      %get3A_113 = tpu.vector_load %arg16[%get3A_112] {strides = array<i32>} : memref<4096xf32, #tpu.memory_space<vmem>>, vector<16xf32>,
      %add3A_114 = arith.constant 192 : i32
      %add3A_115 = vector.broadcast %add3A_114 : i32 to vector<16xi32>
      %add3A_116 = arith.addi %add3A_115, %iota3A : vector<16xi32>
      tpu.vector_store_idx %arg17[%add3A_116, %broadcast_in_dim3A_3], %get3A_111 : memref<2048x2xf32, #tpu.memory_space<vmem>>[vector<16xi32>, vector<16xi32>], vector<16xf32>,
      tpu.vector_store_idx %arg17[%add3A_116, %broadcast_in_dim3A_5], %get3A_113 : memref<2048x2xf32, #tpu.memory_space<vmem>>[vector<16xi32>, vector<16xi32>], vector<16xf32>,
      %get3A_117 = arith.constant 336 : index
      %get3A_118 = tpu.vector_load %arg16[%get3A_117] {strides = array<i32>} : memref<4096xf32, #tpu.memory_space<vmem>>, vector<16xf32>,
      %get3A_119 = arith.constant 464 : index
      %get3A_120 = tpu.vector_load %arg16[%get3A_119] {strides = array<i32>} : memref<4096xf32, #tpu.memory_space<vmem>>, vector<16xf32>,
      %add3A_121 = arith.constant 208 : i32
      %add3A_122 = vector.broadcast %add3A_121 : i32 to vector<16xi32>
      %add3A_123 = arith.addi %add3A_122, %iota3A : vector<16xi32>
      tpu.vector_store_idx %arg17[%add3A_123, %broadcast_in_dim3A_3], %get3A_118 : memref<2048x2xf32, #tpu.memory_space<vmem>>[vector<16xi32>, vector<16xi32>], vector<16xf32>,
      tpu.vector_store_idx %arg17[%add3A_123, %broadcast_in_dim3A_5], %get3A_120 : memref<2048x2xf32, #tpu.memory_space<vmem>>[vector<16xi32>, vector<16xi32>], vector<16xf32>,
      %get3A_124 = arith.constant 352 : index
      %get3A_125 = tpu.vector_load %arg16[%get3A_124] {strides = array<i32>} : memref<4096xf32, #tpu.memory_space<vmem>>, vector<16xf32>,
      %get3A_126 = arith.constant 480 : index
      %get3A_127 = tpu.vector_load %arg16[%get3A_126] {strides = array<i32>} : memref<4096xf32, #tpu.memory_space<vmem>>, vector<16xf32>,
      %add3A_128 = arith.constant 224 : i32
      %add3A_129 = vector.broadcast %add3A_128 : i32 to vector<16xi32>
      %add3A_130 = arith.addi %add3A_129, %iota3A : vector<16xi32>
      tpu.vector_store_idx %arg17[%add3A_130, %broadcast_in_dim3A_3], %get3A_125 : memref<2048x2xf32, #tpu.memory_space<vmem>>[vector<16xi32>, vector<16xi32>], vector<16xf32>,
      tpu.vector_store_idx %arg17[%add3A_130, %broadcast_in_dim3A_5], %get3A_127 : memref<2048x2xf32, #tpu.memory_space<vmem>>[vector<16xi32>, vector<16xi32>], vector<16xf32>,
      %get3A_131 = arith.constant 368 : index
      %get3A_132 = tpu.vector_load %arg16[%get3A_131] {strides = array<i32>} : memref<4096xf32, #tpu.memory_space<vmem>>, vector<16xf32>,
      %get3A_133 = arith.constant 496 : index
      %get3A_134 = tpu.vector_load %arg16[%get3A_133] {strides = array<i32>} : memref<4096xf32, #tpu.memory_space<vmem>>, vector<16xf32>,
      %add3A_135 = arith.constant 240 : i32
      %add3A_136 = vector.broadcast %add3A_135 : i32 to vector<16xi32>
      %add3A_137 = arith.addi %add3A_136, %iota3A : vector<16xi32>
      tpu.vector_store_idx %arg17[%add3A_137, %broadcast_in_dim3A_3], %get3A_132 : memref<2048x2xf32, #tpu.memory_space<vmem>>[vector<16xi32>, vector<16xi32>], vector<16xf32>,
      tpu.vector_store_idx %arg17[%add3A_137, %broadcast_in_dim3A_5], %get3A_134 : memref<2048x2xf32, #tpu.memory_space<vmem>>[vector<16xi32>, vector<16xi32>], vector<16xf32>,
      %get3A_138 = arith.constant 512 : index
      %get3A_139 = tpu.vector_load %arg16[%get3A_138] {strides = array<i32>} : memref<4096xf32, #tpu.memory_space<vmem>>, vector<16xf32>,
      %get3A_140 = arith.constant 640 : index
      %get3A_141 = tpu.vector_load %arg16[%get3A_140] {strides = array<i32>} : memref<4096xf32, #tpu.memory_space<vmem>>, vector<16xf32>,
      %add3A_142 = arith.constant 256 : i32
      %add3A_143 = vector.broadcast %add3A_142 : i32 to vector<16xi32>
      %add3A_144 = arith.addi %add3A_143, %iota3A : vector<16xi32>
      tpu.vector_store_idx %arg17[%add3A_144, %broadcast_in_dim3A_3], %get3A_139 : memref<2048x2xf32, #tpu.memory_space<vmem>>[vector<16xi32>, vector<16xi32>], vector<16xf32>,
      tpu.vector_store_idx %arg17[%add3A_144, %broadcast_in_dim3A_5], %get3A_141 : memref<2048x2xf32, #tpu.memory_space<vmem>>[vector<16xi32>, vector<16xi32>], vector<16xf32>,
      %get3A_145 = arith.constant 528 : index
      %get3A_146 = tpu.vector_load %arg16[%get3A_145] {strides = array<i32>} : memref<4096xf32, #tpu.memory_space<vmem>>, vector<16xf32>,
      %get3A_147 = arith.constant 656 : index
      %get3A_148 = tpu.vector_load %arg16[%get3A_147] {strides = array<i32>} : memref<4096xf32, #tpu.memory_space<vmem>>, vector<16xf32>,
      %add3A_149 = arith.constant 272 : i32
      %add3A_150 = vector.broadcast %add3A_149 : i32 to vector<16xi32>
      %add3A_151 = arith.addi %add3A_150, %iota3A : vector<16xi32>
      tpu.vector_store_idx %arg17[%add3A_151, %broadcast_in_dim3A_3], %get3A_146 : memref<2048x2xf32, #tpu.memory_space<vmem>>[vector<16xi32>, vector<16xi32>], vector<16xf32>,
      tpu.vector_store_idx %arg17[%add3A_151, %broadcast_in_dim3A_5], %get3A_148 : memref<2048x2xf32, #tpu.memory_space<vmem>>[vector<16xi32>, vector<16xi32>], vector<16xf32>,
      %get3A_152 = arith.constant 544 : index
      %get3A_153 = tpu.vector_load %arg16[%get3A_152] {strides = array<i32>} : memref<4096xf32, #tpu.memory_space<vmem>>, vector<16xf32>,
      %get3A_154 = arith.constant 672 : index
      %get3A_155 = tpu.vector_load %arg16[%get3A_154] {strides = array<i32>} : memref<4096xf32, #tpu.memory_space<vmem>>, vector<16xf32>,
      %add3A_156 = arith.constant 288 : i32
      %add3A_157 = vector.broadcast %add3A_156 : i32 to vector<16xi32>
      %add3A_158 = arith.addi %add3A_157, %iota3A : vector<16xi32>
      tpu.vector_store_idx %arg17[%add3A_158, %broadcast_in_dim3A_3], %get3A_153 : memref<2048x2xf32, #tpu.memory_space<vmem>>[vector<16xi32>, vector<16xi32>], vector<16xf32>,
      tpu.vector_store_idx %arg17[%add3A_158, %broadcast_in_dim3A_5], %get3A_155 : memref<2048x2xf32, #tpu.memory_space<vmem>>[vector<16xi32>, vector<16xi32>], vector<16xf32>,
      %get3A_159 = arith.constant 560 : index
      %get3A_160 = tpu.vector_load %arg16[%get3A_159] {strides = array<i32>} : memref<4096xf32, #tpu.memory_space<vmem>>, vector<16xf32>,
      %get3A_161 = arith.constant 688 : index
      %get3A_162 = tpu.vector_load %arg16[%get3A_161] {strides = array<i32>} : memref<4096xf32, #tpu.memory_space<vmem>>, vector<16xf32>,
      %add3A_163 = arith.constant 304 : i32
      %add3A_164 = vector.broadcast %add3A_163 : i32 to vector<16xi32>
      %add3A_165 = arith.addi %add3A_164, %iota3A : vector<16xi32>
      tpu.vector_store_idx %arg17[%add3A_165, %broadcast_in_dim3A_3], %get3A_160 : memref<2048x2xf32, #tpu.memory_space<vmem>>[vector<16xi32>, vector<16xi32>], vector<16xf32>,
      tpu.vector_store_idx %arg17[%add3A_165, %broadcast_in_dim3A_5], %get3A_162 : memref<2048x2xf32, #tpu.memory_space<vmem>>[vector<16xi32>, vector<16xi32>], vector<16xf32>,
      %get3A_166 = arith.constant 576 : index
      %get3A_167 = tpu.vector_load %arg16[%get3A_166] {strides = array<i32>} : memref<4096xf32, #tpu.memory_space<vmem>>, vector<16xf32>,
      %get3A_168 = arith.constant 704 : index
      %get3A_169 = tpu.vector_load %arg16[%get3A_168] {strides = array<i32>} : memref<4096xf32, #tpu.memory_space<vmem>>, vector<16xf32>,
      %add3A_170 = arith.constant 320 : i32
      %add3A_171 = vector.broadcast %add3A_170 : i32 to vector<16xi32>
      %add3A_172 = arith.addi %add3A_171, %iota3A : vector<16xi32>
      tpu.vector_store_idx %arg17[%add3A_172, %broadcast_in_dim3A_3], %get3A_167 : memref<2048x2xf32, #tpu.memory_space<vmem>>[vector<16xi32>, vector<16xi32>], vector<16xf32>,
      tpu.vector_store_idx %arg17[%add3A_172, %broadcast_in_dim3A_5], %get3A_169 : memref<2048x2xf32, #tpu.memory_space<vmem>>[vector<16xi32>, vector<16xi32>], vector<16xf32>,
      %get3A_173 = arith.constant 592 : index
      %get3A_174 = tpu.vector_load %arg16[%get3A_173] {strides = array<i32>} : memref<4096xf32, #tpu.memory_space<vmem>>, vector<16xf32>,
      %get3A_175 = arith.constant 720 : index
      %get3A_176 = tpu.vector_load %arg16[%get3A_175] {strides = array<i32>} : memref<4096xf32, #tpu.memory_space<vmem>>, vector<16xf32>,
      %add3A_177 = arith.constant 336 : i32
      %add3A_178 = vector.broadcast %add3A_177 : i32 to vector<16xi32>
      %add3A_179 = arith.addi %add3A_178, %iota3A : vector<16xi32>
      tpu.vector_store_idx %arg17[%add3A_179, %broadcast_in_dim3A_3], %get3A_174 : memref<2048x2xf32, #tpu.memory_space<vmem>>[vector<16xi32>, vector<16xi32>], vector<16xf32>,
      tpu.vector_store_idx %arg17[%add3A_179, %broadcast_in_dim3A_5], %get3A_176 : memref<2048x2xf32, #tpu.memory_space<vmem>>[vector<16xi32>, vector<16xi32>], vector<16xf32>,
      %get3A_180 = arith.constant 608 : index
      %get3A_181 = tpu.vector_load %arg16[%get3A_180] {strides = array<i32>} : memref<4096xf32, #tpu.memory_space<vmem>>, vector<16xf32>,
      %get3A_182 = arith.constant 736 : index
      %get3A_183 = tpu.vector_load %arg16[%get3A_182] {strides = array<i32>} : memref<4096xf32, #tpu.memory_space<vmem>>, vector<16xf32>,
      %add3A_184 = arith.constant 352 : i32
      %add3A_185 = vector.broadcast %add3A_184 : i32 to vector<16xi32>
      %add3A_186 = arith.addi %add3A_185, %iota3A : vector<16xi32>
      tpu.vector_store_idx %arg17[%add3A_186, %broadcast_in_dim3A_3], %get3A_181 : memref<2048x2xf32, #tpu.memory_space<vmem>>[vector<16xi32>, vector<16xi32>], vector<16xf32>,
      tpu.vector_store_idx %arg17[%add3A_186, %broadcast_in_dim3A_5], %get3A_183 : memref<2048x2xf32, #tpu.memory_space<vmem>>[vector<16xi32>, vector<16xi32>], vector<16xf32>,
      %get3A_187 = arith.constant 624 : index
      %get3A_188 = tpu.vector_load %arg16[%get3A_187] {strides = array<i32>} : memref<4096xf32, #tpu.memory_space<vmem>>, vector<16xf32>,
      %get3A_189 = arith.constant 752 : index
      %get3A_190 = tpu.vector_load %arg16[%get3A_189] {strides = array<i32>} : memref<4096xf32, #tpu.memory_space<vmem>>, vector<16xf32>,
      %add3A_191 = arith.constant 368 : i32
      %add3A_192 = vector.broadcast %add3A_191 : i32 to vector<16xi32>
      %add3A_193 = arith.addi %add3A_192, %iota3A : vector<16xi32>
      tpu.vector_store_idx %arg17[%add3A_193, %broadcast_in_dim3A_3], %get3A_188 : memref<2048x2xf32, #tpu.memory_space<vmem>>[vector<16xi32>, vector<16xi32>], vector<16xf32>,
      tpu.vector_store_idx %arg17[%add3A_193, %broadcast_in_dim3A_5], %get3A_190 : memref<2048x2xf32, #tpu.memory_space<vmem>>[vector<16xi32>, vector<16xi32>], vector<16xf32>,
      %get3A_194 = arith.constant 768 : index
      %get3A_195 = tpu.vector_load %arg16[%get3A_194] {strides = array<i32>} : memref<4096xf32, #tpu.memory_space<vmem>>, vector<16xf32>,
      %get3A_196 = arith.constant 896 : index
      %get3A_197 = tpu.vector_load %arg16[%get3A_196] {strides = array<i32>} : memref<4096xf32, #tpu.memory_space<vmem>>, vector<16xf32>,
      %add3A_198 = arith.constant 384 : i32
      %add3A_199 = vector.broadcast %add3A_198 : i32 to vector<16xi32>
      %add3A_200 = arith.addi %add3A_199, %iota3A : vector<16xi32>
      tpu.vector_store_idx %arg17[%add3A_200, %broadcast_in_dim3A_3], %get3A_195 : memref<2048x2xf32, #tpu.memory_space<vmem>>[vector<16xi32>, vector<16xi32>], vector<16xf32>,
      tpu.vector_store_idx %arg17[%add3A_200, %broadcast_in_dim3A_5], %get3A_197 : memref<2048x2xf32, #tpu.memory_space<vmem>>[vector<16xi32>, vector<16xi32>], vector<16xf32>,
      %get3A_201 = arith.constant 784 : index
      %get3A_202 = tpu.vector_load %arg16[%get3A_201] {strides = array<i32>} : memref<4096xf32, #tpu.memory_space<vmem>>, vector<16xf32>,
      %get3A_203 = arith.constant 912 : index
      %get3A_204 = tpu.vector_load %arg16[%get3A_203] {strides = array<i32>} : memref<4096xf32, #tpu.memory_space<vmem>>, vector<16xf32>,
      %add3A_205 = arith.constant 400 : i32
      %add3A_206 = vector.broadcast %add3A_205 : i32 to vector<16xi32>
      %add3A_207 = arith.addi %add3A_206, %iota3A : vector<16xi32>
      tpu.vector_store_idx %arg17[%add3A_207, %broadcast_in_dim3A_3], %get3A_202 : memref<2048x2xf32, #tpu.memory_space<vmem>>[vector<16xi32>, vector<16xi32>], vector<16xf32>,
      tpu.vector_store_idx %arg17[%add3A_207, %broadcast_in_dim3A_5], %get3A_204 : memref<2048x2xf32, #tpu.memory_space<vmem>>[vector<16xi32>, vector<16xi32>], vector<16xf32>,
      %get3A_208 = arith.constant 800 : index
      %get3A_209 = tpu.vector_load %arg16[%get3A_208] {strides = array<i32>} : memref<4096xf32, #tpu.memory_space<vmem>>, vector<16xf32>,
      %get3A_210 = arith.constant 928 : index
      %get3A_211 = tpu.vector_load %arg16[%get3A_210] {strides = array<i32>} : memref<4096xf32, #tpu.memory_space<vmem>>, vector<16xf32>,
      %add3A_212 = arith.constant 416 : i32
      %add3A_213 = vector.broadcast %add3A_212 : i32 to vector<16xi32>
      %add3A_214 = arith.addi %add3A_213, %iota3A : vector<16xi32>
      tpu.vector_store_idx %arg17[%add3A_214, %broadcast_in_dim3A_3], %get3A_209 : memref<2048x2xf32, #tpu.memory_space<vmem>>[vector<16xi32>, vector<16xi32>], vector<16xf32>,
      tpu.vector_store_idx %arg17[%add3A_214, %broadcast_in_dim3A_5], %get3A_211 : memref<2048x2xf32, #tpu.memory_space<vmem>>[vector<16xi32>, vector<16xi32>], vector<16xf32>,
      %get3A_215 = arith.constant 816 : index
      %get3A_216 = tpu.vector_load %arg16[%get3A_215] {strides = array<i32>} : memref<4096xf32, #tpu.memory_space<vmem>>, vector<16xf32>,
      %get3A_217 = arith.constant 944 : index
      %get3A_218 = tpu.vector_load %arg16[%get3A_217] {strides = array<i32>} : memref<4096xf32, #tpu.memory_space<vmem>>, vector<16xf32>,
      %add3A_219 = arith.constant 432 : i32
      %add3A_220 = vector.broadcast %add3A_219 : i32 to vector<16xi32>
      %add3A_221 = arith.addi %add3A_220, %iota3A : vector<16xi32>
      tpu.vector_store_idx %arg17[%add3A_221, %broadcast_in_dim3A_3], %get3A_216 : memref<2048x2xf32, #tpu.memory_space<vmem>>[vector<16xi32>, vector<16xi32>], vector<16xf32>,
      tpu.vector_store_idx %arg17[%add3A_221, %broadcast_in_dim3A_5], %get3A_218 : memref<2048x2xf32, #tpu.memory_space<vmem>>[vector<16xi32>, vector<16xi32>], vector<16xf32>,
      %get3A_222 = arith.constant 832 : index
      %get3A_223 = tpu.vector_load %arg16[%get3A_222] {strides = array<i32>} : memref<4096xf32, #tpu.memory_space<vmem>>, vector<16xf32>,
      %get3A_224 = arith.constant 960 : index
      %get3A_225 = tpu.vector_load %arg16[%get3A_224] {strides = array<i32>} : memref<4096xf32, #tpu.memory_space<vmem>>, vector<16xf32>,
      %add3A_226 = arith.constant 448 : i32
      %add3A_227 = vector.broadcast %add3A_226 : i32 to vector<16xi32>
      %add3A_228 = arith.addi %add3A_227, %iota3A : vector<16xi32>
      tpu.vector_store_idx %arg17[%add3A_228, %broadcast_in_dim3A_3], %get3A_223 : memref<2048x2xf32, #tpu.memory_space<vmem>>[vector<16xi32>, vector<16xi32>], vector<16xf32>,
      tpu.vector_store_idx %arg17[%add3A_228, %broadcast_in_dim3A_5], %get3A_225 : memref<2048x2xf32, #tpu.memory_space<vmem>>[vector<16xi32>, vector<16xi32>], vector<16xf32>,
      %get3A_229 = arith.constant 848 : index
      %get3A_230 = tpu.vector_load %arg16[%get3A_229] {strides = array<i32>} : memref<4096xf32, #tpu.memory_space<vmem>>, vector<16xf32>,
      %get3A_231 = arith.constant 976 : index
      %get3A_232 = tpu.vector_load %arg16[%get3A_231] {strides = array<i32>} : memref<4096xf32, #tpu.memory_space<vmem>>, vector<16xf32>,
      %add3A_233 = arith.constant 464 : i32
      %add3A_234 = vector.broadcast %add3A_233 : i32 to vector<16xi32>
      %add3A_235 = arith.addi %add3A_234, %iota3A : vector<16xi32>
      tpu.vector_store_idx %arg17[%add3A_235, %broadcast_in_dim3A_3], %get3A_230 : memref<2048x2xf32, #tpu.memory_space<vmem>>[vector<16xi32>, vector<16xi32>], vector<16xf32>,
      tpu.vector_store_idx %arg17[%add3A_235, %broadcast_in_dim3A_5], %get3A_232 : memref<2048x2xf32, #tpu.memory_space<vmem>>[vector<16xi32>, vector<16xi32>], vector<16xf32>,
      %get3A_236 = arith.constant 864 : index
      %get3A_237 = tpu.vector_load %arg16[%get3A_236] {strides = array<i32>} : memref<4096xf32, #tpu.memory_space<vmem>>, vector<16xf32>,
      %get3A_238 = arith.constant 992 : index
      %get3A_239 = tpu.vector_load %arg16[%get3A_238] {strides = array<i32>} : memref<4096xf32, #tpu.memory_space<vmem>>, vector<16xf32>,
      %add3A_240 = arith.constant 480 : i32
      %add3A_241 = vector.broadcast %add3A_240 : i32 to vector<16xi32>
      %add3A_242 = arith.addi %add3A_241, %iota3A : vector<16xi32>
      tpu.vector_store_idx %arg17[%add3A_242, %broadcast_in_dim3A_3], %get3A_237 : memref<2048x2xf32, #tpu.memory_space<vmem>>[vector<16xi32>, vector<16xi32>], vector<16xf32>,
      tpu.vector_store_idx %arg17[%add3A_242, %broadcast_in_dim3A_5], %get3A_239 : memref<2048x2xf32, #tpu.memory_space<vmem>>[vector<16xi32>, vector<16xi32>], vector<16xf32>,
      %get3A_243 = arith.constant 880 : index
      %get3A_244 = tpu.vector_load %arg16[%get3A_243] {strides = array<i32>} : memref<4096xf32, #tpu.memory_space<vmem>>, vector<16xf32>,
      %get3A_245 = arith.constant 1008 : index
      %get3A_246 = tpu.vector_load %arg16[%get3A_245] {strides = array<i32>} : memref<4096xf32, #tpu.memory_space<vmem>>, vector<16xf32>,
      %add3A_247 = arith.constant 496 : i32
      %add3A_248 = vector.broadcast %add3A_247 : i32 to vector<16xi32>
      %add3A_249 = arith.addi %add3A_248, %iota3A : vector<16xi32>
      tpu.vector_store_idx %arg17[%add3A_249, %broadcast_in_dim3A_3], %get3A_244 : memref<2048x2xf32, #tpu.memory_space<vmem>>[vector<16xi32>, vector<16xi32>], vector<16xf32>,
      tpu.vector_store_idx %arg17[%add3A_249, %broadcast_in_dim3A_5], %get3A_246 : memref<2048x2xf32, #tpu.memory_space<vmem>>[vector<16xi32>, vector<16xi32>], vector<16xf32>,
      %get3A_250 = arith.constant 1024 : index
      %get3A_251 = tpu.vector_load %arg16[%get3A_250] {strides = array<i32>} : memref<4096xf32, #tpu.memory_space<vmem>>, vector<16xf32>,
      %get3A_252 = arith.constant 1152 : index
      %get3A_253 = tpu.vector_load %arg16[%get3A_252] {strides = array<i32>} : memref<4096xf32, #tpu.memory_space<vmem>>, vector<16xf32>,
      %add3A_254 = arith.constant 512 : i32
      %add3A_255 = vector.broadcast %add3A_254 : i32 to vector<16xi32>
      %add3A_256 = arith.addi %add3A_255, %iota3A : vector<16xi32>
      tpu.vector_store_idx %arg17[%add3A_256, %broadcast_in_dim3A_3], %get3A_251 : memref<2048x2xf32, #tpu.memory_space<vmem>>[vector<16xi32>, vector<16xi32>], vector<16xf32>,
      tpu.vector_store_idx %arg17[%add3A_256, %broadcast_in_dim3A_5], %get3A_253 : memref<2048x2xf32, #tpu.memory_space<vmem>>[vector<16xi32>, vector<16xi32>], vector<16xf32>,
      %get3A_257 = arith.constant 1040 : index
      %get3A_258 = tpu.vector_load %arg16[%get3A_257] {strides = array<i32>} : memref<4096xf32, #tpu.memory_space<vmem>>, vector<16xf32>,
      %get3A_259 = arith.constant 1168 : index
      %get3A_260 = tpu.vector_load %arg16[%get3A_259] {strides = array<i32>} : memref<4096xf32, #tpu.memory_space<vmem>>, vector<16xf32>,
      %add3A_261 = arith.constant 528 : i32
      %add3A_262 = vector.broadcast %add3A_261 : i32 to vector<16xi32>
      %add3A_263 = arith.addi %add3A_262, %iota3A : vector<16xi32>
      tpu.vector_store_idx %arg17[%add3A_263, %broadcast_in_dim3A_3], %get3A_258 : memref<2048x2xf32, #tpu.memory_space<vmem>>[vector<16xi32>, vector<16xi32>], vector<16xf32>,
      tpu.vector_store_idx %arg17[%add3A_263, %broadcast_in_dim3A_5], %get3A_260 : memref<2048x2xf32, #tpu.memory_space<vmem>>[vector<16xi32>, vector<16xi32>], vector<16xf32>,
      %get3A_264 = arith.constant 1056 : index
      %get3A_265 = tpu.vector_load %arg16[%get3A_264] {strides = array<i32>} : memref<4096xf32, #tpu.memory_space<vmem>>, vector<16xf32>,
      %get3A_266 = arith.constant 1184 : index
      %get3A_267 = tpu.vector_load %arg16[%get3A_266] {strides = array<i32>} : memref<4096xf32, #tpu.memory_space<vmem>>, vector<16xf32>,
      %add3A_268 = arith.constant 544 : i32
      %add3A_269 = vector.broadcast %add3A_268 : i32 to vector<16xi32>
      %add3A_270 = arith.addi %add3A_269, %iota3A : vector<16xi32>
      tpu.vector_store_idx %arg17[%add3A_270, %broadcast_in_dim3A_3], %get3A_265 : memref<2048x2xf32, #tpu.memory_space<vmem>>[vector<16xi32>, vector<16xi32>], vector<16xf32>,
      tpu.vector_store_idx %arg17[%add3A_270, %broadcast_in_dim3A_5], %get3A_267 : memref<2048x2xf32, #tpu.memory_space<vmem>>[vector<16xi32>, vector<16xi32>], vector<16xf32>,
      %get3A_271 = arith.constant 1072 : index
      %get3A_272 = tpu.vector_load %arg16[%get3A_271] {strides = array<i32>} : memref<4096xf32, #tpu.memory_space<vmem>>, vector<16xf32>,
      %get3A_273 = arith.constant 1200 : index
      %get3A_274 = tpu.vector_load %arg16[%get3A_273] {strides = array<i32>} : memref<4096xf32, #tpu.memory_space<vmem>>, vector<16xf32>,
      %add3A_275 = arith.constant 560 : i32
      %add3A_276 = vector.broadcast %add3A_275 : i32 to vector<16xi32>
      %add3A_277 = arith.addi %add3A_276, %iota3A : vector<16xi32>
      tpu.vector_store_idx %arg17[%add3A_277, %broadcast_in_dim3A_3], %get3A_272 : memref<2048x2xf32, #tpu.memory_space<vmem>>[vector<16xi32>, vector<16xi32>], vector<16xf32>,
      tpu.vector_store_idx %arg17[%add3A_277, %broadcast_in_dim3A_5], %get3A_274 : memref<2048x2xf32, #tpu.memory_space<vmem>>[vector<16xi32>, vector<16xi32>], vector<16xf32>,
      %get3A_278 = arith.constant 1088 : index
      %get3A_279 = tpu.vector_load %arg16[%get3A_278] {strides = array<i32>} : memref<4096xf32, #tpu.memory_space<vmem>>, vector<16xf32>,
      %get3A_280 = arith.constant 1216 : index
      %get3A_281 = tpu.vector_load %arg16[%get3A_280] {strides = array<i32>} : memref<4096xf32, #tpu.memory_space<vmem>>, vector<16xf32>,
      %add3A_282 = arith.constant 576 : i32
      %add3A_283 = vector.broadcast %add3A_282 : i32 to vector<16xi32>
      %add3A_284 = arith.addi %add3A_283, %iota3A : vector<16xi32>
      tpu.vector_store_idx %arg17[%add3A_284, %broadcast_in_dim3A_3], %get3A_279 : memref<2048x2xf32, #tpu.memory_space<vmem>>[vector<16xi32>, vector<16xi32>], vector<16xf32>,
      tpu.vector_store_idx %arg17[%add3A_284, %broadcast_in_dim3A_5], %get3A_281 : memref<2048x2xf32, #tpu.memory_space<vmem>>[vector<16xi32>, vector<16xi32>], vector<16xf32>,
      %get3A_285 = arith.constant 1104 : index
      %get3A_286 = tpu.vector_load %arg16[%get3A_285] {strides = array<i32>} : memref<4096xf32, #tpu.memory_space<vmem>>, vector<16xf32>,
      %get3A_287 = arith.constant 1232 : index
      %get3A_288 = tpu.vector_load %arg16[%get3A_287] {strides = array<i32>} : memref<4096xf32, #tpu.memory_space<vmem>>, vector<16xf32>,
      %add3A_289 = arith.constant 592 : i32
      %add3A_290 = vector.broadcast %add3A_289 : i32 to vector<16xi32>
      %add3A_291 = arith.addi %add3A_290, %iota3A : vector<16xi32>
      tpu.vector_store_idx %arg17[%add3A_291, %broadcast_in_dim3A_3], %get3A_286 : memref<2048x2xf32, #tpu.memory_space<vmem>>[vector<16xi32>, vector<16xi32>], vector<16xf32>,
      tpu.vector_store_idx %arg17[%add3A_291, %broadcast_in_dim3A_5], %get3A_288 : memref<2048x2xf32, #tpu.memory_space<vmem>>[vector<16xi32>, vector<16xi32>], vector<16xf32>,
      %get3A_292 = arith.constant 1120 : index
      %get3A_293 = tpu.vector_load %arg16[%get3A_292] {strides = array<i32>} : memref<4096xf32, #tpu.memory_space<vmem>>, vector<16xf32>,
      %get3A_294 = arith.constant 1248 : index
      %get3A_295 = tpu.vector_load %arg16[%get3A_294] {strides = array<i32>} : memref<4096xf32, #tpu.memory_space<vmem>>, vector<16xf32>,
      %add3A_296 = arith.constant 608 : i32
      %add3A_297 = vector.broadcast %add3A_296 : i32 to vector<16xi32>
      %add3A_298 = arith.addi %add3A_297, %iota3A : vector<16xi32>
      tpu.vector_store_idx %arg17[%add3A_298, %broadcast_in_dim3A_3], %get3A_293 : memref<2048x2xf32, #tpu.memory_space<vmem>>[vector<16xi32>, vector<16xi32>], vector<16xf32>,
      tpu.vector_store_idx %arg17[%add3A_298, %broadcast_in_dim3A_5], %get3A_295 : memref<2048x2xf32, #tpu.memory_space<vmem>>[vector<16xi32>, vector<16xi32>], vector<16xf32>,
      %get3A_299 = arith.constant 1136 : index
      %get3A_300 = tpu.vector_load %arg16[%get3A_299] {strides = array<i32>} : memref<4096xf32, #tpu.memory_space<vmem>>, vector<16xf32>,
      %get3A_301 = arith.constant 1264 : index
      %get3A_302 = tpu.vector_load %arg16[%get3A_301] {strides = array<i32>} : memref<4096xf32, #tpu.memory_space<vmem>>, vector<16xf32>,
      %add3A_303 = arith.constant 624 : i32
      %add3A_304 = vector.broadcast %add3A_303 : i32 to vector<16xi32>
      %add3A_305 = arith.addi %add3A_304, %iota3A : vector<16xi32>
      tpu.vector_store_idx %arg17[%add3A_305, %broadcast_in_dim3A_3], %get3A_300 : memref<2048x2xf32, #tpu.memory_space<vmem>>[vector<16xi32>, vector<16xi32>], vector<16xf32>,
      tpu.vector_store_idx %arg17[%add3A_305, %broadcast_in_dim3A_5], %get3A_302 : memref<2048x2xf32, #tpu.memory_space<vmem>>[vector<16xi32>, vector<16xi32>], vector<16xf32>,
      %get3A_306 = arith.constant 1280 : index
      %get3A_307 = tpu.vector_load %arg16[%get3A_306] {strides = array<i32>} : memref<4096xf32, #tpu.memory_space<vmem>>, vector<16xf32>,
      %get3A_308 = arith.constant 1408 : index
      %get3A_309 = tpu.vector_load %arg16[%get3A_308] {strides = array<i32>} : memref<4096xf32, #tpu.memory_space<vmem>>, vector<16xf32>,
      %add3A_310 = arith.constant 640 : i32
      %add3A_311 = vector.broadcast %add3A_310 : i32 to vector<16xi32>
      %add3A_312 = arith.addi %add3A_311, %iota3A : vector<16xi32>
      tpu.vector_store_idx %arg17[%add3A_312, %broadcast_in_dim3A_3], %get3A_307 : memref<2048x2xf32, #tpu.memory_space<vmem>>[vector<16xi32>, vector<16xi32>], vector<16xf32>,
      tpu.vector_store_idx %arg17[%add3A_312, %broadcast_in_dim3A_5], %get3A_309 : memref<2048x2xf32, #tpu.memory_space<vmem>>[vector<16xi32>, vector<16xi32>], vector<16xf32>,
      %get3A_313 = arith.constant 1296 : index
      %get3A_314 = tpu.vector_load %arg16[%get3A_313] {strides = array<i32>} : memref<4096xf32, #tpu.memory_space<vmem>>, vector<16xf32>,
      %get3A_315 = arith.constant 1424 : index
      %get3A_316 = tpu.vector_load %arg16[%get3A_315] {strides = array<i32>} : memref<4096xf32, #tpu.memory_space<vmem>>, vector<16xf32>,
      %add3A_317 = arith.constant 656 : i32
      %add3A_318 = vector.broadcast %add3A_317 : i32 to vector<16xi32>
      %add3A_319 = arith.addi %add3A_318, %iota3A : vector<16xi32>
      tpu.vector_store_idx %arg17[%add3A_319, %broadcast_in_dim3A_3], %get3A_314 : memref<2048x2xf32, #tpu.memory_space<vmem>>[vector<16xi32>, vector<16xi32>], vector<16xf32>,
      tpu.vector_store_idx %arg17[%add3A_319, %broadcast_in_dim3A_5], %get3A_316 : memref<2048x2xf32, #tpu.memory_space<vmem>>[vector<16xi32>, vector<16xi32>], vector<16xf32>,
      %get3A_320 = arith.constant 1312 : index
      %get3A_321 = tpu.vector_load %arg16[%get3A_320] {strides = array<i32>} : memref<4096xf32, #tpu.memory_space<vmem>>, vector<16xf32>,
      %get3A_322 = arith.constant 1440 : index
      %get3A_323 = tpu.vector_load %arg16[%get3A_322] {strides = array<i32>} : memref<4096xf32, #tpu.memory_space<vmem>>, vector<16xf32>,
      %add3A_324 = arith.constant 672 : i32
      %add3A_325 = vector.broadcast %add3A_324 : i32 to vector<16xi32>
      %add3A_326 = arith.addi %add3A_325, %iota3A : vector<16xi32>
      tpu.vector_store_idx %arg17[%add3A_326, %broadcast_in_dim3A_3], %get3A_321 : memref<2048x2xf32, #tpu.memory_space<vmem>>[vector<16xi32>, vector<16xi32>], vector<16xf32>,
      tpu.vector_store_idx %arg17[%add3A_326, %broadcast_in_dim3A_5], %get3A_323 : memref<2048x2xf32, #tpu.memory_space<vmem>>[vector<16xi32>, vector<16xi32>], vector<16xf32>,
      %get3A_327 = arith.constant 1328 : index
      %get3A_328 = tpu.vector_load %arg16[%get3A_327] {strides = array<i32>} : memref<4096xf32, #tpu.memory_space<vmem>>, vector<16xf32>,
      %get3A_329 = arith.constant 1456 : index
      %get3A_330 = tpu.vector_load %arg16[%get3A_329] {strides = array<i32>} : memref<4096xf32, #tpu.memory_space<vmem>>, vector<16xf32>,
      %add3A_331 = arith.constant 688 : i32
      %add3A_332 = vector.broadcast %add3A_331 : i32 to vector<16xi32>
      %add3A_333 = arith.addi %add3A_332, %iota3A : vector<16xi32>
      tpu.vector_store_idx %arg17[%add3A_333, %broadcast_in_dim3A_3], %get3A_328 : memref<2048x2xf32, #tpu.memory_space<vmem>>[vector<16xi32>, vector<16xi32>], vector<16xf32>,
      tpu.vector_store_idx %arg17[%add3A_333, %broadcast_in_dim3A_5], %get3A_330 : memref<2048x2xf32, #tpu.memory_space<vmem>>[vector<16xi32>, vector<16xi32>], vector<16xf32>,
      %get3A_334 = arith.constant 1344 : index
      %get3A_335 = tpu.vector_load %arg16[%get3A_334] {strides = array<i32>} : memref<4096xf32, #tpu.memory_space<vmem>>, vector<16xf32>,
      %get3A_336 = arith.constant 1472 : index
      %get3A_337 = tpu.vector_load %arg16[%get3A_336] {strides = array<i32>} : memref<4096xf32, #tpu.memory_space<vmem>>, vector<16xf32>,
      %add3A_338 = arith.constant 704 : i32
      %add3A_339 = vector.broadcast %add3A_338 : i32 to vector<16xi32>
      %add3A_340 = arith.addi %add3A_339, %iota3A : vector<16xi32>
      tpu.vector_store_idx %arg17[%add3A_340, %broadcast_in_dim3A_3], %get3A_335 : memref<2048x2xf32, #tpu.memory_space<vmem>>[vector<16xi32>, vector<16xi32>], vector<16xf32>,
      tpu.vector_store_idx %arg17[%add3A_340, %broadcast_in_dim3A_5], %get3A_337 : memref<2048x2xf32, #tpu.memory_space<vmem>>[vector<16xi32>, vector<16xi32>], vector<16xf32>,
      %get3A_341 = arith.constant 1360 : index
      %get3A_342 = tpu.vector_load %arg16[%get3A_341] {strides = array<i32>} : memref<4096xf32, #tpu.memory_space<vmem>>, vector<16xf32>,
      %get3A_343 = arith.constant 1488 : index
      %get3A_344 = tpu.vector_load %arg16[%get3A_343] {strides = array<i32>} : memref<4096xf32, #tpu.memory_space<vmem>>, vector<16xf32>,
      %add3A_345 = arith.constant 720 : i32
      %add3A_346 = vector.broadcast %add3A_345 : i32 to vector<16xi32>
      %add3A_347 = arith.addi %add3A_346, %iota3A : vector<16xi32>
      tpu.vector_store_idx %arg17[%add3A_347, %broadcast_in_dim3A_3], %get3A_342 : memref<2048x2xf32, #tpu.memory_space<vmem>>[vector<16xi32>, vector<16xi32>], vector<16xf32>,
      tpu.vector_store_idx %arg17[%add3A_347, %broadcast_in_dim3A_5], %get3A_344 : memref<2048x2xf32, #tpu.memory_space<vmem>>[vector<16xi32>, vector<16xi32>], vector<16xf32>,
      %get3A_348 = arith.constant 1376 : index
      %get3A_349 = tpu.vector_load %arg16[%get3A_348] {strides = array<i32>} : memref<4096xf32, #tpu.memory_space<vmem>>, vector<16xf32>,
      %get3A_350 = arith.constant 1504 : index
      %get3A_351 = tpu.vector_load %arg16[%get3A_350] {strides = array<i32>} : memref<4096xf32, #tpu.memory_space<vmem>>, vector<16xf32>,
      %add3A_352 = arith.constant 736 : i32
      %add3A_353 = vector.broadcast %add3A_352 : i32 to vector<16xi32>
      %add3A_354 = arith.addi %add3A_353, %iota3A : vector<16xi32>
      tpu.vector_store_idx %arg17[%add3A_354, %broadcast_in_dim3A_3], %get3A_349 : memref<2048x2xf32, #tpu.memory_space<vmem>>[vector<16xi32>, vector<16xi32>], vector<16xf32>,
      tpu.vector_store_idx %arg17[%add3A_354, %broadcast_in_dim3A_5], %get3A_351 : memref<2048x2xf32, #tpu.memory_space<vmem>>[vector<16xi32>, vector<16xi32>], vector<16xf32>,
      %get3A_355 = arith.constant 1392 : index
      %get3A_356 = tpu.vector_load %arg16[%get3A_355] {strides = array<i32>} : memref<4096xf32, #tpu.memory_space<vmem>>, vector<16xf32>,
      %get3A_357 = arith.constant 1520 : index
      %get3A_358 = tpu.vector_load %arg16[%get3A_357] {strides = array<i32>} : memref<4096xf32, #tpu.memory_space<vmem>>, vector<16xf32>,
      %add3A_359 = arith.constant 752 : i32
      %add3A_360 = vector.broadcast %add3A_359 : i32 to vector<16xi32>
      %add3A_361 = arith.addi %add3A_360, %iota3A : vector<16xi32>
      tpu.vector_store_idx %arg17[%add3A_361, %broadcast_in_dim3A_3], %get3A_356 : memref<2048x2xf32, #tpu.memory_space<vmem>>[vector<16xi32>, vector<16xi32>], vector<16xf32>,
      tpu.vector_store_idx %arg17[%add3A_361, %broadcast_in_dim3A_5], %get3A_358 : memref<2048x2xf32, #tpu.memory_space<vmem>>[vector<16xi32>, vector<16xi32>], vector<16xf32>,
      %get3A_362 = arith.constant 1536 : index
      %get3A_363 = tpu.vector_load %arg16[%get3A_362] {strides = array<i32>} : memref<4096xf32, #tpu.memory_space<vmem>>, vector<16xf32>,
      %get3A_364 = arith.constant 1664 : index
      %get3A_365 = tpu.vector_load %arg16[%get3A_364] {strides = array<i32>} : memref<4096xf32, #tpu.memory_space<vmem>>, vector<16xf32>,
      %add3A_366 = arith.constant 768 : i32
      %add3A_367 = vector.broadcast %add3A_366 : i32 to vector<16xi32>
      %add3A_368 = arith.addi %add3A_367, %iota3A : vector<16xi32>
      tpu.vector_store_idx %arg17[%add3A_368, %broadcast_in_dim3A_3], %get3A_363 : memref<2048x2xf32, #tpu.memory_space<vmem>>[vector<16xi32>, vector<16xi32>], vector<16xf32>,
      tpu.vector_store_idx %arg17[%add3A_368, %broadcast_in_dim3A_5], %get3A_365 : memref<2048x2xf32, #tpu.memory_space<vmem>>[vector<16xi32>, vector<16xi32>], vector<16xf32>,
      %get3A_369 = arith.constant 1552 : index
      %get3A_370 = tpu.vector_load %arg16[%get3A_369] {strides = array<i32>} : memref<4096xf32, #tpu.memory_space<vmem>>, vector<16xf32>,
      %get3A_371 = arith.constant 1680 : index
      %get3A_372 = tpu.vector_load %arg16[%get3A_371] {strides = array<i32>} : memref<4096xf32, #tpu.memory_space<vmem>>, vector<16xf32>,
      %add3A_373 = arith.constant 784 : i32
      %add3A_374 = vector.broadcast %add3A_373 : i32 to vector<16xi32>
      %add3A_375 = arith.addi %add3A_374, %iota3A : vector<16xi32>
      tpu.vector_store_idx %arg17[%add3A_375, %broadcast_in_dim3A_3], %get3A_370 : memref<2048x2xf32, #tpu.memory_space<vmem>>[vector<16xi32>, vector<16xi32>], vector<16xf32>,
      tpu.vector_store_idx %arg17[%add3A_375, %broadcast_in_dim3A_5], %get3A_372 : memref<2048x2xf32, #tpu.memory_space<vmem>>[vector<16xi32>, vector<16xi32>], vector<16xf32>,
      %get3A_376 = arith.constant 1568 : index
      %get3A_377 = tpu.vector_load %arg16[%get3A_376] {strides = array<i32>} : memref<4096xf32, #tpu.memory_space<vmem>>, vector<16xf32>,
      %get3A_378 = arith.constant 1696 : index
      %get3A_379 = tpu.vector_load %arg16[%get3A_378] {strides = array<i32>} : memref<4096xf32, #tpu.memory_space<vmem>>, vector<16xf32>,
      %add3A_380 = arith.constant 800 : i32
      %add3A_381 = vector.broadcast %add3A_380 : i32 to vector<16xi32>
      %add3A_382 = arith.addi %add3A_381, %iota3A : vector<16xi32>
      tpu.vector_store_idx %arg17[%add3A_382, %broadcast_in_dim3A_3], %get3A_377 : memref<2048x2xf32, #tpu.memory_space<vmem>>[vector<16xi32>, vector<16xi32>], vector<16xf32>,
      tpu.vector_store_idx %arg17[%add3A_382, %broadcast_in_dim3A_5], %get3A_379 : memref<2048x2xf32, #tpu.memory_space<vmem>>[vector<16xi32>, vector<16xi32>], vector<16xf32>,
      %get3A_383 = arith.constant 1584 : index
      %get3A_384 = tpu.vector_load %arg16[%get3A_383] {strides = array<i32>} : memref<4096xf32, #tpu.memory_space<vmem>>, vector<16xf32>,
      %get3A_385 = arith.constant 1712 : index
      %get3A_386 = tpu.vector_load %arg16[%get3A_385] {strides = array<i32>} : memref<4096xf32, #tpu.memory_space<vmem>>, vector<16xf32>,
      %add3A_387 = arith.constant 816 : i32
      %add3A_388 = vector.broadcast %add3A_387 : i32 to vector<16xi32>
      %add3A_389 = arith.addi %add3A_388, %iota3A : vector<16xi32>
      tpu.vector_store_idx %arg17[%add3A_389, %broadcast_in_dim3A_3], %get3A_384 : memref<2048x2xf32, #tpu.memory_space<vmem>>[vector<16xi32>, vector<16xi32>], vector<16xf32>,
      tpu.vector_store_idx %arg17[%add3A_389, %broadcast_in_dim3A_5], %get3A_386 : memref<2048x2xf32, #tpu.memory_space<vmem>>[vector<16xi32>, vector<16xi32>], vector<16xf32>,
      %get3A_390 = arith.constant 1600 : index
      %get3A_391 = tpu.vector_load %arg16[%get3A_390] {strides = array<i32>} : memref<4096xf32, #tpu.memory_space<vmem>>, vector<16xf32>,
      %get3A_392 = arith.constant 1728 : index
      %get3A_393 = tpu.vector_load %arg16[%get3A_392] {strides = array<i32>} : memref<4096xf32, #tpu.memory_space<vmem>>, vector<16xf32>,
      %add3A_394 = arith.constant 832 : i32
      %add3A_395 = vector.broadcast %add3A_394 : i32 to vector<16xi32>
      %add3A_396 = arith.addi %add3A_395, %iota3A : vector<16xi32>
      tpu.vector_store_idx %arg17[%add3A_396, %broadcast_in_dim3A_3], %get3A_391 : memref<2048x2xf32, #tpu.memory_space<vmem>>[vector<16xi32>, vector<16xi32>], vector<16xf32>,
      tpu.vector_store_idx %arg17[%add3A_396, %broadcast_in_dim3A_5], %get3A_393 : memref<2048x2xf32, #tpu.memory_space<vmem>>[vector<16xi32>, vector<16xi32>], vector<16xf32>,
      %get3A_397 = arith.constant 1616 : index
      %get3A_398 = tpu.vector_load %arg16[%get3A_397] {strides = array<i32>} : memref<4096xf32, #tpu.memory_space<vmem>>, vector<16xf32>,
      %get3A_399 = arith.constant 1744 : index
      %get3A_400 = tpu.vector_load %arg16[%get3A_399] {strides = array<i32>} : memref<4096xf32, #tpu.memory_space<vmem>>, vector<16xf32>,
      %add3A_401 = arith.constant 848 : i32
      %add3A_402 = vector.broadcast %add3A_401 : i32 to vector<16xi32>
      %add3A_403 = arith.addi %add3A_402, %iota3A : vector<16xi32>
      tpu.vector_store_idx %arg17[%add3A_403, %broadcast_in_dim3A_3], %get3A_398 : memref<2048x2xf32, #tpu.memory_space<vmem>>[vector<16xi32>, vector<16xi32>], vector<16xf32>,
      tpu.vector_store_idx %arg17[%add3A_403, %broadcast_in_dim3A_5], %get3A_400 : memref<2048x2xf32, #tpu.memory_space<vmem>>[vector<16xi32>, vector<16xi32>], vector<16xf32>,
      %get3A_404 = arith.constant 1632 : index
      %get3A_405 = tpu.vector_load %arg16[%get3A_404] {strides = array<i32>} : memref<4096xf32, #tpu.memory_space<vmem>>, vector<16xf32>,
      %get3A_406 = arith.constant 1760 : index
      %get3A_407 = tpu.vector_load %arg16[%get3A_406] {strides = array<i32>} : memref<4096xf32, #tpu.memory_space<vmem>>, vector<16xf32>,
      %add3A_408 = arith.constant 864 : i32
      %add3A_409 = vector.broadcast %add3A_408 : i32 to vector<16xi32>
      %add3A_410 = arith.addi %add3A_409, %iota3A : vector<16xi32>
      tpu.vector_store_idx %arg17[%add3A_410, %broadcast_in_dim3A_3], %get3A_405 : memref<2048x2xf32, #tpu.memory_space<vmem>>[vector<16xi32>, vector<16xi32>], vector<16xf32>,
      tpu.vector_store_idx %arg17[%add3A_410, %broadcast_in_dim3A_5], %get3A_407 : memref<2048x2xf32, #tpu.memory_space<vmem>>[vector<16xi32>, vector<16xi32>], vector<16xf32>,
      %get3A_411 = arith.constant 1648 : index
      %get3A_412 = tpu.vector_load %arg16[%get3A_411] {strides = array<i32>} : memref<4096xf32, #tpu.memory_space<vmem>>, vector<16xf32>,
      %get3A_413 = arith.constant 1776 : index
      %get3A_414 = tpu.vector_load %arg16[%get3A_413] {strides = array<i32>} : memref<4096xf32, #tpu.memory_space<vmem>>, vector<16xf32>,
      %add3A_415 = arith.constant 880 : i32
      %add3A_416 = vector.broadcast %add3A_415 : i32 to vector<16xi32>
      %add3A_417 = arith.addi %add3A_416, %iota3A : vector<16xi32>
      tpu.vector_store_idx %arg17[%add3A_417, %broadcast_in_dim3A_3], %get3A_412 : memref<2048x2xf32, #tpu.memory_space<vmem>>[vector<16xi32>, vector<16xi32>], vector<16xf32>,
      tpu.vector_store_idx %arg17[%add3A_417, %broadcast_in_dim3A_5], %get3A_414 : memref<2048x2xf32, #tpu.memory_space<vmem>>[vector<16xi32>, vector<16xi32>], vector<16xf32>,
      %get3A_418 = arith.constant 1792 : index
      %get3A_419 = tpu.vector_load %arg16[%get3A_418] {strides = array<i32>} : memref<4096xf32, #tpu.memory_space<vmem>>, vector<16xf32>,
      %get3A_420 = arith.constant 1920 : index
      %get3A_421 = tpu.vector_load %arg16[%get3A_420] {strides = array<i32>} : memref<4096xf32, #tpu.memory_space<vmem>>, vector<16xf32>,
      %add3A_422 = arith.constant 896 : i32
      %add3A_423 = vector.broadcast %add3A_422 : i32 to vector<16xi32>
      %add3A_424 = arith.addi %add3A_423, %iota3A : vector<16xi32>
      tpu.vector_store_idx %arg17[%add3A_424, %broadcast_in_dim3A_3], %get3A_419 : memref<2048x2xf32, #tpu.memory_space<vmem>>[vector<16xi32>, vector<16xi32>], vector<16xf32>,
      tpu.vector_store_idx %arg17[%add3A_424, %broadcast_in_dim3A_5], %get3A_421 : memref<2048x2xf32, #tpu.memory_space<vmem>>[vector<16xi32>, vector<16xi32>], vector<16xf32>,
      %get3A_425 = arith.constant 1808 : index
      %get3A_426 = tpu.vector_load %arg16[%get3A_425] {strides = array<i32>} : memref<4096xf32, #tpu.memory_space<vmem>>, vector<16xf32>,
      %get3A_427 = arith.constant 1936 : index
      %get3A_428 = tpu.vector_load %arg16[%get3A_427] {strides = array<i32>} : memref<4096xf32, #tpu.memory_space<vmem>>, vector<16xf32>,
      %add3A_429 = arith.constant 912 : i32
      %add3A_430 = vector.broadcast %add3A_429 : i32 to vector<16xi32>
      %add3A_431 = arith.addi %add3A_430, %iota3A : vector<16xi32>
      tpu.vector_store_idx %arg17[%add3A_431, %broadcast_in_dim3A_3], %get3A_426 : memref<2048x2xf32, #tpu.memory_space<vmem>>[vector<16xi32>, vector<16xi32>], vector<16xf32>,
      tpu.vector_store_idx %arg17[%add3A_431, %broadcast_in_dim3A_5], %get3A_428 : memref<2048x2xf32, #tpu.memory_space<vmem>>[vector<16xi32>, vector<16xi32>], vector<16xf32>,
      %get3A_432 = arith.constant 1824 : index
      %get3A_433 = tpu.vector_load %arg16[%get3A_432] {strides = array<i32>} : memref<4096xf32, #tpu.memory_space<vmem>>, vector<16xf32>,
      %get3A_434 = arith.constant 1952 : index
      %get3A_435 = tpu.vector_load %arg16[%get3A_434] {strides = array<i32>} : memref<4096xf32, #tpu.memory_space<vmem>>, vector<16xf32>,
      %add3A_436 = arith.constant 928 : i32
      %add3A_437 = vector.broadcast %add3A_436 : i32 to vector<16xi32>
      %add3A_438 = arith.addi %add3A_437, %iota3A : vector<16xi32>
      tpu.vector_store_idx %arg17[%add3A_438, %broadcast_in_dim3A_3], %get3A_433 : memref<2048x2xf32, #tpu.memory_space<vmem>>[vector<16xi32>, vector<16xi32>], vector<16xf32>,
      tpu.vector_store_idx %arg17[%add3A_438, %broadcast_in_dim3A_5], %get3A_435 : memref<2048x2xf32, #tpu.memory_space<vmem>>[vector<16xi32>, vector<16xi32>], vector<16xf32>,
      %get3A_439 = arith.constant 1840 : index
      %get3A_440 = tpu.vector_load %arg16[%get3A_439] {strides = array<i32>} : memref<4096xf32, #tpu.memory_space<vmem>>, vector<16xf32>,
      %get3A_441 = arith.constant 1968 : index
      %get3A_442 = tpu.vector_load %arg16[%get3A_441] {strides = array<i32>} : memref<4096xf32, #tpu.memory_space<vmem>>, vector<16xf32>,
      %add3A_443 = arith.constant 944 : i32
      %add3A_444 = vector.broadcast %add3A_443 : i32 to vector<16xi32>
      %add3A_445 = arith.addi %add3A_444, %iota3A : vector<16xi32>
      tpu.vector_store_idx %arg17[%add3A_445, %broadcast_in_dim3A_3], %get3A_440 : memref<2048x2xf32, #tpu.memory_space<vmem>>[vector<16xi32>, vector<16xi32>], vector<16xf32>,
      tpu.vector_store_idx %arg17[%add3A_445, %broadcast_in_dim3A_5], %get3A_442 : memref<2048x2xf32, #tpu.memory_space<vmem>>[vector<16xi32>, vector<16xi32>], vector<16xf32>,
      %get3A_446 = arith.constant 1856 : index
      %get3A_447 = tpu.vector_load %arg16[%get3A_446] {strides = array<i32>} : memref<4096xf32, #tpu.memory_space<vmem>>, vector<16xf32>,
      %get3A_448 = arith.constant 1984 : index
      %get3A_449 = tpu.vector_load %arg16[%get3A_448] {strides = array<i32>} : memref<4096xf32, #tpu.memory_space<vmem>>, vector<16xf32>,
      %add3A_450 = arith.constant 960 : i32
      %add3A_451 = vector.broadcast %add3A_450 : i32 to vector<16xi32>
      %add3A_452 = arith.addi %add3A_451, %iota3A : vector<16xi32>
      tpu.vector_store_idx %arg17[%add3A_452, %broadcast_in_dim3A_3], %get3A_447 : memref<2048x2xf32, #tpu.memory_space<vmem>>[vector<16xi32>, vector<16xi32>], vector<16xf32>,
      tpu.vector_store_idx %arg17[%add3A_452, %broadcast_in_dim3A_5], %get3A_449 : memref<2048x2xf32, #tpu.memory_space<vmem>>[vector<16xi32>, vector<16xi32>], vector<16xf32>,
      %get3A_453 = arith.constant 1872 : index
      %get3A_454 = tpu.vector_load %arg16[%get3A_453] {strides = array<i32>} : memref<4096xf32, #tpu.memory_space<vmem>>, vector<16xf32>,
      %get3A_455 = arith.constant 2000 : index
      %get3A_456 = tpu.vector_load %arg16[%get3A_455] {strides = array<i32>} : memref<4096xf32, #tpu.memory_space<vmem>>, vector<16xf32>,
      %add3A_457 = arith.constant 976 : i32
      %add3A_458 = vector.broadcast %add3A_457 : i32 to vector<16xi32>
      %add3A_459 = arith.addi %add3A_458, %iota3A : vector<16xi32>
      tpu.vector_store_idx %arg17[%add3A_459, %broadcast_in_dim3A_3], %get3A_454 : memref<2048x2xf32, #tpu.memory_space<vmem>>[vector<16xi32>, vector<16xi32>], vector<16xf32>,
      tpu.vector_store_idx %arg17[%add3A_459, %broadcast_in_dim3A_5], %get3A_456 : memref<2048x2xf32, #tpu.memory_space<vmem>>[vector<16xi32>, vector<16xi32>], vector<16xf32>,
      %get3A_460 = arith.constant 1888 : index
      %get3A_461 = tpu.vector_load %arg16[%get3A_460] {strides = array<i32>} : memref<4096xf32, #tpu.memory_space<vmem>>, vector<16xf32>,
      %get3A_462 = arith.constant 2016 : index
      %get3A_463 = tpu.vector_load %arg16[%get3A_462] {strides = array<i32>} : memref<4096xf32, #tpu.memory_space<vmem>>, vector<16xf32>,
      %add3A_464 = arith.constant 992 : i32
      %add3A_465 = vector.broadcast %add3A_464 : i32 to vector<16xi32>
      %add3A_466 = arith.addi %add3A_465, %iota3A : vector<16xi32>
      tpu.vector_store_idx %arg17[%add3A_466, %broadcast_in_dim3A_3], %get3A_461 : memref<2048x2xf32, #tpu.memory_space<vmem>>[vector<16xi32>, vector<16xi32>], vector<16xf32>,
      tpu.vector_store_idx %arg17[%add3A_466, %broadcast_in_dim3A_5], %get3A_463 : memref<2048x2xf32, #tpu.memory_space<vmem>>[vector<16xi32>, vector<16xi32>], vector<16xf32>,
      %get3A_467 = arith.constant 1904 : index
      %get3A_468 = tpu.vector_load %arg16[%get3A_467] {strides = array<i32>} : memref<4096xf32, #tpu.memory_space<vmem>>, vector<16xf32>,
      %get3A_469 = arith.constant 2032 : index
      %get3A_470 = tpu.vector_load %arg16[%get3A_469] {strides = array<i32>} : memref<4096xf32, #tpu.memory_space<vmem>>, vector<16xf32>,
      %add3A_471 = arith.constant 1008 : i32
      %add3A_472 = vector.broadcast %add3A_471 : i32 to vector<16xi32>
      %add3A_473 = arith.addi %add3A_472, %iota3A : vector<16xi32>
      tpu.vector_store_idx %arg17[%add3A_473, %broadcast_in_dim3A_3], %get3A_468 : memref<2048x2xf32, #tpu.memory_space<vmem>>[vector<16xi32>, vector<16xi32>], vector<16xf32>,
      tpu.vector_store_idx %arg17[%add3A_473, %broadcast_in_dim3A_5], %get3A_470 : memref<2048x2xf32, #tpu.memory_space<vmem>>[vector<16xi32>, vector<16xi32>], vector<16xf32>,
      %get3A_474 = arith.constant 2048 : index
      %get3A_475 = tpu.vector_load %arg16[%get3A_474] {strides = array<i32>} : memref<4096xf32, #tpu.memory_space<vmem>>, vector<16xf32>,
      %get3A_476 = arith.constant 2176 : index
      %get3A_477 = tpu.vector_load %arg16[%get3A_476] {strides = array<i32>} : memref<4096xf32, #tpu.memory_space<vmem>>, vector<16xf32>,
      %add3A_478 = arith.constant 1024 : i32
      %add3A_479 = vector.broadcast %add3A_478 : i32 to vector<16xi32>
      %add3A_480 = arith.addi %add3A_479, %iota3A : vector<16xi32>
      tpu.vector_store_idx %arg17[%add3A_480, %broadcast_in_dim3A_3], %get3A_475 : memref<2048x2xf32, #tpu.memory_space<vmem>>[vector<16xi32>, vector<16xi32>], vector<16xf32>,
      tpu.vector_store_idx %arg17[%add3A_480, %broadcast_in_dim3A_5], %get3A_477 : memref<2048x2xf32, #tpu.memory_space<vmem>>[vector<16xi32>, vector<16xi32>], vector<16xf32>,
      %get3A_481 = arith.constant 2064 : index
      %get3A_482 = tpu.vector_load %arg16[%get3A_481] {strides = array<i32>} : memref<4096xf32, #tpu.memory_space<vmem>>, vector<16xf32>,
      %get3A_483 = arith.constant 2192 : index
      %get3A_484 = tpu.vector_load %arg16[%get3A_483] {strides = array<i32>} : memref<4096xf32, #tpu.memory_space<vmem>>, vector<16xf32>,
      %add3A_485 = arith.constant 1040 : i32
      %add3A_486 = vector.broadcast %add3A_485 : i32 to vector<16xi32>
      %add3A_487 = arith.addi %add3A_486, %iota3A : vector<16xi32>
      tpu.vector_store_idx %arg17[%add3A_487, %broadcast_in_dim3A_3], %get3A_482 : memref<2048x2xf32, #tpu.memory_space<vmem>>[vector<16xi32>, vector<16xi32>], vector<16xf32>,
      tpu.vector_store_idx %arg17[%add3A_487, %broadcast_in_dim3A_5], %get3A_484 : memref<2048x2xf32, #tpu.memory_space<vmem>>[vector<16xi32>, vector<16xi32>], vector<16xf32>,
      %get3A_488 = arith.constant 2080 : index
      %get3A_489 = tpu.vector_load %arg16[%get3A_488] {strides = array<i32>} : memref<4096xf32, #tpu.memory_space<vmem>>, vector<16xf32>,
      %get3A_490 = arith.constant 2208 : index
      %get3A_491 = tpu.vector_load %arg16[%get3A_490] {strides = array<i32>} : memref<4096xf32, #tpu.memory_space<vmem>>, vector<16xf32>,
      %add3A_492 = arith.constant 1056 : i32
      %add3A_493 = vector.broadcast %add3A_492 : i32 to vector<16xi32>
      %add3A_494 = arith.addi %add3A_493, %iota3A : vector<16xi32>
      tpu.vector_store_idx %arg17[%add3A_494, %broadcast_in_dim3A_3], %get3A_489 : memref<2048x2xf32, #tpu.memory_space<vmem>>[vector<16xi32>, vector<16xi32>], vector<16xf32>,
      tpu.vector_store_idx %arg17[%add3A_494, %broadcast_in_dim3A_5], %get3A_491 : memref<2048x2xf32, #tpu.memory_space<vmem>>[vector<16xi32>, vector<16xi32>], vector<16xf32>,
      %get3A_495 = arith.constant 2096 : index
      %get3A_496 = tpu.vector_load %arg16[%get3A_495] {strides = array<i32>} : memref<4096xf32, #tpu.memory_space<vmem>>, vector<16xf32>,
      %get3A_497 = arith.constant 2224 : index
      %get3A_498 = tpu.vector_load %arg16[%get3A_497] {strides = array<i32>} : memref<4096xf32, #tpu.memory_space<vmem>>, vector<16xf32>,
      %add3A_499 = arith.constant 1072 : i32
      %add3A_500 = vector.broadcast %add3A_499 : i32 to vector<16xi32>
      %add3A_501 = arith.addi %add3A_500, %iota3A : vector<16xi32>
      tpu.vector_store_idx %arg17[%add3A_501, %broadcast_in_dim3A_3], %get3A_496 : memref<2048x2xf32, #tpu.memory_space<vmem>>[vector<16xi32>, vector<16xi32>], vector<16xf32>,
      tpu.vector_store_idx %arg17[%add3A_501, %broadcast_in_dim3A_5], %get3A_498 : memref<2048x2xf32, #tpu.memory_space<vmem>>[vector<16xi32>, vector<16xi32>], vector<16xf32>,
      %get3A_502 = arith.constant 2112 : index
      %get3A_503 = tpu.vector_load %arg16[%get3A_502] {strides = array<i32>} : memref<4096xf32, #tpu.memory_space<vmem>>, vector<16xf32>,
      %get3A_504 = arith.constant 2240 : index
      %get3A_505 = tpu.vector_load %arg16[%get3A_504] {strides = array<i32>} : memref<4096xf32, #tpu.memory_space<vmem>>, vector<16xf32>,
      %add3A_506 = arith.constant 1088 : i32
      %add3A_507 = vector.broadcast %add3A_506 : i32 to vector<16xi32>
      %add3A_508 = arith.addi %add3A_507, %iota3A : vector<16xi32>
      tpu.vector_store_idx %arg17[%add3A_508, %broadcast_in_dim3A_3], %get3A_503 : memref<2048x2xf32, #tpu.memory_space<vmem>>[vector<16xi32>, vector<16xi32>], vector<16xf32>,
      tpu.vector_store_idx %arg17[%add3A_508, %broadcast_in_dim3A_5], %get3A_505 : memref<2048x2xf32, #tpu.memory_space<vmem>>[vector<16xi32>, vector<16xi32>], vector<16xf32>,
      %get3A_509 = arith.constant 2128 : index
      %get3A_510 = tpu.vector_load %arg16[%get3A_509] {strides = array<i32>} : memref<4096xf32, #tpu.memory_space<vmem>>, vector<16xf32>,
      %get3A_511 = arith.constant 2256 : index
      %get3A_512 = tpu.vector_load %arg16[%get3A_511] {strides = array<i32>} : memref<4096xf32, #tpu.memory_space<vmem>>, vector<16xf32>,
      %add3A_513 = arith.constant 1104 : i32
      %add3A_514 = vector.broadcast %add3A_513 : i32 to vector<16xi32>
      %add3A_515 = arith.addi %add3A_514, %iota3A : vector<16xi32>
      tpu.vector_store_idx %arg17[%add3A_515, %broadcast_in_dim3A_3], %get3A_510 : memref<2048x2xf32, #tpu.memory_space<vmem>>[vector<16xi32>, vector<16xi32>], vector<16xf32>,
      tpu.vector_store_idx %arg17[%add3A_515, %broadcast_in_dim3A_5], %get3A_512 : memref<2048x2xf32, #tpu.memory_space<vmem>>[vector<16xi32>, vector<16xi32>], vector<16xf32>,
      %get3A_516 = arith.constant 2144 : index
      %get3A_517 = tpu.vector_load %arg16[%get3A_516] {strides = array<i32>} : memref<4096xf32, #tpu.memory_space<vmem>>, vector<16xf32>,
      %get3A_518 = arith.constant 2272 : index
      %get3A_519 = tpu.vector_load %arg16[%get3A_518] {strides = array<i32>} : memref<4096xf32, #tpu.memory_space<vmem>>, vector<16xf32>,
      %add3A_520 = arith.constant 1120 : i32
      %add3A_521 = vector.broadcast %add3A_520 : i32 to vector<16xi32>
      %add3A_522 = arith.addi %add3A_521, %iota3A : vector<16xi32>
      tpu.vector_store_idx %arg17[%add3A_522, %broadcast_in_dim3A_3], %get3A_517 : memref<2048x2xf32, #tpu.memory_space<vmem>>[vector<16xi32>, vector<16xi32>], vector<16xf32>,
      tpu.vector_store_idx %arg17[%add3A_522, %broadcast_in_dim3A_5], %get3A_519 : memref<2048x2xf32, #tpu.memory_space<vmem>>[vector<16xi32>, vector<16xi32>], vector<16xf32>,
      %get3A_523 = arith.constant 2160 : index
      %get3A_524 = tpu.vector_load %arg16[%get3A_523] {strides = array<i32>} : memref<4096xf32, #tpu.memory_space<vmem>>, vector<16xf32>,
      %get3A_525 = arith.constant 2288 : index
      %get3A_526 = tpu.vector_load %arg16[%get3A_525] {strides = array<i32>} : memref<4096xf32, #tpu.memory_space<vmem>>, vector<16xf32>,
      %add3A_527 = arith.constant 1136 : i32
      %add3A_528 = vector.broadcast %add3A_527 : i32 to vector<16xi32>
      %add3A_529 = arith.addi %add3A_528, %iota3A : vector<16xi32>
      tpu.vector_store_idx %arg17[%add3A_529, %broadcast_in_dim3A_3], %get3A_524 : memref<2048x2xf32, #tpu.memory_space<vmem>>[vector<16xi32>, vector<16xi32>], vector<16xf32>,
      tpu.vector_store_idx %arg17[%add3A_529, %broadcast_in_dim3A_5], %get3A_526 : memref<2048x2xf32, #tpu.memory_space<vmem>>[vector<16xi32>, vector<16xi32>], vector<16xf32>,
      %get3A_530 = arith.constant 2304 : index
      %get3A_531 = tpu.vector_load %arg16[%get3A_530] {strides = array<i32>} : memref<4096xf32, #tpu.memory_space<vmem>>, vector<16xf32>,
      %get3A_532 = arith.constant 2432 : index
      %get3A_533 = tpu.vector_load %arg16[%get3A_532] {strides = array<i32>} : memref<4096xf32, #tpu.memory_space<vmem>>, vector<16xf32>,
      %add3A_534 = arith.constant 1152 : i32
      %add3A_535 = vector.broadcast %add3A_534 : i32 to vector<16xi32>
      %add3A_536 = arith.addi %add3A_535, %iota3A : vector<16xi32>
      tpu.vector_store_idx %arg17[%add3A_536, %broadcast_in_dim3A_3], %get3A_531 : memref<2048x2xf32, #tpu.memory_space<vmem>>[vector<16xi32>, vector<16xi32>], vector<16xf32>,
      tpu.vector_store_idx %arg17[%add3A_536, %broadcast_in_dim3A_5], %get3A_533 : memref<2048x2xf32, #tpu.memory_space<vmem>>[vector<16xi32>, vector<16xi32>], vector<16xf32>,
      %get3A_537 = arith.constant 2320 : index
      %get3A_538 = tpu.vector_load %arg16[%get3A_537] {strides = array<i32>} : memref<4096xf32, #tpu.memory_space<vmem>>, vector<16xf32>,
      %get3A_539 = arith.constant 2448 : index
      %get3A_540 = tpu.vector_load %arg16[%get3A_539] {strides = array<i32>} : memref<4096xf32, #tpu.memory_space<vmem>>, vector<16xf32>,
      %add3A_541 = arith.constant 1168 : i32
      %add3A_542 = vector.broadcast %add3A_541 : i32 to vector<16xi32>
      %add3A_543 = arith.addi %add3A_542, %iota3A : vector<16xi32>
      tpu.vector_store_idx %arg17[%add3A_543, %broadcast_in_dim3A_3], %get3A_538 : memref<2048x2xf32, #tpu.memory_space<vmem>>[vector<16xi32>, vector<16xi32>], vector<16xf32>,
      tpu.vector_store_idx %arg17[%add3A_543, %broadcast_in_dim3A_5], %get3A_540 : memref<2048x2xf32, #tpu.memory_space<vmem>>[vector<16xi32>, vector<16xi32>], vector<16xf32>,
      %get3A_544 = arith.constant 2336 : index
      %get3A_545 = tpu.vector_load %arg16[%get3A_544] {strides = array<i32>} : memref<4096xf32, #tpu.memory_space<vmem>>, vector<16xf32>,
      %get3A_546 = arith.constant 2464 : index
      %get3A_547 = tpu.vector_load %arg16[%get3A_546] {strides = array<i32>} : memref<4096xf32, #tpu.memory_space<vmem>>, vector<16xf32>,
      %add3A_548 = arith.constant 1184 : i32
      %add3A_549 = vector.broadcast %add3A_548 : i32 to vector<16xi32>
      %add3A_550 = arith.addi %add3A_549, %iota3A : vector<16xi32>
      tpu.vector_store_idx %arg17[%add3A_550, %broadcast_in_dim3A_3], %get3A_545 : memref<2048x2xf32, #tpu.memory_space<vmem>>[vector<16xi32>, vector<16xi32>], vector<16xf32>,
      tpu.vector_store_idx %arg17[%add3A_550, %broadcast_in_dim3A_5], %get3A_547 : memref<2048x2xf32, #tpu.memory_space<vmem>>[vector<16xi32>, vector<16xi32>], vector<16xf32>,
      %get3A_551 = arith.constant 2352 : index
      %get3A_552 = tpu.vector_load %arg16[%get3A_551] {strides = array<i32>} : memref<4096xf32, #tpu.memory_space<vmem>>, vector<16xf32>,
      %get3A_553 = arith.constant 2480 : index
      %get3A_554 = tpu.vector_load %arg16[%get3A_553] {strides = array<i32>} : memref<4096xf32, #tpu.memory_space<vmem>>, vector<16xf32>,
      %add3A_555 = arith.constant 1200 : i32
      %add3A_556 = vector.broadcast %add3A_555 : i32 to vector<16xi32>
      %add3A_557 = arith.addi %add3A_556, %iota3A : vector<16xi32>
      tpu.vector_store_idx %arg17[%add3A_557, %broadcast_in_dim3A_3], %get3A_552 : memref<2048x2xf32, #tpu.memory_space<vmem>>[vector<16xi32>, vector<16xi32>], vector<16xf32>,
      tpu.vector_store_idx %arg17[%add3A_557, %broadcast_in_dim3A_5], %get3A_554 : memref<2048x2xf32, #tpu.memory_space<vmem>>[vector<16xi32>, vector<16xi32>], vector<16xf32>,
      %get3A_558 = arith.constant 2368 : index
      %get3A_559 = tpu.vector_load %arg16[%get3A_558] {strides = array<i32>} : memref<4096xf32, #tpu.memory_space<vmem>>, vector<16xf32>,
      %get3A_560 = arith.constant 2496 : index
      %get3A_561 = tpu.vector_load %arg16[%get3A_560] {strides = array<i32>} : memref<4096xf32, #tpu.memory_space<vmem>>, vector<16xf32>,
      %add3A_562 = arith.constant 1216 : i32
      %add3A_563 = vector.broadcast %add3A_562 : i32 to vector<16xi32>
      %add3A_564 = arith.addi %add3A_563, %iota3A : vector<16xi32>
      tpu.vector_store_idx %arg17[%add3A_564, %broadcast_in_dim3A_3], %get3A_559 : memref<2048x2xf32, #tpu.memory_space<vmem>>[vector<16xi32>, vector<16xi32>], vector<16xf32>,
      tpu.vector_store_idx %arg17[%add3A_564, %broadcast_in_dim3A_5], %get3A_561 : memref<2048x2xf32, #tpu.memory_space<vmem>>[vector<16xi32>, vector<16xi32>], vector<16xf32>,
      %get3A_565 = arith.constant 2384 : index
      %get3A_566 = tpu.vector_load %arg16[%get3A_565] {strides = array<i32>} : memref<4096xf32, #tpu.memory_space<vmem>>, vector<16xf32>,
      %get3A_567 = arith.constant 2512 : index
      %get3A_568 = tpu.vector_load %arg16[%get3A_567] {strides = array<i32>} : memref<4096xf32, #tpu.memory_space<vmem>>, vector<16xf32>,
      %add3A_569 = arith.constant 1232 : i32
      %add3A_570 = vector.broadcast %add3A_569 : i32 to vector<16xi32>
      %add3A_571 = arith.addi %add3A_570, %iota3A : vector<16xi32>
      tpu.vector_store_idx %arg17[%add3A_571, %broadcast_in_dim3A_3], %get3A_566 : memref<2048x2xf32, #tpu.memory_space<vmem>>[vector<16xi32>, vector<16xi32>], vector<16xf32>,
      tpu.vector_store_idx %arg17[%add3A_571, %broadcast_in_dim3A_5], %get3A_568 : memref<2048x2xf32, #tpu.memory_space<vmem>>[vector<16xi32>, vector<16xi32>], vector<16xf32>,
      %get3A_572 = arith.constant 2400 : index
      %get3A_573 = tpu.vector_load %arg16[%get3A_572] {strides = array<i32>} : memref<4096xf32, #tpu.memory_space<vmem>>, vector<16xf32>,
      %get3A_574 = arith.constant 2528 : index
      %get3A_575 = tpu.vector_load %arg16[%get3A_574] {strides = array<i32>} : memref<4096xf32, #tpu.memory_space<vmem>>, vector<16xf32>,
      %add3A_576 = arith.constant 1248 : i32
      %add3A_577 = vector.broadcast %add3A_576 : i32 to vector<16xi32>
      %add3A_578 = arith.addi %add3A_577, %iota3A : vector<16xi32>
      tpu.vector_store_idx %arg17[%add3A_578, %broadcast_in_dim3A_3], %get3A_573 : memref<2048x2xf32, #tpu.memory_space<vmem>>[vector<16xi32>, vector<16xi32>], vector<16xf32>,
      tpu.vector_store_idx %arg17[%add3A_578, %broadcast_in_dim3A_5], %get3A_575 : memref<2048x2xf32, #tpu.memory_space<vmem>>[vector<16xi32>, vector<16xi32>], vector<16xf32>,
      %get3A_579 = arith.constant 2416 : index
      %get3A_580 = tpu.vector_load %arg16[%get3A_579] {strides = array<i32>} : memref<4096xf32, #tpu.memory_space<vmem>>, vector<16xf32>,
      %get3A_581 = arith.constant 2544 : index
      %get3A_582 = tpu.vector_load %arg16[%get3A_581] {strides = array<i32>} : memref<4096xf32, #tpu.memory_space<vmem>>, vector<16xf32>,
      %add3A_583 = arith.constant 1264 : i32
      %add3A_584 = vector.broadcast %add3A_583 : i32 to vector<16xi32>
      %add3A_585 = arith.addi %add3A_584, %iota3A : vector<16xi32>
      tpu.vector_store_idx %arg17[%add3A_585, %broadcast_in_dim3A_3], %get3A_580 : memref<2048x2xf32, #tpu.memory_space<vmem>>[vector<16xi32>, vector<16xi32>], vector<16xf32>,
      tpu.vector_store_idx %arg17[%add3A_585, %broadcast_in_dim3A_5], %get3A_582 : memref<2048x2xf32, #tpu.memory_space<vmem>>[vector<16xi32>, vector<16xi32>], vector<16xf32>,
      %get3A_586 = arith.constant 2560 : index
      %get3A_587 = tpu.vector_load %arg16[%get3A_586] {strides = array<i32>} : memref<4096xf32, #tpu.memory_space<vmem>>, vector<16xf32>,
      %get3A_588 = arith.constant 2688 : index
      %get3A_589 = tpu.vector_load %arg16[%get3A_588] {strides = array<i32>} : memref<4096xf32, #tpu.memory_space<vmem>>, vector<16xf32>,
      %add3A_590 = arith.constant 1280 : i32
      %add3A_591 = vector.broadcast %add3A_590 : i32 to vector<16xi32>
      %add3A_592 = arith.addi %add3A_591, %iota3A : vector<16xi32>
      tpu.vector_store_idx %arg17[%add3A_592, %broadcast_in_dim3A_3], %get3A_587 : memref<2048x2xf32, #tpu.memory_space<vmem>>[vector<16xi32>, vector<16xi32>], vector<16xf32>,
      tpu.vector_store_idx %arg17[%add3A_592, %broadcast_in_dim3A_5], %get3A_589 : memref<2048x2xf32, #tpu.memory_space<vmem>>[vector<16xi32>, vector<16xi32>], vector<16xf32>,
      %get3A_593 = arith.constant 2576 : index
      %get3A_594 = tpu.vector_load %arg16[%get3A_593] {strides = array<i32>} : memref<4096xf32, #tpu.memory_space<vmem>>, vector<16xf32>,
      %get3A_595 = arith.constant 2704 : index
      %get3A_596 = tpu.vector_load %arg16[%get3A_595] {strides = array<i32>} : memref<4096xf32, #tpu.memory_space<vmem>>, vector<16xf32>,
      %add3A_597 = arith.constant 1296 : i32
      %add3A_598 = vector.broadcast %add3A_597 : i32 to vector<16xi32>
      %add3A_599 = arith.addi %add3A_598, %iota3A : vector<16xi32>
      tpu.vector_store_idx %arg17[%add3A_599, %broadcast_in_dim3A_3], %get3A_594 : memref<2048x2xf32, #tpu.memory_space<vmem>>[vector<16xi32>, vector<16xi32>], vector<16xf32>,
      tpu.vector_store_idx %arg17[%add3A_599, %broadcast_in_dim3A_5], %get3A_596 : memref<2048x2xf32, #tpu.memory_space<vmem>>[vector<16xi32>, vector<16xi32>], vector<16xf32>,
      %get3A_600 = arith.constant 2592 : index
      %get3A_601 = tpu.vector_load %arg16[%get3A_600] {strides = array<i32>} : memref<4096xf32, #tpu.memory_space<vmem>>, vector<16xf32>,
      %get3A_602 = arith.constant 2720 : index
      %get3A_603 = tpu.vector_load %arg16[%get3A_602] {strides = array<i32>} : memref<4096xf32, #tpu.memory_space<vmem>>, vector<16xf32>,
      %add3A_604 = arith.constant 1312 : i32
      %add3A_605 = vector.broadcast %add3A_604 : i32 to vector<16xi32>
      %add3A_606 = arith.addi %add3A_605, %iota3A : vector<16xi32>
      tpu.vector_store_idx %arg17[%add3A_606, %broadcast_in_dim3A_3], %get3A_601 : memref<2048x2xf32, #tpu.memory_space<vmem>>[vector<16xi32>, vector<16xi32>], vector<16xf32>,
      tpu.vector_store_idx %arg17[%add3A_606, %broadcast_in_dim3A_5], %get3A_603 : memref<2048x2xf32, #tpu.memory_space<vmem>>[vector<16xi32>, vector<16xi32>], vector<16xf32>,
      %get3A_607 = arith.constant 2608 : index
      %get3A_608 = tpu.vector_load %arg16[%get3A_607] {strides = array<i32>} : memref<4096xf32, #tpu.memory_space<vmem>>, vector<16xf32>,
      %get3A_609 = arith.constant 2736 : index
      %get3A_610 = tpu.vector_load %arg16[%get3A_609] {strides = array<i32>} : memref<4096xf32, #tpu.memory_space<vmem>>, vector<16xf32>,
      %add3A_611 = arith.constant 1328 : i32
      %add3A_612 = vector.broadcast %add3A_611 : i32 to vector<16xi32>
      %add3A_613 = arith.addi %add3A_612, %iota3A : vector<16xi32>
      tpu.vector_store_idx %arg17[%add3A_613, %broadcast_in_dim3A_3], %get3A_608 : memref<2048x2xf32, #tpu.memory_space<vmem>>[vector<16xi32>, vector<16xi32>], vector<16xf32>,
      tpu.vector_store_idx %arg17[%add3A_613, %broadcast_in_dim3A_5], %get3A_610 : memref<2048x2xf32, #tpu.memory_space<vmem>>[vector<16xi32>, vector<16xi32>], vector<16xf32>,
      %get3A_614 = arith.constant 2624 : index
      %get3A_615 = tpu.vector_load %arg16[%get3A_614] {strides = array<i32>} : memref<4096xf32, #tpu.memory_space<vmem>>, vector<16xf32>,
      %get3A_616 = arith.constant 2752 : index
      %get3A_617 = tpu.vector_load %arg16[%get3A_616] {strides = array<i32>} : memref<4096xf32, #tpu.memory_space<vmem>>, vector<16xf32>,
      %add3A_618 = arith.constant 1344 : i32
      %add3A_619 = vector.broadcast %add3A_618 : i32 to vector<16xi32>
      %add3A_620 = arith.addi %add3A_619, %iota3A : vector<16xi32>
      tpu.vector_store_idx %arg17[%add3A_620, %broadcast_in_dim3A_3], %get3A_615 : memref<2048x2xf32, #tpu.memory_space<vmem>>[vector<16xi32>, vector<16xi32>], vector<16xf32>,
      tpu.vector_store_idx %arg17[%add3A_620, %broadcast_in_dim3A_5], %get3A_617 : memref<2048x2xf32, #tpu.memory_space<vmem>>[vector<16xi32>, vector<16xi32>], vector<16xf32>,
      %get3A_621 = arith.constant 2640 : index
      %get3A_622 = tpu.vector_load %arg16[%get3A_621] {strides = array<i32>} : memref<4096xf32, #tpu.memory_space<vmem>>, vector<16xf32>,
      %get3A_623 = arith.constant 2768 : index
      %get3A_624 = tpu.vector_load %arg16[%get3A_623] {strides = array<i32>} : memref<4096xf32, #tpu.memory_space<vmem>>, vector<16xf32>,
      %add3A_625 = arith.constant 1360 : i32
      %add3A_626 = vector.broadcast %add3A_625 : i32 to vector<16xi32>
      %add3A_627 = arith.addi %add3A_626, %iota3A : vector<16xi32>
      tpu.vector_store_idx %arg17[%add3A_627, %broadcast_in_dim3A_3], %get3A_622 : memref<2048x2xf32, #tpu.memory_space<vmem>>[vector<16xi32>, vector<16xi32>], vector<16xf32>,
      tpu.vector_store_idx %arg17[%add3A_627, %broadcast_in_dim3A_5], %get3A_624 : memref<2048x2xf32, #tpu.memory_space<vmem>>[vector<16xi32>, vector<16xi32>], vector<16xf32>,
      %get3A_628 = arith.constant 2656 : index
      %get3A_629 = tpu.vector_load %arg16[%get3A_628] {strides = array<i32>} : memref<4096xf32, #tpu.memory_space<vmem>>, vector<16xf32>,
      %get3A_630 = arith.constant 2784 : index
      %get3A_631 = tpu.vector_load %arg16[%get3A_630] {strides = array<i32>} : memref<4096xf32, #tpu.memory_space<vmem>>, vector<16xf32>,
      %add3A_632 = arith.constant 1376 : i32
      %add3A_633 = vector.broadcast %add3A_632 : i32 to vector<16xi32>
      %add3A_634 = arith.addi %add3A_633, %iota3A : vector<16xi32>
      tpu.vector_store_idx %arg17[%add3A_634, %broadcast_in_dim3A_3], %get3A_629 : memref<2048x2xf32, #tpu.memory_space<vmem>>[vector<16xi32>, vector<16xi32>], vector<16xf32>,
      tpu.vector_store_idx %arg17[%add3A_634, %broadcast_in_dim3A_5], %get3A_631 : memref<2048x2xf32, #tpu.memory_space<vmem>>[vector<16xi32>, vector<16xi32>], vector<16xf32>,
      %get3A_635 = arith.constant 2672 : index
      %get3A_636 = tpu.vector_load %arg16[%get3A_635] {strides = array<i32>} : memref<4096xf32, #tpu.memory_space<vmem>>, vector<16xf32>,
      %get3A_637 = arith.constant 2800 : index
      %get3A_638 = tpu.vector_load %arg16[%get3A_637] {strides = array<i32>} : memref<4096xf32, #tpu.memory_space<vmem>>, vector<16xf32>,
      %add3A_639 = arith.constant 1392 : i32
      %add3A_640 = vector.broadcast %add3A_639 : i32 to vector<16xi32>
      %add3A_641 = arith.addi %add3A_640, %iota3A : vector<16xi32>
      tpu.vector_store_idx %arg17[%add3A_641, %broadcast_in_dim3A_3], %get3A_636 : memref<2048x2xf32, #tpu.memory_space<vmem>>[vector<16xi32>, vector<16xi32>], vector<16xf32>,
      tpu.vector_store_idx %arg17[%add3A_641, %broadcast_in_dim3A_5], %get3A_638 : memref<2048x2xf32, #tpu.memory_space<vmem>>[vector<16xi32>, vector<16xi32>], vector<16xf32>,
      %get3A_642 = arith.constant 2816 : index
      %get3A_643 = tpu.vector_load %arg16[%get3A_642] {strides = array<i32>} : memref<4096xf32, #tpu.memory_space<vmem>>, vector<16xf32>,
      %get3A_644 = arith.constant 2944 : index
      %get3A_645 = tpu.vector_load %arg16[%get3A_644] {strides = array<i32>} : memref<4096xf32, #tpu.memory_space<vmem>>, vector<16xf32>,
      %add3A_646 = arith.constant 1408 : i32
      %add3A_647 = vector.broadcast %add3A_646 : i32 to vector<16xi32>
      %add3A_648 = arith.addi %add3A_647, %iota3A : vector<16xi32>
      tpu.vector_store_idx %arg17[%add3A_648, %broadcast_in_dim3A_3], %get3A_643 : memref<2048x2xf32, #tpu.memory_space<vmem>>[vector<16xi32>, vector<16xi32>], vector<16xf32>,
      tpu.vector_store_idx %arg17[%add3A_648, %broadcast_in_dim3A_5], %get3A_645 : memref<2048x2xf32, #tpu.memory_space<vmem>>[vector<16xi32>, vector<16xi32>], vector<16xf32>,
      %get3A_649 = arith.constant 2832 : index
      %get3A_650 = tpu.vector_load %arg16[%get3A_649] {strides = array<i32>} : memref<4096xf32, #tpu.memory_space<vmem>>, vector<16xf32>,
      %get3A_651 = arith.constant 2960 : index
      %get3A_652 = tpu.vector_load %arg16[%get3A_651] {strides = array<i32>} : memref<4096xf32, #tpu.memory_space<vmem>>, vector<16xf32>,
      %add3A_653 = arith.constant 1424 : i32
      %add3A_654 = vector.broadcast %add3A_653 : i32 to vector<16xi32>
      %add3A_655 = arith.addi %add3A_654, %iota3A : vector<16xi32>
      tpu.vector_store_idx %arg17[%add3A_655, %broadcast_in_dim3A_3], %get3A_650 : memref<2048x2xf32, #tpu.memory_space<vmem>>[vector<16xi32>, vector<16xi32>], vector<16xf32>,
      tpu.vector_store_idx %arg17[%add3A_655, %broadcast_in_dim3A_5], %get3A_652 : memref<2048x2xf32, #tpu.memory_space<vmem>>[vector<16xi32>, vector<16xi32>], vector<16xf32>,
      %get3A_656 = arith.constant 2848 : index
      %get3A_657 = tpu.vector_load %arg16[%get3A_656] {strides = array<i32>} : memref<4096xf32, #tpu.memory_space<vmem>>, vector<16xf32>,
      %get3A_658 = arith.constant 2976 : index
      %get3A_659 = tpu.vector_load %arg16[%get3A_658] {strides = array<i32>} : memref<4096xf32, #tpu.memory_space<vmem>>, vector<16xf32>,
      %add3A_660 = arith.constant 1440 : i32
      %add3A_661 = vector.broadcast %add3A_660 : i32 to vector<16xi32>
      %add3A_662 = arith.addi %add3A_661, %iota3A : vector<16xi32>
      tpu.vector_store_idx %arg17[%add3A_662, %broadcast_in_dim3A_3], %get3A_657 : memref<2048x2xf32, #tpu.memory_space<vmem>>[vector<16xi32>, vector<16xi32>], vector<16xf32>,
      tpu.vector_store_idx %arg17[%add3A_662, %broadcast_in_dim3A_5], %get3A_659 : memref<2048x2xf32, #tpu.memory_space<vmem>>[vector<16xi32>, vector<16xi32>], vector<16xf32>,
      %get3A_663 = arith.constant 2864 : index
      %get3A_664 = tpu.vector_load %arg16[%get3A_663] {strides = array<i32>} : memref<4096xf32, #tpu.memory_space<vmem>>, vector<16xf32>,
      %get3A_665 = arith.constant 2992 : index
      %get3A_666 = tpu.vector_load %arg16[%get3A_665] {strides = array<i32>} : memref<4096xf32, #tpu.memory_space<vmem>>, vector<16xf32>,
      %add3A_667 = arith.constant 1456 : i32
      %add3A_668 = vector.broadcast %add3A_667 : i32 to vector<16xi32>
      %add3A_669 = arith.addi %add3A_668, %iota3A : vector<16xi32>
      tpu.vector_store_idx %arg17[%add3A_669, %broadcast_in_dim3A_3], %get3A_664 : memref<2048x2xf32, #tpu.memory_space<vmem>>[vector<16xi32>, vector<16xi32>], vector<16xf32>,
      tpu.vector_store_idx %arg17[%add3A_669, %broadcast_in_dim3A_5], %get3A_666 : memref<2048x2xf32, #tpu.memory_space<vmem>>[vector<16xi32>, vector<16xi32>], vector<16xf32>,
      %get3A_670 = arith.constant 2880 : index
      %get3A_671 = tpu.vector_load %arg16[%get3A_670] {strides = array<i32>} : memref<4096xf32, #tpu.memory_space<vmem>>, vector<16xf32>,
      %get3A_672 = arith.constant 3008 : index
      %get3A_673 = tpu.vector_load %arg16[%get3A_672] {strides = array<i32>} : memref<4096xf32, #tpu.memory_space<vmem>>, vector<16xf32>,
      %add3A_674 = arith.constant 1472 : i32
      %add3A_675 = vector.broadcast %add3A_674 : i32 to vector<16xi32>
      %add3A_676 = arith.addi %add3A_675, %iota3A : vector<16xi32>
      tpu.vector_store_idx %arg17[%add3A_676, %broadcast_in_dim3A_3], %get3A_671 : memref<2048x2xf32, #tpu.memory_space<vmem>>[vector<16xi32>, vector<16xi32>], vector<16xf32>,
      tpu.vector_store_idx %arg17[%add3A_676, %broadcast_in_dim3A_5], %get3A_673 : memref<2048x2xf32, #tpu.memory_space<vmem>>[vector<16xi32>, vector<16xi32>], vector<16xf32>,
      %get3A_677 = arith.constant 2896 : index
      %get3A_678 = tpu.vector_load %arg16[%get3A_677] {strides = array<i32>} : memref<4096xf32, #tpu.memory_space<vmem>>, vector<16xf32>,
      %get3A_679 = arith.constant 3024 : index
      %get3A_680 = tpu.vector_load %arg16[%get3A_679] {strides = array<i32>} : memref<4096xf32, #tpu.memory_space<vmem>>, vector<16xf32>,
      %add3A_681 = arith.constant 1488 : i32
      %add3A_682 = vector.broadcast %add3A_681 : i32 to vector<16xi32>
      %add3A_683 = arith.addi %add3A_682, %iota3A : vector<16xi32>
      tpu.vector_store_idx %arg17[%add3A_683, %broadcast_in_dim3A_3], %get3A_678 : memref<2048x2xf32, #tpu.memory_space<vmem>>[vector<16xi32>, vector<16xi32>], vector<16xf32>,
      tpu.vector_store_idx %arg17[%add3A_683, %broadcast_in_dim3A_5], %get3A_680 : memref<2048x2xf32, #tpu.memory_space<vmem>>[vector<16xi32>, vector<16xi32>], vector<16xf32>,
      %get3A_684 = arith.constant 2912 : index
      %get3A_685 = tpu.vector_load %arg16[%get3A_684] {strides = array<i32>} : memref<4096xf32, #tpu.memory_space<vmem>>, vector<16xf32>,
      %get3A_686 = arith.constant 3040 : index
      %get3A_687 = tpu.vector_load %arg16[%get3A_686] {strides = array<i32>} : memref<4096xf32, #tpu.memory_space<vmem>>, vector<16xf32>,
      %add3A_688 = arith.constant 1504 : i32
      %add3A_689 = vector.broadcast %add3A_688 : i32 to vector<16xi32>
      %add3A_690 = arith.addi %add3A_689, %iota3A : vector<16xi32>
      tpu.vector_store_idx %arg17[%add3A_690, %broadcast_in_dim3A_3], %get3A_685 : memref<2048x2xf32, #tpu.memory_space<vmem>>[vector<16xi32>, vector<16xi32>], vector<16xf32>,
      tpu.vector_store_idx %arg17[%add3A_690, %broadcast_in_dim3A_5], %get3A_687 : memref<2048x2xf32, #tpu.memory_space<vmem>>[vector<16xi32>, vector<16xi32>], vector<16xf32>,
      %get3A_691 = arith.constant 2928 : index
      %get3A_692 = tpu.vector_load %arg16[%get3A_691] {strides = array<i32>} : memref<4096xf32, #tpu.memory_space<vmem>>, vector<16xf32>,
      %get3A_693 = arith.constant 3056 : index
      %get3A_694 = tpu.vector_load %arg16[%get3A_693] {strides = array<i32>} : memref<4096xf32, #tpu.memory_space<vmem>>, vector<16xf32>,
      %add3A_695 = arith.constant 1520 : i32
      %add3A_696 = vector.broadcast %add3A_695 : i32 to vector<16xi32>
      %add3A_697 = arith.addi %add3A_696, %iota3A : vector<16xi32>
      tpu.vector_store_idx %arg17[%add3A_697, %broadcast_in_dim3A_3], %get3A_692 : memref<2048x2xf32, #tpu.memory_space<vmem>>[vector<16xi32>, vector<16xi32>], vector<16xf32>,
      tpu.vector_store_idx %arg17[%add3A_697, %broadcast_in_dim3A_5], %get3A_694 : memref<2048x2xf32, #tpu.memory_space<vmem>>[vector<16xi32>, vector<16xi32>], vector<16xf32>,
      %get3A_698 = arith.constant 3072 : index
      %get3A_699 = tpu.vector_load %arg16[%get3A_698] {strides = array<i32>} : memref<4096xf32, #tpu.memory_space<vmem>>, vector<16xf32>,
      %get3A_700 = arith.constant 3200 : index
      %get3A_701 = tpu.vector_load %arg16[%get3A_700] {strides = array<i32>} : memref<4096xf32, #tpu.memory_space<vmem>>, vector<16xf32>,
      %add3A_702 = arith.constant 1536 : i32
      %add3A_703 = vector.broadcast %add3A_702 : i32 to vector<16xi32>
      %add3A_704 = arith.addi %add3A_703, %iota3A : vector<16xi32>
      tpu.vector_store_idx %arg17[%add3A_704, %broadcast_in_dim3A_3], %get3A_699 : memref<2048x2xf32, #tpu.memory_space<vmem>>[vector<16xi32>, vector<16xi32>], vector<16xf32>,
      tpu.vector_store_idx %arg17[%add3A_704, %broadcast_in_dim3A_5], %get3A_701 : memref<2048x2xf32, #tpu.memory_space<vmem>>[vector<16xi32>, vector<16xi32>], vector<16xf32>,
      %get3A_705 = arith.constant 3088 : index
      %get3A_706 = tpu.vector_load %arg16[%get3A_705] {strides = array<i32>} : memref<4096xf32, #tpu.memory_space<vmem>>, vector<16xf32>,
      %get3A_707 = arith.constant 3216 : index
      %get3A_708 = tpu.vector_load %arg16[%get3A_707] {strides = array<i32>} : memref<4096xf32, #tpu.memory_space<vmem>>, vector<16xf32>,
      %add3A_709 = arith.constant 1552 : i32
      %add3A_710 = vector.broadcast %add3A_709 : i32 to vector<16xi32>
      %add3A_711 = arith.addi %add3A_710, %iota3A : vector<16xi32>
      tpu.vector_store_idx %arg17[%add3A_711, %broadcast_in_dim3A_3], %get3A_706 : memref<2048x2xf32, #tpu.memory_space<vmem>>[vector<16xi32>, vector<16xi32>], vector<16xf32>,
      tpu.vector_store_idx %arg17[%add3A_711, %broadcast_in_dim3A_5], %get3A_708 : memref<2048x2xf32, #tpu.memory_space<vmem>>[vector<16xi32>, vector<16xi32>], vector<16xf32>,
      %get3A_712 = arith.constant 3104 : index
      %get3A_713 = tpu.vector_load %arg16[%get3A_712] {strides = array<i32>} : memref<4096xf32, #tpu.memory_space<vmem>>, vector<16xf32>,
      %get3A_714 = arith.constant 3232 : index
      %get3A_715 = tpu.vector_load %arg16[%get3A_714] {strides = array<i32>} : memref<4096xf32, #tpu.memory_space<vmem>>, vector<16xf32>,
      %add3A_716 = arith.constant 1568 : i32
      %add3A_717 = vector.broadcast %add3A_716 : i32 to vector<16xi32>
      %add3A_718 = arith.addi %add3A_717, %iota3A : vector<16xi32>
      tpu.vector_store_idx %arg17[%add3A_718, %broadcast_in_dim3A_3], %get3A_713 : memref<2048x2xf32, #tpu.memory_space<vmem>>[vector<16xi32>, vector<16xi32>], vector<16xf32>,
      tpu.vector_store_idx %arg17[%add3A_718, %broadcast_in_dim3A_5], %get3A_715 : memref<2048x2xf32, #tpu.memory_space<vmem>>[vector<16xi32>, vector<16xi32>], vector<16xf32>,
      %get3A_719 = arith.constant 3120 : index
      %get3A_720 = tpu.vector_load %arg16[%get3A_719] {strides = array<i32>} : memref<4096xf32, #tpu.memory_space<vmem>>, vector<16xf32>,
      %get3A_721 = arith.constant 3248 : index
      %get3A_722 = tpu.vector_load %arg16[%get3A_721] {strides = array<i32>} : memref<4096xf32, #tpu.memory_space<vmem>>, vector<16xf32>,
      %add3A_723 = arith.constant 1584 : i32
      %add3A_724 = vector.broadcast %add3A_723 : i32 to vector<16xi32>
      %add3A_725 = arith.addi %add3A_724, %iota3A : vector<16xi32>
      tpu.vector_store_idx %arg17[%add3A_725, %broadcast_in_dim3A_3], %get3A_720 : memref<2048x2xf32, #tpu.memory_space<vmem>>[vector<16xi32>, vector<16xi32>], vector<16xf32>,
      tpu.vector_store_idx %arg17[%add3A_725, %broadcast_in_dim3A_5], %get3A_722 : memref<2048x2xf32, #tpu.memory_space<vmem>>[vector<16xi32>, vector<16xi32>], vector<16xf32>,
      %get3A_726 = arith.constant 3136 : index
      %get3A_727 = tpu.vector_load %arg16[%get3A_726] {strides = array<i32>} : memref<4096xf32, #tpu.memory_space<vmem>>, vector<16xf32>,
      %get3A_728 = arith.constant 3264 : index
      %get3A_729 = tpu.vector_load %arg16[%get3A_728] {strides = array<i32>} : memref<4096xf32, #tpu.memory_space<vmem>>, vector<16xf32>,
      %add3A_730 = arith.constant 1600 : i32
      %add3A_731 = vector.broadcast %add3A_730 : i32 to vector<16xi32>
      %add3A_732 = arith.addi %add3A_731, %iota3A : vector<16xi32>
      tpu.vector_store_idx %arg17[%add3A_732, %broadcast_in_dim3A_3], %get3A_727 : memref<2048x2xf32, #tpu.memory_space<vmem>>[vector<16xi32>, vector<16xi32>], vector<16xf32>,
      tpu.vector_store_idx %arg17[%add3A_732, %broadcast_in_dim3A_5], %get3A_729 : memref<2048x2xf32, #tpu.memory_space<vmem>>[vector<16xi32>, vector<16xi32>], vector<16xf32>,
      %get3A_733 = arith.constant 3152 : index
      %get3A_734 = tpu.vector_load %arg16[%get3A_733] {strides = array<i32>} : memref<4096xf32, #tpu.memory_space<vmem>>, vector<16xf32>,
      %get3A_735 = arith.constant 3280 : index
      %get3A_736 = tpu.vector_load %arg16[%get3A_735] {strides = array<i32>} : memref<4096xf32, #tpu.memory_space<vmem>>, vector<16xf32>,
      %add3A_737 = arith.constant 1616 : i32
      %add3A_738 = vector.broadcast %add3A_737 : i32 to vector<16xi32>
      %add3A_739 = arith.addi %add3A_738, %iota3A : vector<16xi32>
      tpu.vector_store_idx %arg17[%add3A_739, %broadcast_in_dim3A_3], %get3A_734 : memref<2048x2xf32, #tpu.memory_space<vmem>>[vector<16xi32>, vector<16xi32>], vector<16xf32>,
      tpu.vector_store_idx %arg17[%add3A_739, %broadcast_in_dim3A_5], %get3A_736 : memref<2048x2xf32, #tpu.memory_space<vmem>>[vector<16xi32>, vector<16xi32>], vector<16xf32>,
      %get3A_740 = arith.constant 3168 : index
      %get3A_741 = tpu.vector_load %arg16[%get3A_740] {strides = array<i32>} : memref<4096xf32, #tpu.memory_space<vmem>>, vector<16xf32>,
      %get3A_742 = arith.constant 3296 : index
      %get3A_743 = tpu.vector_load %arg16[%get3A_742] {strides = array<i32>} : memref<4096xf32, #tpu.memory_space<vmem>>, vector<16xf32>,
      %add3A_744 = arith.constant 1632 : i32
      %add3A_745 = vector.broadcast %add3A_744 : i32 to vector<16xi32>
      %add3A_746 = arith.addi %add3A_745, %iota3A : vector<16xi32>
      tpu.vector_store_idx %arg17[%add3A_746, %broadcast_in_dim3A_3], %get3A_741 : memref<2048x2xf32, #tpu.memory_space<vmem>>[vector<16xi32>, vector<16xi32>], vector<16xf32>,
      tpu.vector_store_idx %arg17[%add3A_746, %broadcast_in_dim3A_5], %get3A_743 : memref<2048x2xf32, #tpu.memory_space<vmem>>[vector<16xi32>, vector<16xi32>], vector<16xf32>,
      %get3A_747 = arith.constant 3184 : index
      %get3A_748 = tpu.vector_load %arg16[%get3A_747] {strides = array<i32>} : memref<4096xf32, #tpu.memory_space<vmem>>, vector<16xf32>,
      %get3A_749 = arith.constant 3312 : index
      %get3A_750 = tpu.vector_load %arg16[%get3A_749] {strides = array<i32>} : memref<4096xf32, #tpu.memory_space<vmem>>, vector<16xf32>,
      %add3A_751 = arith.constant 1648 : i32
      %add3A_752 = vector.broadcast %add3A_751 : i32 to vector<16xi32>
      %add3A_753 = arith.addi %add3A_752, %iota3A : vector<16xi32>
      tpu.vector_store_idx %arg17[%add3A_753, %broadcast_in_dim3A_3], %get3A_748 : memref<2048x2xf32, #tpu.memory_space<vmem>>[vector<16xi32>, vector<16xi32>], vector<16xf32>,
      tpu.vector_store_idx %arg17[%add3A_753, %broadcast_in_dim3A_5], %get3A_750 : memref<2048x2xf32, #tpu.memory_space<vmem>>[vector<16xi32>, vector<16xi32>], vector<16xf32>,
      %get3A_754 = arith.constant 3328 : index
      %get3A_755 = tpu.vector_load %arg16[%get3A_754] {strides = array<i32>} : memref<4096xf32, #tpu.memory_space<vmem>>, vector<16xf32>,
      %get3A_756 = arith.constant 3456 : index
      %get3A_757 = tpu.vector_load %arg16[%get3A_756] {strides = array<i32>} : memref<4096xf32, #tpu.memory_space<vmem>>, vector<16xf32>,
      %add3A_758 = arith.constant 1664 : i32
      %add3A_759 = vector.broadcast %add3A_758 : i32 to vector<16xi32>
      %add3A_760 = arith.addi %add3A_759, %iota3A : vector<16xi32>
      tpu.vector_store_idx %arg17[%add3A_760, %broadcast_in_dim3A_3], %get3A_755 : memref<2048x2xf32, #tpu.memory_space<vmem>>[vector<16xi32>, vector<16xi32>], vector<16xf32>,
      tpu.vector_store_idx %arg17[%add3A_760, %broadcast_in_dim3A_5], %get3A_757 : memref<2048x2xf32, #tpu.memory_space<vmem>>[vector<16xi32>, vector<16xi32>], vector<16xf32>,
      %get3A_761 = arith.constant 3344 : index
      %get3A_762 = tpu.vector_load %arg16[%get3A_761] {strides = array<i32>} : memref<4096xf32, #tpu.memory_space<vmem>>, vector<16xf32>,
      %get3A_763 = arith.constant 3472 : index
      %get3A_764 = tpu.vector_load %arg16[%get3A_763] {strides = array<i32>} : memref<4096xf32, #tpu.memory_space<vmem>>, vector<16xf32>,
      %add3A_765 = arith.constant 1680 : i32
      %add3A_766 = vector.broadcast %add3A_765 : i32 to vector<16xi32>
      %add3A_767 = arith.addi %add3A_766, %iota3A : vector<16xi32>
      tpu.vector_store_idx %arg17[%add3A_767, %broadcast_in_dim3A_3], %get3A_762 : memref<2048x2xf32, #tpu.memory_space<vmem>>[vector<16xi32>, vector<16xi32>], vector<16xf32>,
      tpu.vector_store_idx %arg17[%add3A_767, %broadcast_in_dim3A_5], %get3A_764 : memref<2048x2xf32, #tpu.memory_space<vmem>>[vector<16xi32>, vector<16xi32>], vector<16xf32>,
      %get3A_768 = arith.constant 3360 : index
      %get3A_769 = tpu.vector_load %arg16[%get3A_768] {strides = array<i32>} : memref<4096xf32, #tpu.memory_space<vmem>>, vector<16xf32>,
      %get3A_770 = arith.constant 3488 : index
      %get3A_771 = tpu.vector_load %arg16[%get3A_770] {strides = array<i32>} : memref<4096xf32, #tpu.memory_space<vmem>>, vector<16xf32>,
      %add3A_772 = arith.constant 1696 : i32
      %add3A_773 = vector.broadcast %add3A_772 : i32 to vector<16xi32>
      %add3A_774 = arith.addi %add3A_773, %iota3A : vector<16xi32>
      tpu.vector_store_idx %arg17[%add3A_774, %broadcast_in_dim3A_3], %get3A_769 : memref<2048x2xf32, #tpu.memory_space<vmem>>[vector<16xi32>, vector<16xi32>], vector<16xf32>,
      tpu.vector_store_idx %arg17[%add3A_774, %broadcast_in_dim3A_5], %get3A_771 : memref<2048x2xf32, #tpu.memory_space<vmem>>[vector<16xi32>, vector<16xi32>], vector<16xf32>,
      %get3A_775 = arith.constant 3376 : index
      %get3A_776 = tpu.vector_load %arg16[%get3A_775] {strides = array<i32>} : memref<4096xf32, #tpu.memory_space<vmem>>, vector<16xf32>,
      %get3A_777 = arith.constant 3504 : index
      %get3A_778 = tpu.vector_load %arg16[%get3A_777] {strides = array<i32>} : memref<4096xf32, #tpu.memory_space<vmem>>, vector<16xf32>,
      %add3A_779 = arith.constant 1712 : i32
      %add3A_780 = vector.broadcast %add3A_779 : i32 to vector<16xi32>
      %add3A_781 = arith.addi %add3A_780, %iota3A : vector<16xi32>
      tpu.vector_store_idx %arg17[%add3A_781, %broadcast_in_dim3A_3], %get3A_776 : memref<2048x2xf32, #tpu.memory_space<vmem>>[vector<16xi32>, vector<16xi32>], vector<16xf32>,
      tpu.vector_store_idx %arg17[%add3A_781, %broadcast_in_dim3A_5], %get3A_778 : memref<2048x2xf32, #tpu.memory_space<vmem>>[vector<16xi32>, vector<16xi32>], vector<16xf32>,
      %get3A_782 = arith.constant 3392 : index
      %get3A_783 = tpu.vector_load %arg16[%get3A_782] {strides = array<i32>} : memref<4096xf32, #tpu.memory_space<vmem>>, vector<16xf32>,
      %get3A_784 = arith.constant 3520 : index
      %get3A_785 = tpu.vector_load %arg16[%get3A_784] {strides = array<i32>} : memref<4096xf32, #tpu.memory_space<vmem>>, vector<16xf32>,
      %add3A_786 = arith.constant 1728 : i32
      %add3A_787 = vector.broadcast %add3A_786 : i32 to vector<16xi32>
      %add3A_788 = arith.addi %add3A_787, %iota3A : vector<16xi32>
      tpu.vector_store_idx %arg17[%add3A_788, %broadcast_in_dim3A_3], %get3A_783 : memref<2048x2xf32, #tpu.memory_space<vmem>>[vector<16xi32>, vector<16xi32>], vector<16xf32>,
      tpu.vector_store_idx %arg17[%add3A_788, %broadcast_in_dim3A_5], %get3A_785 : memref<2048x2xf32, #tpu.memory_space<vmem>>[vector<16xi32>, vector<16xi32>], vector<16xf32>,
      %get3A_789 = arith.constant 3408 : index
      %get3A_790 = tpu.vector_load %arg16[%get3A_789] {strides = array<i32>} : memref<4096xf32, #tpu.memory_space<vmem>>, vector<16xf32>,
      %get3A_791 = arith.constant 3536 : index
      %get3A_792 = tpu.vector_load %arg16[%get3A_791] {strides = array<i32>} : memref<4096xf32, #tpu.memory_space<vmem>>, vector<16xf32>,
      %add3A_793 = arith.constant 1744 : i32
      %add3A_794 = vector.broadcast %add3A_793 : i32 to vector<16xi32>
      %add3A_795 = arith.addi %add3A_794, %iota3A : vector<16xi32>
      tpu.vector_store_idx %arg17[%add3A_795, %broadcast_in_dim3A_3], %get3A_790 : memref<2048x2xf32, #tpu.memory_space<vmem>>[vector<16xi32>, vector<16xi32>], vector<16xf32>,
      tpu.vector_store_idx %arg17[%add3A_795, %broadcast_in_dim3A_5], %get3A_792 : memref<2048x2xf32, #tpu.memory_space<vmem>>[vector<16xi32>, vector<16xi32>], vector<16xf32>,
      %get3A_796 = arith.constant 3424 : index
      %get3A_797 = tpu.vector_load %arg16[%get3A_796] {strides = array<i32>} : memref<4096xf32, #tpu.memory_space<vmem>>, vector<16xf32>,
      %get3A_798 = arith.constant 3552 : index
      %get3A_799 = tpu.vector_load %arg16[%get3A_798] {strides = array<i32>} : memref<4096xf32, #tpu.memory_space<vmem>>, vector<16xf32>,
      %add3A_800 = arith.constant 1760 : i32
      %add3A_801 = vector.broadcast %add3A_800 : i32 to vector<16xi32>
      %add3A_802 = arith.addi %add3A_801, %iota3A : vector<16xi32>
      tpu.vector_store_idx %arg17[%add3A_802, %broadcast_in_dim3A_3], %get3A_797 : memref<2048x2xf32, #tpu.memory_space<vmem>>[vector<16xi32>, vector<16xi32>], vector<16xf32>,
      tpu.vector_store_idx %arg17[%add3A_802, %broadcast_in_dim3A_5], %get3A_799 : memref<2048x2xf32, #tpu.memory_space<vmem>>[vector<16xi32>, vector<16xi32>], vector<16xf32>,
      %get3A_803 = arith.constant 3440 : index
      %get3A_804 = tpu.vector_load %arg16[%get3A_803] {strides = array<i32>} : memref<4096xf32, #tpu.memory_space<vmem>>, vector<16xf32>,
      %get3A_805 = arith.constant 3568 : index
      %get3A_806 = tpu.vector_load %arg16[%get3A_805] {strides = array<i32>} : memref<4096xf32, #tpu.memory_space<vmem>>, vector<16xf32>,
      %add3A_807 = arith.constant 1776 : i32
      %add3A_808 = vector.broadcast %add3A_807 : i32 to vector<16xi32>
      %add3A_809 = arith.addi %add3A_808, %iota3A : vector<16xi32>
      tpu.vector_store_idx %arg17[%add3A_809, %broadcast_in_dim3A_3], %get3A_804 : memref<2048x2xf32, #tpu.memory_space<vmem>>[vector<16xi32>, vector<16xi32>], vector<16xf32>,
      tpu.vector_store_idx %arg17[%add3A_809, %broadcast_in_dim3A_5], %get3A_806 : memref<2048x2xf32, #tpu.memory_space<vmem>>[vector<16xi32>, vector<16xi32>], vector<16xf32>,
      %get3A_810 = arith.constant 3584 : index
      %get3A_811 = tpu.vector_load %arg16[%get3A_810] {strides = array<i32>} : memref<4096xf32, #tpu.memory_space<vmem>>, vector<16xf32>,
      %get3A_812 = arith.constant 3712 : index
      %get3A_813 = tpu.vector_load %arg16[%get3A_812] {strides = array<i32>} : memref<4096xf32, #tpu.memory_space<vmem>>, vector<16xf32>,
      %add3A_814 = arith.constant 1792 : i32
      %add3A_815 = vector.broadcast %add3A_814 : i32 to vector<16xi32>
      %add3A_816 = arith.addi %add3A_815, %iota3A : vector<16xi32>
      tpu.vector_store_idx %arg17[%add3A_816, %broadcast_in_dim3A_3], %get3A_811 : memref<2048x2xf32, #tpu.memory_space<vmem>>[vector<16xi32>, vector<16xi32>], vector<16xf32>,
      tpu.vector_store_idx %arg17[%add3A_816, %broadcast_in_dim3A_5], %get3A_813 : memref<2048x2xf32, #tpu.memory_space<vmem>>[vector<16xi32>, vector<16xi32>], vector<16xf32>,
      %get3A_817 = arith.constant 3600 : index
      %get3A_818 = tpu.vector_load %arg16[%get3A_817] {strides = array<i32>} : memref<4096xf32, #tpu.memory_space<vmem>>, vector<16xf32>,
      %get3A_819 = arith.constant 3728 : index
      %get3A_820 = tpu.vector_load %arg16[%get3A_819] {strides = array<i32>} : memref<4096xf32, #tpu.memory_space<vmem>>, vector<16xf32>,
      %add3A_821 = arith.constant 1808 : i32
      %add3A_822 = vector.broadcast %add3A_821 : i32 to vector<16xi32>
      %add3A_823 = arith.addi %add3A_822, %iota3A : vector<16xi32>
      tpu.vector_store_idx %arg17[%add3A_823, %broadcast_in_dim3A_3], %get3A_818 : memref<2048x2xf32, #tpu.memory_space<vmem>>[vector<16xi32>, vector<16xi32>], vector<16xf32>,
      tpu.vector_store_idx %arg17[%add3A_823, %broadcast_in_dim3A_5], %get3A_820 : memref<2048x2xf32, #tpu.memory_space<vmem>>[vector<16xi32>, vector<16xi32>], vector<16xf32>,
      %get3A_824 = arith.constant 3616 : index
      %get3A_825 = tpu.vector_load %arg16[%get3A_824] {strides = array<i32>} : memref<4096xf32, #tpu.memory_space<vmem>>, vector<16xf32>,
      %get3A_826 = arith.constant 3744 : index
      %get3A_827 = tpu.vector_load %arg16[%get3A_826] {strides = array<i32>} : memref<4096xf32, #tpu.memory_space<vmem>>, vector<16xf32>,
      %add3A_828 = arith.constant 1824 : i32
      %add3A_829 = vector.broadcast %add3A_828 : i32 to vector<16xi32>
      %add3A_830 = arith.addi %add3A_829, %iota3A : vector<16xi32>
      tpu.vector_store_idx %arg17[%add3A_830, %broadcast_in_dim3A_3], %get3A_825 : memref<2048x2xf32, #tpu.memory_space<vmem>>[vector<16xi32>, vector<16xi32>], vector<16xf32>,
      tpu.vector_store_idx %arg17[%add3A_830, %broadcast_in_dim3A_5], %get3A_827 : memref<2048x2xf32, #tpu.memory_space<vmem>>[vector<16xi32>, vector<16xi32>], vector<16xf32>,
      %get3A_831 = arith.constant 3632 : index
      %get3A_832 = tpu.vector_load %arg16[%get3A_831] {strides = array<i32>} : memref<4096xf32, #tpu.memory_space<vmem>>, vector<16xf32>,
      %get3A_833 = arith.constant 3760 : index
      %get3A_834 = tpu.vector_load %arg16[%get3A_833] {strides = array<i32>} : memref<4096xf32, #tpu.memory_space<vmem>>, vector<16xf32>,
      %add3A_835 = arith.constant 1840 : i32
      %add3A_836 = vector.broadcast %add3A_835 : i32 to vector<16xi32>
      %add3A_837 = arith.addi %add3A_836, %iota3A : vector<16xi32>
      tpu.vector_store_idx %arg17[%add3A_837, %broadcast_in_dim3A_3], %get3A_832 : memref<2048x2xf32, #tpu.memory_space<vmem>>[vector<16xi32>, vector<16xi32>], vector<16xf32>,
      tpu.vector_store_idx %arg17[%add3A_837, %broadcast_in_dim3A_5], %get3A_834 : memref<2048x2xf32, #tpu.memory_space<vmem>>[vector<16xi32>, vector<16xi32>], vector<16xf32>,
      %get3A_838 = arith.constant 3648 : index
      %get3A_839 = tpu.vector_load %arg16[%get3A_838] {strides = array<i32>} : memref<4096xf32, #tpu.memory_space<vmem>>, vector<16xf32>,
      %get3A_840 = arith.constant 3776 : index
      %get3A_841 = tpu.vector_load %arg16[%get3A_840] {strides = array<i32>} : memref<4096xf32, #tpu.memory_space<vmem>>, vector<16xf32>,
      %add3A_842 = arith.constant 1856 : i32
      %add3A_843 = vector.broadcast %add3A_842 : i32 to vector<16xi32>
      %add3A_844 = arith.addi %add3A_843, %iota3A : vector<16xi32>
      tpu.vector_store_idx %arg17[%add3A_844, %broadcast_in_dim3A_3], %get3A_839 : memref<2048x2xf32, #tpu.memory_space<vmem>>[vector<16xi32>, vector<16xi32>], vector<16xf32>,
      tpu.vector_store_idx %arg17[%add3A_844, %broadcast_in_dim3A_5], %get3A_841 : memref<2048x2xf32, #tpu.memory_space<vmem>>[vector<16xi32>, vector<16xi32>], vector<16xf32>,
      %get3A_845 = arith.constant 3664 : index
      %get3A_846 = tpu.vector_load %arg16[%get3A_845] {strides = array<i32>} : memref<4096xf32, #tpu.memory_space<vmem>>, vector<16xf32>,
      %get3A_847 = arith.constant 3792 : index
      %get3A_848 = tpu.vector_load %arg16[%get3A_847] {strides = array<i32>} : memref<4096xf32, #tpu.memory_space<vmem>>, vector<16xf32>,
      %add3A_849 = arith.constant 1872 : i32
      %add3A_850 = vector.broadcast %add3A_849 : i32 to vector<16xi32>
      %add3A_851 = arith.addi %add3A_850, %iota3A : vector<16xi32>
      tpu.vector_store_idx %arg17[%add3A_851, %broadcast_in_dim3A_3], %get3A_846 : memref<2048x2xf32, #tpu.memory_space<vmem>>[vector<16xi32>, vector<16xi32>], vector<16xf32>,
      tpu.vector_store_idx %arg17[%add3A_851, %broadcast_in_dim3A_5], %get3A_848 : memref<2048x2xf32, #tpu.memory_space<vmem>>[vector<16xi32>, vector<16xi32>], vector<16xf32>,
      %get3A_852 = arith.constant 3680 : index
      %get3A_853 = tpu.vector_load %arg16[%get3A_852] {strides = array<i32>} : memref<4096xf32, #tpu.memory_space<vmem>>, vector<16xf32>,
      %get3A_854 = arith.constant 3808 : index
      %get3A_855 = tpu.vector_load %arg16[%get3A_854] {strides = array<i32>} : memref<4096xf32, #tpu.memory_space<vmem>>, vector<16xf32>,
      %add3A_856 = arith.constant 1888 : i32
      %add3A_857 = vector.broadcast %add3A_856 : i32 to vector<16xi32>
      %add3A_858 = arith.addi %add3A_857, %iota3A : vector<16xi32>
      tpu.vector_store_idx %arg17[%add3A_858, %broadcast_in_dim3A_3], %get3A_853 : memref<2048x2xf32, #tpu.memory_space<vmem>>[vector<16xi32>, vector<16xi32>], vector<16xf32>,
      tpu.vector_store_idx %arg17[%add3A_858, %broadcast_in_dim3A_5], %get3A_855 : memref<2048x2xf32, #tpu.memory_space<vmem>>[vector<16xi32>, vector<16xi32>], vector<16xf32>,
      %get3A_859 = arith.constant 3696 : index
      %get3A_860 = tpu.vector_load %arg16[%get3A_859] {strides = array<i32>} : memref<4096xf32, #tpu.memory_space<vmem>>, vector<16xf32>,
      %get3A_861 = arith.constant 3824 : index
      %get3A_862 = tpu.vector_load %arg16[%get3A_861] {strides = array<i32>} : memref<4096xf32, #tpu.memory_space<vmem>>, vector<16xf32>,
      %add3A_863 = arith.constant 1904 : i32
      %add3A_864 = vector.broadcast %add3A_863 : i32 to vector<16xi32>
      %add3A_865 = arith.addi %add3A_864, %iota3A : vector<16xi32>
      tpu.vector_store_idx %arg17[%add3A_865, %broadcast_in_dim3A_3], %get3A_860 : memref<2048x2xf32, #tpu.memory_space<vmem>>[vector<16xi32>, vector<16xi32>], vector<16xf32>,
      tpu.vector_store_idx %arg17[%add3A_865, %broadcast_in_dim3A_5], %get3A_862 : memref<2048x2xf32, #tpu.memory_space<vmem>>[vector<16xi32>, vector<16xi32>], vector<16xf32>,
      %get3A_866 = arith.constant 3840 : index
      %get3A_867 = tpu.vector_load %arg16[%get3A_866] {strides = array<i32>} : memref<4096xf32, #tpu.memory_space<vmem>>, vector<16xf32>,
      %get3A_868 = arith.constant 3968 : index
      %get3A_869 = tpu.vector_load %arg16[%get3A_868] {strides = array<i32>} : memref<4096xf32, #tpu.memory_space<vmem>>, vector<16xf32>,
      %add3A_870 = arith.constant 1920 : i32
      %add3A_871 = vector.broadcast %add3A_870 : i32 to vector<16xi32>
      %add3A_872 = arith.addi %add3A_871, %iota3A : vector<16xi32>
      tpu.vector_store_idx %arg17[%add3A_872, %broadcast_in_dim3A_3], %get3A_867 : memref<2048x2xf32, #tpu.memory_space<vmem>>[vector<16xi32>, vector<16xi32>], vector<16xf32>,
      tpu.vector_store_idx %arg17[%add3A_872, %broadcast_in_dim3A_5], %get3A_869 : memref<2048x2xf32, #tpu.memory_space<vmem>>[vector<16xi32>, vector<16xi32>], vector<16xf32>,
      %get3A_873 = arith.constant 3856 : index
      %get3A_874 = tpu.vector_load %arg16[%get3A_873] {strides = array<i32>} : memref<4096xf32, #tpu.memory_space<vmem>>, vector<16xf32>,
      %get3A_875 = arith.constant 3984 : index
      %get3A_876 = tpu.vector_load %arg16[%get3A_875] {strides = array<i32>} : memref<4096xf32, #tpu.memory_space<vmem>>, vector<16xf32>,
      %add3A_877 = arith.constant 1936 : i32
      %add3A_878 = vector.broadcast %add3A_877 : i32 to vector<16xi32>
      %add3A_879 = arith.addi %add3A_878, %iota3A : vector<16xi32>
      tpu.vector_store_idx %arg17[%add3A_879, %broadcast_in_dim3A_3], %get3A_874 : memref<2048x2xf32, #tpu.memory_space<vmem>>[vector<16xi32>, vector<16xi32>], vector<16xf32>,
      tpu.vector_store_idx %arg17[%add3A_879, %broadcast_in_dim3A_5], %get3A_876 : memref<2048x2xf32, #tpu.memory_space<vmem>>[vector<16xi32>, vector<16xi32>], vector<16xf32>,
      %get3A_880 = arith.constant 3872 : index
      %get3A_881 = tpu.vector_load %arg16[%get3A_880] {strides = array<i32>} : memref<4096xf32, #tpu.memory_space<vmem>>, vector<16xf32>,
      %get3A_882 = arith.constant 4000 : index
      %get3A_883 = tpu.vector_load %arg16[%get3A_882] {strides = array<i32>} : memref<4096xf32, #tpu.memory_space<vmem>>, vector<16xf32>,
      %add3A_884 = arith.constant 1952 : i32
      %add3A_885 = vector.broadcast %add3A_884 : i32 to vector<16xi32>
      %add3A_886 = arith.addi %add3A_885, %iota3A : vector<16xi32>
      tpu.vector_store_idx %arg17[%add3A_886, %broadcast_in_dim3A_3], %get3A_881 : memref<2048x2xf32, #tpu.memory_space<vmem>>[vector<16xi32>, vector<16xi32>], vector<16xf32>,
      tpu.vector_store_idx %arg17[%add3A_886, %broadcast_in_dim3A_5], %get3A_883 : memref<2048x2xf32, #tpu.memory_space<vmem>>[vector<16xi32>, vector<16xi32>], vector<16xf32>,
      %get3A_887 = arith.constant 3888 : index
      %get3A_888 = tpu.vector_load %arg16[%get3A_887] {strides = array<i32>} : memref<4096xf32, #tpu.memory_space<vmem>>, vector<16xf32>,
      %get3A_889 = arith.constant 4016 : index
      %get3A_890 = tpu.vector_load %arg16[%get3A_889] {strides = array<i32>} : memref<4096xf32, #tpu.memory_space<vmem>>, vector<16xf32>,
      %add3A_891 = arith.constant 1968 : i32
      %add3A_892 = vector.broadcast %add3A_891 : i32 to vector<16xi32>
      %add3A_893 = arith.addi %add3A_892, %iota3A : vector<16xi32>
      tpu.vector_store_idx %arg17[%add3A_893, %broadcast_in_dim3A_3], %get3A_888 : memref<2048x2xf32, #tpu.memory_space<vmem>>[vector<16xi32>, vector<16xi32>], vector<16xf32>,
      tpu.vector_store_idx %arg17[%add3A_893, %broadcast_in_dim3A_5], %get3A_890 : memref<2048x2xf32, #tpu.memory_space<vmem>>[vector<16xi32>, vector<16xi32>], vector<16xf32>,
      %get3A_894 = arith.constant 3904 : index
      %get3A_895 = tpu.vector_load %arg16[%get3A_894] {strides = array<i32>} : memref<4096xf32, #tpu.memory_space<vmem>>, vector<16xf32>,
      %get3A_896 = arith.constant 4032 : index
      %get3A_897 = tpu.vector_load %arg16[%get3A_896] {strides = array<i32>} : memref<4096xf32, #tpu.memory_space<vmem>>, vector<16xf32>,
      %add3A_898 = arith.constant 1984 : i32
      %add3A_899 = vector.broadcast %add3A_898 : i32 to vector<16xi32>
      %add3A_900 = arith.addi %add3A_899, %iota3A : vector<16xi32>
      tpu.vector_store_idx %arg17[%add3A_900, %broadcast_in_dim3A_3], %get3A_895 : memref<2048x2xf32, #tpu.memory_space<vmem>>[vector<16xi32>, vector<16xi32>], vector<16xf32>,
      tpu.vector_store_idx %arg17[%add3A_900, %broadcast_in_dim3A_5], %get3A_897 : memref<2048x2xf32, #tpu.memory_space<vmem>>[vector<16xi32>, vector<16xi32>], vector<16xf32>,
      %get3A_901 = arith.constant 3920 : index
      %get3A_902 = tpu.vector_load %arg16[%get3A_901] {strides = array<i32>} : memref<4096xf32, #tpu.memory_space<vmem>>, vector<16xf32>,
      %get3A_903 = arith.constant 4048 : index
      %get3A_904 = tpu.vector_load %arg16[%get3A_903] {strides = array<i32>} : memref<4096xf32, #tpu.memory_space<vmem>>, vector<16xf32>,
      %add3A_905 = arith.constant 2000 : i32
      %add3A_906 = vector.broadcast %add3A_905 : i32 to vector<16xi32>
      %add3A_907 = arith.addi %add3A_906, %iota3A : vector<16xi32>
      tpu.vector_store_idx %arg17[%add3A_907, %broadcast_in_dim3A_3], %get3A_902 : memref<2048x2xf32, #tpu.memory_space<vmem>>[vector<16xi32>, vector<16xi32>], vector<16xf32>,
      tpu.vector_store_idx %arg17[%add3A_907, %broadcast_in_dim3A_5], %get3A_904 : memref<2048x2xf32, #tpu.memory_space<vmem>>[vector<16xi32>, vector<16xi32>], vector<16xf32>,
      %get3A_908 = arith.constant 3936 : index
      %get3A_909 = tpu.vector_load %arg16[%get3A_908] {strides = array<i32>} : memref<4096xf32, #tpu.memory_space<vmem>>, vector<16xf32>,
      %get3A_910 = arith.constant 4064 : index
      %get3A_911 = tpu.vector_load %arg16[%get3A_910] {strides = array<i32>} : memref<4096xf32, #tpu.memory_space<vmem>>, vector<16xf32>,
      %add3A_912 = arith.constant 2016 : i32
      %add3A_913 = vector.broadcast %add3A_912 : i32 to vector<16xi32>
      %add3A_914 = arith.addi %add3A_913, %iota3A : vector<16xi32>
      tpu.vector_store_idx %arg17[%add3A_914, %broadcast_in_dim3A_3], %get3A_909 : memref<2048x2xf32, #tpu.memory_space<vmem>>[vector<16xi32>, vector<16xi32>], vector<16xf32>,
      tpu.vector_store_idx %arg17[%add3A_914, %broadcast_in_dim3A_5], %get3A_911 : memref<2048x2xf32, #tpu.memory_space<vmem>>[vector<16xi32>, vector<16xi32>], vector<16xf32>,
      %get3A_915 = arith.constant 3952 : index
      %get3A_916 = tpu.vector_load %arg16[%get3A_915] {strides = array<i32>} : memref<4096xf32, #tpu.memory_space<vmem>>, vector<16xf32>,
      %get3A_917 = arith.constant 4080 : index
      %get3A_918 = tpu.vector_load %arg16[%get3A_917] {strides = array<i32>} : memref<4096xf32, #tpu.memory_space<vmem>>, vector<16xf32>,
      %add3A_919 = arith.constant 2032 : i32
      %add3A_920 = vector.broadcast %add3A_919 : i32 to vector<16xi32>
      %add3A_921 = arith.addi %add3A_920, %iota3A : vector<16xi32>
      tpu.vector_store_idx %arg17[%add3A_921, %broadcast_in_dim3A_3], %get3A_916 : memref<2048x2xf32, #tpu.memory_space<vmem>>[vector<16xi32>, vector<16xi32>], vector<16xf32>,
      tpu.vector_store_idx %arg17[%add3A_921, %broadcast_in_dim3A_5], %get3A_918 : memref<2048x2xf32, #tpu.memory_space<vmem>>[vector<16xi32>, vector<16xi32>], vector<16xf32>,
      %mul3A_922 = arith.constant 128 : i32
      %mul3A_923 = arith.muli %add3A_24, %mul3A_922 : i32
      "tpu.region"() ({
        %run_scoped3A = tpu.sem_alloc : memref<!tpu.dma_semaphore, #tpu.memory_space<semaphore_mem>>
        %dma_start3A = arith.constant 0 : i32
        %dma_start3A_924 = tpu.memref_slice %arg8[%mul3A_923, %dma_start3A] : memref<8388608x2xf32, #tpu.memory_space<hbm>> -> memref<2048x2xf32, #tpu.memory_space<hbm>>
        %dma_start3A_925 = arith.constant 0 : i32
        %dma_start3A_926 = tpu.memref_slice %arg8[%mul3A_923, %dma_start3A_925] : memref<8388608x2xf32, #tpu.memory_space<hbm>> -> memref<2048x2xf32, #tpu.memory_space<hbm>>
        tpu.enqueue_dma source(%arg17 : memref<2048x2xf32, #tpu.memory_space<vmem>>) target(%dma_start3A_926 : memref<2048x2xf32, #tpu.memory_space<hbm>>) target_semaphore(%run_scoped3A : memref<!tpu.dma_semaphore, #tpu.memory_space<semaphore_mem>>)
        %dma_wait3A = arith.constant 0 : i32
        %dma_wait3A_927 = tpu.memref_slice %arg8[%mul3A_923, %dma_wait3A] : memref<8388608x2xf32, #tpu.memory_space<hbm>> -> memref<2048x2xf32, #tpu.memory_space<hbm>>
        %dma_wait3A_928 = arith.constant 0 : i32
        %dma_wait3A_929 = tpu.memref_slice %arg8[%mul3A_923, %dma_wait3A_928] : memref<8388608x2xf32, #tpu.memory_space<hbm>> -> memref<2048x2xf32, #tpu.memory_space<hbm>>
        tpu.wait_dma2 semaphore(%run_scoped3A : memref<!tpu.dma_semaphore, #tpu.memory_space<semaphore_mem>>) src(%arg17 : memref<2048x2xf32, #tpu.memory_space<vmem>>) dst(%dma_wait3A_929 : memref<2048x2xf32, #tpu.memory_space<hbm>>)
        tpu.yield
      }) : () -> ()
    }
    %scan3A_9 = arith.constant 256 : i32
    %barrier3A = arith.constant 0 : index
    tpu.barrier barrier_id(%barrier3A)
    %scan3A_10 = arith.constant 0 : i32
    %scan3A_11 = arith.constant 8 : i32
    %scan3A_12 = arith.addi %scan3A_10, %scan3A_11 : i32
    %scan3A_13 = arith.constant 1 : i32
    scf.for %scan3A_15 = %scan3A_10 to %scan3A_12 step %scan3A_13  : i32 {
      %mul3A_16 = arith.constant 1 : i32
      %mul3A_17 = arith.muli %scan3A_15, %mul3A_16 : i32
      %add3A_18 = arith.constant 0 : i32
      %add3A_19 = arith.addi %add3A_18, %mul3A_17 : i32
      %mul3A_20 = arith.constant 1024 : i32
      %mul3A_21 = arith.muli %add3A_19, %mul3A_20 : i32
      %add3A_22 = arith.addi %mul3A_2, %mul3A_21 : i32
      "tpu.region"() ({
        %run_scoped3A = tpu.sem_alloc : memref<!tpu.dma_semaphore, #tpu.memory_space<semaphore_mem>>
        %dma_start3A = tpu.memref_slice %arg2[%add3A_22] : memref<262144xf32, #tpu.memory_space<hbm>> -> memref<1024xf32, #tpu.memory_space<hbm>>
        %dma_start3A_44 = tpu.memref_slice %arg2[%add3A_22] : memref<262144xf32, #tpu.memory_space<hbm>> -> memref<1024xf32, #tpu.memory_space<hbm>>
        tpu.enqueue_dma source(%dma_start3A_44 : memref<1024xf32, #tpu.memory_space<hbm>>) target(%arg9 : memref<1024xf32, #tpu.memory_space<vmem>>) target_semaphore(%run_scoped3A : memref<!tpu.dma_semaphore, #tpu.memory_space<semaphore_mem>>)
        %dma_wait3A = tpu.memref_slice %arg2[%add3A_22] : memref<262144xf32, #tpu.memory_space<hbm>> -> memref<1024xf32, #tpu.memory_space<hbm>>
        %dma_wait3A_45 = tpu.memref_slice %arg2[%add3A_22] : memref<262144xf32, #tpu.memory_space<hbm>> -> memref<1024xf32, #tpu.memory_space<hbm>>
        tpu.wait_dma2 semaphore(%run_scoped3A : memref<!tpu.dma_semaphore, #tpu.memory_space<semaphore_mem>>) src(%dma_wait3A_45 : memref<1024xf32, #tpu.memory_space<hbm>>) dst(%arg9 : memref<1024xf32, #tpu.memory_space<vmem>>)
        tpu.yield
      }) : () -> ()
      "tpu.region"() ({
        %run_scoped3A = tpu.sem_alloc : memref<!tpu.dma_semaphore, #tpu.memory_space<semaphore_mem>>
        %dma_start3A = tpu.memref_slice %arg3[%add3A_22] : memref<262144xf32, #tpu.memory_space<hbm>> -> memref<1024xf32, #tpu.memory_space<hbm>>
        %dma_start3A_44 = tpu.memref_slice %arg3[%add3A_22] : memref<262144xf32, #tpu.memory_space<hbm>> -> memref<1024xf32, #tpu.memory_space<hbm>>
        tpu.enqueue_dma source(%dma_start3A_44 : memref<1024xf32, #tpu.memory_space<hbm>>) target(%arg10 : memref<1024xf32, #tpu.memory_space<vmem>>) target_semaphore(%run_scoped3A : memref<!tpu.dma_semaphore, #tpu.memory_space<semaphore_mem>>)
        %dma_wait3A = tpu.memref_slice %arg3[%add3A_22] : memref<262144xf32, #tpu.memory_space<hbm>> -> memref<1024xf32, #tpu.memory_space<hbm>>
        %dma_wait3A_45 = tpu.memref_slice %arg3[%add3A_22] : memref<262144xf32, #tpu.memory_space<hbm>> -> memref<1024xf32, #tpu.memory_space<hbm>>
        tpu.wait_dma2 semaphore(%run_scoped3A : memref<!tpu.dma_semaphore, #tpu.memory_space<semaphore_mem>>) src(%dma_wait3A_45 : memref<1024xf32, #tpu.memory_space<hbm>>) dst(%arg10 : memref<1024xf32, #tpu.memory_space<vmem>>)
        tpu.yield
      }) : () -> ()
      "tpu.region"() ({
        %run_scoped3A = tpu.sem_alloc : memref<!tpu.dma_semaphore, #tpu.memory_space<semaphore_mem>>
        %dma_start3A = tpu.memref_slice %arg4[%add3A_22] : memref<262144xf32, #tpu.memory_space<hbm>> -> memref<1024xf32, #tpu.memory_space<hbm>>
        %dma_start3A_44 = tpu.memref_slice %arg4[%add3A_22] : memref<262144xf32, #tpu.memory_space<hbm>> -> memref<1024xf32, #tpu.memory_space<hbm>>
        tpu.enqueue_dma source(%dma_start3A_44 : memref<1024xf32, #tpu.memory_space<hbm>>) target(%arg11 : memref<1024xf32, #tpu.memory_space<vmem>>) target_semaphore(%run_scoped3A : memref<!tpu.dma_semaphore, #tpu.memory_space<semaphore_mem>>)
        %dma_wait3A = tpu.memref_slice %arg4[%add3A_22] : memref<262144xf32, #tpu.memory_space<hbm>> -> memref<1024xf32, #tpu.memory_space<hbm>>
        %dma_wait3A_45 = tpu.memref_slice %arg4[%add3A_22] : memref<262144xf32, #tpu.memory_space<hbm>> -> memref<1024xf32, #tpu.memory_space<hbm>>
        tpu.wait_dma2 semaphore(%run_scoped3A : memref<!tpu.dma_semaphore, #tpu.memory_space<semaphore_mem>>) src(%dma_wait3A_45 : memref<1024xf32, #tpu.memory_space<hbm>>) dst(%arg11 : memref<1024xf32, #tpu.memory_space<vmem>>)
        tpu.yield
      }) : () -> ()
      %scan3A_23 = arith.constant 0 : i32
      %scan3A_24 = arith.constant 16 : i32
      %scan3A_25 = arith.addi %scan3A_23, %scan3A_24 : i32
      %scan3A_26 = arith.constant 1 : i32
      scf.for %scan3A_44 = %scan3A_23 to %scan3A_25 step %scan3A_26  : i32 {
        %mul3A_45 = arith.constant 1 : i32
        %mul3A_46 = arith.muli %scan3A_44, %mul3A_45 : i32
        %add3A_47 = arith.constant 0 : i32
        %add3A_48 = arith.addi %add3A_47, %mul3A_46 : i32
        %mul3A_49 = arith.constant 16 : i32
        %mul3A_50 = arith.muli %add3A_48, %mul3A_49 : i32
        %get3A = arith.index_cast %mul3A_50 : i32 to index
        %get3A_51 = tpu.vector_load %arg12[%get3A] {strides = array<i32>} : memref<256xf32, #tpu.memory_space<vmem>>, vector<16xf32>,
        %broadcast_in_dim3A_52 = arith.constant 524288 : i32
        %broadcast_in_dim3A_53 = vector.broadcast %broadcast_in_dim3A_52 : i32 to vector<16xi32>
        %mul3A_54 = vector.broadcast %add3A_48 : i32 to vector<16xi32>
        %mul3A_55 = arith.muli %mul3A_54, %broadcast_in_dim3A_53 : vector<16xi32>
        %scan3A_56 = arith.constant 0 : i32
        %scan3A_57 = arith.constant 64 : i32
        %scan3A_58 = arith.addi %scan3A_56, %scan3A_57 : i32
        %scan3A_59 = arith.constant 1 : i32
        scf.for %scan3A_76 = %scan3A_56 to %scan3A_58 step %scan3A_59  : i32 {
          %mul3A_77 = arith.constant 1 : i32
          %mul3A_78 = arith.muli %scan3A_76, %mul3A_77 : i32
          %add3A_79 = arith.constant 0 : i32
          %add3A_80 = arith.addi %add3A_79, %mul3A_78 : i32
          %mul3A_81 = arith.constant 16 : i32
          %mul3A_82 = arith.muli %add3A_80, %mul3A_81 : i32
          %get3A_83 = arith.index_cast %mul3A_82 : i32 to index
          %get3A_84 = tpu.vector_load %arg9[%get3A_83] {strides = array<i32>} : memref<1024xf32, #tpu.memory_space<vmem>>, vector<16xf32>,
          %get3A_85 = arith.index_cast %mul3A_82 : i32 to index
          %get3A_86 = tpu.vector_load %arg10[%get3A_85] {strides = array<i32>} : memref<1024xf32, #tpu.memory_space<vmem>>, vector<16xf32>,
          %get3A_87 = arith.index_cast %mul3A_82 : i32 to index
          %get3A_88 = tpu.vector_load %arg11[%get3A_87] {strides = array<i32>} : memref<1024xf32, #tpu.memory_space<vmem>>, vector<16xf32>,
          %mul3A_89 = arith.mulf %get3A_51, %get3A_84 : vector<16xf32>
          %mul3A_90 = arith.mulf %get3A_51, %get3A_86 : vector<16xf32>
          %mul3A_91 = arith.mulf %get3A_51, %get3A_88 : vector<16xf32>
          %convert_element_type3A = arith.fptosi %mul3A_89 : vector<16xf32> to vector<16xi32>
          %convert_element_type3A_92 = arith.fptosi %mul3A_90 : vector<16xf32> to vector<16xi32>
          %convert_element_type3A_93 = arith.fptosi %mul3A_91 : vector<16xf32> to vector<16xi32>
          %convert_element_type3A_94 = arith.sitofp %convert_element_type3A : vector<16xi32> to vector<16xf32>
          %gt3A = arith.cmpf ogt, %mul3A_89, %convert_element_type3A_94 : vector<16xf32>
          %add3A_95 = arith.constant 1 : i32
          %add3A_96 = vector.broadcast %add3A_95 : i32 to vector<16xi32>
          %add3A_97 = arith.addi %convert_element_type3A, %add3A_96 : vector<16xi32>
          %select_n3A = arith.select %gt3A, %add3A_97, %convert_element_type3A : vector<16xi1>, vector<16xi32>
          %convert_element_type3A_98 = arith.sitofp %convert_element_type3A_92 : vector<16xi32> to vector<16xf32>
          %gt3A_99 = arith.cmpf ogt, %mul3A_90, %convert_element_type3A_98 : vector<16xf32>
          %add3A_100 = arith.constant 1 : i32
          %add3A_101 = vector.broadcast %add3A_100 : i32 to vector<16xi32>
          %add3A_102 = arith.addi %convert_element_type3A_92, %add3A_101 : vector<16xi32>
          %select_n3A_103 = arith.select %gt3A_99, %add3A_102, %convert_element_type3A_92 : vector<16xi1>, vector<16xi32>
          %convert_element_type3A_104 = arith.sitofp %convert_element_type3A_93 : vector<16xi32> to vector<16xf32>
          %gt3A_105 = arith.cmpf ogt, %mul3A_91, %convert_element_type3A_104 : vector<16xf32>
          %add3A_106 = arith.constant 1 : i32
          %add3A_107 = vector.broadcast %add3A_106 : i32 to vector<16xi32>
          %add3A_108 = arith.addi %convert_element_type3A_93, %add3A_107 : vector<16xi32>
          %select_n3A_109 = arith.select %gt3A_105, %add3A_108, %convert_element_type3A_93 : vector<16xi1>, vector<16xi32>
          %mul3A_110 = arith.constant -1640531535 : i32
          %mul3A_111 = vector.broadcast %mul3A_110 : i32 to vector<16xi32>
          %mul3A_112 = arith.muli %mul3A_111, %convert_element_type3A_92 : vector<16xi32>
          %mul3A_113 = arith.constant -1640531535 : i32
          %mul3A_114 = vector.broadcast %mul3A_113 : i32 to vector<16xi32>
          %mul3A_115 = arith.muli %mul3A_114, %select_n3A_103 : vector<16xi32>
          %mul3A_116 = arith.constant 805459861 : i32
          %mul3A_117 = vector.broadcast %mul3A_116 : i32 to vector<16xi32>
          %mul3A_118 = arith.muli %mul3A_117, %convert_element_type3A_93 : vector<16xi32>
          %mul3A_119 = arith.constant 805459861 : i32
          %mul3A_120 = vector.broadcast %mul3A_119 : i32 to vector<16xi32>
          %mul3A_121 = arith.muli %mul3A_120, %select_n3A_109 : vector<16xi32>
          %xor3A = arith.xori %mul3A_112, %mul3A_118 : vector<16xi32>
          %xor3A_122 = arith.xori %mul3A_115, %mul3A_118 : vector<16xi32>
          %xor3A_123 = arith.xori %mul3A_112, %mul3A_121 : vector<16xi32>
          %xor3A_124 = arith.xori %mul3A_115, %mul3A_121 : vector<16xi32>
          %xor3A_125 = arith.xori %convert_element_type3A, %xor3A : vector<16xi32>
          %xor3A_126 = arith.xori %select_n3A, %xor3A : vector<16xi32>
          %xor3A_127 = arith.xori %select_n3A, %xor3A_122 : vector<16xi32>
          %xor3A_128 = arith.xori %convert_element_type3A, %xor3A_122 : vector<16xi32>
          %xor3A_129 = arith.xori %convert_element_type3A, %xor3A_123 : vector<16xi32>
          %xor3A_130 = arith.xori %select_n3A, %xor3A_123 : vector<16xi32>
          %xor3A_131 = arith.xori %select_n3A, %xor3A_124 : vector<16xi32>
          %xor3A_132 = arith.xori %convert_element_type3A, %xor3A_124 : vector<16xi32>
          %and3A = arith.constant 524287 : i32
          %and3A_133 = vector.broadcast %and3A : i32 to vector<16xi32>
          %and3A_134 = arith.andi %xor3A_125, %and3A_133 : vector<16xi32>
          %add3A_135 = arith.addi %and3A_134, %mul3A_55 : vector<16xi32>
          %add3A_136 = arith.constant 0 : i32
          %add3A_137 = arith.addi %add3A_136, %mul3A_82 : i32
          %swap3A = arith.index_cast %add3A_137 : i32 to index
          %swap3A_138 = tpu.vector_load %arg13[%swap3A] {strides = array<i32>} : memref<8192xi32, #tpu.memory_space<vmem>>, vector<16xi32>,
          tpu.vector_store %arg13[%swap3A], %add3A_135 {strides = array<i32>} : memref<8192xi32, #tpu.memory_space<vmem>>, vector<16xi32>,
          %and3A_139 = arith.constant 524287 : i32
          %and3A_140 = vector.broadcast %and3A_139 : i32 to vector<16xi32>
          %and3A_141 = arith.andi %xor3A_126, %and3A_140 : vector<16xi32>
          %add3A_142 = arith.addi %and3A_141, %mul3A_55 : vector<16xi32>
          %add3A_143 = arith.constant 1024 : i32
          %add3A_144 = arith.addi %add3A_143, %mul3A_82 : i32
          %swap3A_145 = arith.index_cast %add3A_144 : i32 to index
          %swap3A_146 = tpu.vector_load %arg13[%swap3A_145] {strides = array<i32>} : memref<8192xi32, #tpu.memory_space<vmem>>, vector<16xi32>,
          tpu.vector_store %arg13[%swap3A_145], %add3A_142 {strides = array<i32>} : memref<8192xi32, #tpu.memory_space<vmem>>, vector<16xi32>,
          %and3A_147 = arith.constant 524287 : i32
          %and3A_148 = vector.broadcast %and3A_147 : i32 to vector<16xi32>
          %and3A_149 = arith.andi %xor3A_127, %and3A_148 : vector<16xi32>
          %add3A_150 = arith.addi %and3A_149, %mul3A_55 : vector<16xi32>
          %add3A_151 = arith.constant 2048 : i32
          %add3A_152 = arith.addi %add3A_151, %mul3A_82 : i32
          %swap3A_153 = arith.index_cast %add3A_152 : i32 to index
          %swap3A_154 = tpu.vector_load %arg13[%swap3A_153] {strides = array<i32>} : memref<8192xi32, #tpu.memory_space<vmem>>, vector<16xi32>,
          tpu.vector_store %arg13[%swap3A_153], %add3A_150 {strides = array<i32>} : memref<8192xi32, #tpu.memory_space<vmem>>, vector<16xi32>,
          %and3A_155 = arith.constant 524287 : i32
          %and3A_156 = vector.broadcast %and3A_155 : i32 to vector<16xi32>
          %and3A_157 = arith.andi %xor3A_128, %and3A_156 : vector<16xi32>
          %add3A_158 = arith.addi %and3A_157, %mul3A_55 : vector<16xi32>
          %add3A_159 = arith.constant 3072 : i32
          %add3A_160 = arith.addi %add3A_159, %mul3A_82 : i32
          %swap3A_161 = arith.index_cast %add3A_160 : i32 to index
          %swap3A_162 = tpu.vector_load %arg13[%swap3A_161] {strides = array<i32>} : memref<8192xi32, #tpu.memory_space<vmem>>, vector<16xi32>,
          tpu.vector_store %arg13[%swap3A_161], %add3A_158 {strides = array<i32>} : memref<8192xi32, #tpu.memory_space<vmem>>, vector<16xi32>,
          %and3A_163 = arith.constant 524287 : i32
          %and3A_164 = vector.broadcast %and3A_163 : i32 to vector<16xi32>
          %and3A_165 = arith.andi %xor3A_129, %and3A_164 : vector<16xi32>
          %add3A_166 = arith.addi %and3A_165, %mul3A_55 : vector<16xi32>
          %add3A_167 = arith.constant 4096 : i32
          %add3A_168 = arith.addi %add3A_167, %mul3A_82 : i32
          %swap3A_169 = arith.index_cast %add3A_168 : i32 to index
          %swap3A_170 = tpu.vector_load %arg13[%swap3A_169] {strides = array<i32>} : memref<8192xi32, #tpu.memory_space<vmem>>, vector<16xi32>,
          tpu.vector_store %arg13[%swap3A_169], %add3A_166 {strides = array<i32>} : memref<8192xi32, #tpu.memory_space<vmem>>, vector<16xi32>,
          %and3A_171 = arith.constant 524287 : i32
          %and3A_172 = vector.broadcast %and3A_171 : i32 to vector<16xi32>
          %and3A_173 = arith.andi %xor3A_130, %and3A_172 : vector<16xi32>
          %add3A_174 = arith.addi %and3A_173, %mul3A_55 : vector<16xi32>
          %add3A_175 = arith.constant 5120 : i32
          %add3A_176 = arith.addi %add3A_175, %mul3A_82 : i32
          %swap3A_177 = arith.index_cast %add3A_176 : i32 to index
          %swap3A_178 = tpu.vector_load %arg13[%swap3A_177] {strides = array<i32>} : memref<8192xi32, #tpu.memory_space<vmem>>, vector<16xi32>,
          tpu.vector_store %arg13[%swap3A_177], %add3A_174 {strides = array<i32>} : memref<8192xi32, #tpu.memory_space<vmem>>, vector<16xi32>,
          %and3A_179 = arith.constant 524287 : i32
          %and3A_180 = vector.broadcast %and3A_179 : i32 to vector<16xi32>
          %and3A_181 = arith.andi %xor3A_131, %and3A_180 : vector<16xi32>
          %add3A_182 = arith.addi %and3A_181, %mul3A_55 : vector<16xi32>
          %add3A_183 = arith.constant 6144 : i32
          %add3A_184 = arith.addi %add3A_183, %mul3A_82 : i32
          %swap3A_185 = arith.index_cast %add3A_184 : i32 to index
          %swap3A_186 = tpu.vector_load %arg13[%swap3A_185] {strides = array<i32>} : memref<8192xi32, #tpu.memory_space<vmem>>, vector<16xi32>,
          tpu.vector_store %arg13[%swap3A_185], %add3A_182 {strides = array<i32>} : memref<8192xi32, #tpu.memory_space<vmem>>, vector<16xi32>,
          %and3A_187 = arith.constant 524287 : i32
          %and3A_188 = vector.broadcast %and3A_187 : i32 to vector<16xi32>
          %and3A_189 = arith.andi %xor3A_132, %and3A_188 : vector<16xi32>
          %add3A_190 = arith.addi %and3A_189, %mul3A_55 : vector<16xi32>
          %add3A_191 = arith.constant 7168 : i32
          %add3A_192 = arith.addi %add3A_191, %mul3A_82 : i32
          %swap3A_193 = arith.index_cast %add3A_192 : i32 to index
          %swap3A_194 = tpu.vector_load %arg13[%swap3A_193] {strides = array<i32>} : memref<8192xi32, #tpu.memory_space<vmem>>, vector<16xi32>,
          tpu.vector_store %arg13[%swap3A_193], %add3A_190 {strides = array<i32>} : memref<8192xi32, #tpu.memory_space<vmem>>, vector<16xi32>,
        }
        %scan3A_60 = arith.constant 64 : i32
        %scan3A_61 = arith.constant 0 : i32
        %scan3A_62 = arith.constant 32 : i32
        %scan3A_63 = arith.addi %scan3A_61, %scan3A_62 : i32
        %scan3A_64 = arith.constant 1 : i32
        scf.for %scan3A_76 = %scan3A_61 to %scan3A_63 step %scan3A_64  : i32 {
          %mul3A_77 = arith.constant 1 : i32
          %mul3A_78 = arith.muli %scan3A_76, %mul3A_77 : i32
          %add3A_79 = arith.constant 0 : i32
          %add3A_80 = arith.addi %add3A_79, %mul3A_78 : i32
          %mul3A_81 = arith.constant 256 : i32
          %mul3A_82 = arith.muli %add3A_80, %mul3A_81 : i32
          %add3A_83 = arith.constant 0 : i32
          %add3A_84 = arith.addi %add3A_83, %mul3A_82 : i32
          %mul3A_85 = arith.constant 256 : i32
          %mul3A_86 = arith.muli %add3A_80, %mul3A_85 : i32
          %add3A_87 = arith.constant 0 : i32
          %add3A_88 = arith.addi %add3A_87, %mul3A_86 : i32
          %dma_start3A = arith.constant 0 : i32
          %dma_start3A_89 = tpu.memref_slice %arg14[%add3A_88, %dma_start3A] : memref<8192x2xf32, #tpu.memory_space<vmem>> -> memref<256x2xf32, #tpu.memory_space<vmem>>
          %dma_start3A_90 = tpu.memref_slice %arg13[%add3A_84] : memref<8192xi32, #tpu.memory_space<vmem>> -> memref<256xi32, #tpu.memory_space<vmem>>
          %dma_start3A_91 = arith.constant 0 : i32
          %dma_start3A_92 = arith.constant 0 : i32
          %dma_start3A_93 = tpu.memref_slice %arg8[%dma_start3A_91, %dma_start3A_92] : memref<8388608x2xf32, #tpu.memory_space<hbm>> -> memref<8388608x2xf32, #tpu.memory_space<hbm>>
          tpu.enqueue_indirect_dma source(%dma_start3A_93 : memref<8388608x2xf32, #tpu.memory_space<hbm>>) target(%dma_start3A_89 : memref<256x2xf32, #tpu.memory_space<vmem>>) offsets(%dma_start3A_90 : memref<256xi32, #tpu.memory_space<vmem>>) semaphore(%arg18 : memref<!tpu.dma_semaphore, #tpu.memory_space<semaphore_mem>>)
        }
        %scan3A_65 = arith.constant 32 : i32
        %scan3A_66 = arith.constant 0 : i32
        %scan3A_67 = arith.constant 32 : i32
        %scan3A_68 = arith.addi %scan3A_66, %scan3A_67 : i32
        %scan3A_69 = arith.constant 1 : i32
        scf.for %scan3A_76 = %scan3A_66 to %scan3A_68 step %scan3A_69  : i32 {
          %mul3A_77 = arith.constant 1 : i32
          %mul3A_78 = arith.muli %scan3A_76, %mul3A_77 : i32
          %add3A_79 = arith.constant 0 : i32
          %add3A_80 = arith.addi %add3A_79, %mul3A_78 : i32
          %dma_wait3A = arith.constant 0 : i32
          %dma_wait3A_81 = arith.constant 0 : i32
          %dma_wait3A_82 = tpu.memref_slice %arg14[%dma_wait3A, %dma_wait3A_81] : memref<8192x2xf32, #tpu.memory_space<vmem>> -> memref<256x2xf32, #tpu.memory_space<vmem>>
          %dma_wait3A_83 = arith.constant 0 : i32
          %dma_wait3A_84 = tpu.memref_slice %arg13[%dma_wait3A_83] : memref<8192xi32, #tpu.memory_space<vmem>> -> memref<256xi32, #tpu.memory_space<vmem>>
          %dma_wait3A_85 = arith.constant 0 : i32
          %dma_wait3A_86 = arith.constant 0 : i32
          %dma_wait3A_87 = tpu.memref_slice %arg8[%dma_wait3A_85, %dma_wait3A_86] : memref<8388608x2xf32, #tpu.memory_space<hbm>> -> memref<8388608x2xf32, #tpu.memory_space<hbm>>
          tpu.wait_indirect_dma semaphore(%arg18 : memref<!tpu.dma_semaphore, #tpu.memory_space<semaphore_mem>>) src(%dma_wait3A_87 : memref<8388608x2xf32, #tpu.memory_space<hbm>>) dst(%dma_wait3A_82 : memref<256x2xf32, #tpu.memory_space<vmem>>)
        }
        %scan3A_70 = arith.constant 32 : i32
        %scan3A_71 = arith.constant 0 : i32
        %scan3A_72 = arith.constant 64 : i32
        %scan3A_73 = arith.addi %scan3A_71, %scan3A_72 : i32
        %scan3A_74 = arith.constant 1 : i32
        scf.for %scan3A_76 = %scan3A_71 to %scan3A_73 step %scan3A_74  : i32 {
          %mul3A_77 = arith.constant 1 : i32
          %mul3A_78 = arith.muli %scan3A_76, %mul3A_77 : i32
          %add3A_79 = arith.constant 0 : i32
          %add3A_80 = arith.addi %add3A_79, %mul3A_78 : i32
          %mul3A_81 = arith.constant 16 : i32
          %mul3A_82 = arith.muli %add3A_80, %mul3A_81 : i32
          %get3A_83 = arith.index_cast %mul3A_82 : i32 to index
          %get3A_84 = tpu.vector_load %arg9[%get3A_83] {strides = array<i32>} : memref<1024xf32, #tpu.memory_space<vmem>>, vector<16xf32>,
          %get3A_85 = arith.index_cast %mul3A_82 : i32 to index
          %get3A_86 = tpu.vector_load %arg10[%get3A_85] {strides = array<i32>} : memref<1024xf32, #tpu.memory_space<vmem>>, vector<16xf32>,
          %get3A_87 = arith.index_cast %mul3A_82 : i32 to index
          %get3A_88 = tpu.vector_load %arg11[%get3A_87] {strides = array<i32>} : memref<1024xf32, #tpu.memory_space<vmem>>, vector<16xf32>,
          %convert_element_type3A = arith.fptosi %get3A_84 : vector<16xf32> to vector<16xi32>
          %convert_element_type3A_89 = arith.sitofp %convert_element_type3A : vector<16xi32> to vector<16xf32>
          %sub3A = arith.subf %get3A_84, %convert_element_type3A_89 : vector<16xf32>
          %convert_element_type3A_90 = arith.fptosi %get3A_86 : vector<16xf32> to vector<16xi32>
          %convert_element_type3A_91 = arith.sitofp %convert_element_type3A_90 : vector<16xi32> to vector<16xf32>
          %sub3A_92 = arith.subf %get3A_86, %convert_element_type3A_91 : vector<16xf32>
          %convert_element_type3A_93 = arith.fptosi %get3A_88 : vector<16xf32> to vector<16xi32>
          %convert_element_type3A_94 = arith.sitofp %convert_element_type3A_93 : vector<16xi32> to vector<16xf32>
          %sub3A_95 = arith.subf %get3A_88, %convert_element_type3A_94 : vector<16xf32>
          %sub3A_96 = arith.constant 1.000000e+00 : f32
          %sub3A_97 = vector.broadcast %sub3A_96 : f32 to vector<16xf32>
          %sub3A_98 = arith.subf %sub3A_97, %sub3A : vector<16xf32>
          %sub3A_99 = arith.constant 1.000000e+00 : f32
          %sub3A_100 = vector.broadcast %sub3A_99 : f32 to vector<16xf32>
          %sub3A_101 = arith.subf %sub3A_100, %sub3A_92 : vector<16xf32>
          %sub3A_102 = arith.constant 1.000000e+00 : f32
          %sub3A_103 = vector.broadcast %sub3A_102 : f32 to vector<16xf32>
          %sub3A_104 = arith.subf %sub3A_103, %sub3A_95 : vector<16xf32>
          %add3A_105 = vector.broadcast %mul3A_82 : i32 to vector<16xi32>
          %add3A_106 = arith.addi %add3A_105, %iota3A : vector<16xi32>
          %broadcast_in_dim3A_107 = arith.constant 0 : i32
          %broadcast_in_dim3A_108 = vector.broadcast %broadcast_in_dim3A_107 : i32 to vector<16xi32>
          %add3A_109 = arith.constant 0 : i32
          %add3A_110 = vector.broadcast %add3A_109 : i32 to vector<16xi32>
          %add3A_111 = arith.addi %add3A_110, %add3A_106 : vector<16xi32>
          %gather3A = tpu.vector_load_idx %arg14[%add3A_111, %broadcast_in_dim3A_108] : memref<8192x2xf32, #tpu.memory_space<vmem>>[vector<16xi32>, vector<16xi32>], vector<16xf32>,
          %add3A_112 = arith.constant 1024 : i32
          %add3A_113 = vector.broadcast %add3A_112 : i32 to vector<16xi32>
          %add3A_114 = arith.addi %add3A_113, %add3A_106 : vector<16xi32>
          %gather3A_115 = tpu.vector_load_idx %arg14[%add3A_114, %broadcast_in_dim3A_108] : memref<8192x2xf32, #tpu.memory_space<vmem>>[vector<16xi32>, vector<16xi32>], vector<16xf32>,
          %add3A_116 = arith.constant 2048 : i32
          %add3A_117 = vector.broadcast %add3A_116 : i32 to vector<16xi32>
          %add3A_118 = arith.addi %add3A_117, %add3A_106 : vector<16xi32>
          %gather3A_119 = tpu.vector_load_idx %arg14[%add3A_118, %broadcast_in_dim3A_108] : memref<8192x2xf32, #tpu.memory_space<vmem>>[vector<16xi32>, vector<16xi32>], vector<16xf32>,
          %add3A_120 = arith.constant 3072 : i32
          %add3A_121 = vector.broadcast %add3A_120 : i32 to vector<16xi32>
          %add3A_122 = arith.addi %add3A_121, %add3A_106 : vector<16xi32>
          %gather3A_123 = tpu.vector_load_idx %arg14[%add3A_122, %broadcast_in_dim3A_108] : memref<8192x2xf32, #tpu.memory_space<vmem>>[vector<16xi32>, vector<16xi32>], vector<16xf32>,
          %add3A_124 = arith.constant 4096 : i32
          %add3A_125 = vector.broadcast %add3A_124 : i32 to vector<16xi32>
          %add3A_126 = arith.addi %add3A_125, %add3A_106 : vector<16xi32>
          %gather3A_127 = tpu.vector_load_idx %arg14[%add3A_126, %broadcast_in_dim3A_108] : memref<8192x2xf32, #tpu.memory_space<vmem>>[vector<16xi32>, vector<16xi32>], vector<16xf32>,
          %add3A_128 = arith.constant 5120 : i32
          %add3A_129 = vector.broadcast %add3A_128 : i32 to vector<16xi32>
          %add3A_130 = arith.addi %add3A_129, %add3A_106 : vector<16xi32>
          %gather3A_131 = tpu.vector_load_idx %arg14[%add3A_130, %broadcast_in_dim3A_108] : memref<8192x2xf32, #tpu.memory_space<vmem>>[vector<16xi32>, vector<16xi32>], vector<16xf32>,
          %add3A_132 = arith.constant 6144 : i32
          %add3A_133 = vector.broadcast %add3A_132 : i32 to vector<16xi32>
          %add3A_134 = arith.addi %add3A_133, %add3A_106 : vector<16xi32>
          %gather3A_135 = tpu.vector_load_idx %arg14[%add3A_134, %broadcast_in_dim3A_108] : memref<8192x2xf32, #tpu.memory_space<vmem>>[vector<16xi32>, vector<16xi32>], vector<16xf32>,
          %add3A_136 = arith.constant 7168 : i32
          %add3A_137 = vector.broadcast %add3A_136 : i32 to vector<16xi32>
          %add3A_138 = arith.addi %add3A_137, %add3A_106 : vector<16xi32>
          %gather3A_139 = tpu.vector_load_idx %arg14[%add3A_138, %broadcast_in_dim3A_108] : memref<8192x2xf32, #tpu.memory_space<vmem>>[vector<16xi32>, vector<16xi32>], vector<16xf32>,
          %mul3A_140 = arith.mulf %gather3A, %sub3A_98 : vector<16xf32>
          %mul3A_141 = arith.mulf %gather3A_115, %sub3A : vector<16xf32>
          %add3A_142 = arith.addf %mul3A_140, %mul3A_141 : vector<16xf32>
          %mul3A_143 = arith.mulf %gather3A_127, %sub3A_98 : vector<16xf32>
          %mul3A_144 = arith.mulf %gather3A_131, %sub3A : vector<16xf32>
          %add3A_145 = arith.addf %mul3A_143, %mul3A_144 : vector<16xf32>
          %mul3A_146 = arith.mulf %gather3A_123, %sub3A_98 : vector<16xf32>
          %mul3A_147 = arith.mulf %gather3A_119, %sub3A : vector<16xf32>
          %add3A_148 = arith.addf %mul3A_146, %mul3A_147 : vector<16xf32>
          %mul3A_149 = arith.mulf %gather3A_139, %sub3A_98 : vector<16xf32>
          %mul3A_150 = arith.mulf %gather3A_135, %sub3A : vector<16xf32>
          %add3A_151 = arith.addf %mul3A_149, %mul3A_150 : vector<16xf32>
          %mul3A_152 = arith.mulf %add3A_142, %sub3A_101 : vector<16xf32>
          %mul3A_153 = arith.mulf %add3A_148, %sub3A_92 : vector<16xf32>
          %add3A_154 = arith.addf %mul3A_152, %mul3A_153 : vector<16xf32>
          %mul3A_155 = arith.mulf %add3A_145, %sub3A_101 : vector<16xf32>
          %mul3A_156 = arith.mulf %add3A_151, %sub3A_92 : vector<16xf32>
          %add3A_157 = arith.addf %mul3A_155, %mul3A_156 : vector<16xf32>
          %mul3A_158 = arith.mulf %add3A_154, %sub3A_104 : vector<16xf32>
          %mul3A_159 = arith.mulf %add3A_157, %sub3A_95 : vector<16xf32>
          %add3A_160 = arith.addf %mul3A_158, %mul3A_159 : vector<16xf32>
          %mul3A_161 = arith.constant 2 : i32
          %mul3A_162 = arith.muli %mul3A_161, %add3A_48 : i32
          %add3A_163 = arith.constant 0 : i32
          %add3A_164 = arith.addi %mul3A_162, %add3A_163 : i32
          %jit3A = arith.constant 8 : i32
          %div3A = arith.divsi %add3A_164, %jit3A : i32
          %sign3A = arith.constant 0 : i32
          %sign3A_165 = arith.cmpi sgt, %add3A_164, %sign3A : i32
          %sign3A_166 = arith.extui %sign3A_165 : i1 to i32
          %sign3A_167 = arith.constant 0 : i32
          %sign3A_168 = arith.cmpi slt, %add3A_164, %sign3A_167 : i32
          %sign3A_169 = arith.extui %sign3A_168 : i1 to i32
          %sign3A_170 = arith.subi %sign3A_166, %sign3A_169 : i32
          %sign3A_171 = arith.constant 0 : i32
          %sign3A_172 = arith.cmpi sgt, %jit3A, %sign3A_171 : i32
          %sign3A_173 = arith.extui %sign3A_172 : i1 to i32
          %sign3A_174 = arith.constant 0 : i32
          %sign3A_175 = arith.cmpi slt, %jit3A, %sign3A_174 : i32
          %sign3A_176 = arith.extui %sign3A_175 : i1 to i32
          %sign3A_177 = arith.subi %sign3A_173, %sign3A_176 : i32
          %ne3A = arith.cmpi ne, %sign3A_170, %sign3A_177 : i32
          %rem3A = arith.remsi %add3A_164, %jit3A : i32
          %ne3A_178 = arith.constant 0 : i32
          %ne3A_179 = arith.cmpi ne, %rem3A, %ne3A_178 : i32
          %and3A = arith.andi %ne3A, %ne3A_179 : i1
          %sub3A_180 = arith.constant 1 : i32
          %sub3A_181 = arith.subi %div3A, %sub3A_180 : i32
          %select_n3A = arith.select %and3A, %sub3A_181, %div3A : i32
          %mul3A_182 = arith.constant 8192 : i32
          %mul3A_183 = arith.muli %select_n3A, %mul3A_182 : i32
          %shift_right_arithmetic3A = arith.constant 7 : i32
          %shift_right_arithmetic3A_184 = arith.shrsi %mul3A_82, %shift_right_arithmetic3A : i32
          %shift_left3A = arith.constant 10 : i32
          %shift_left3A_185 = arith.shli %shift_right_arithmetic3A_184, %shift_left3A : i32
          %add3A_186 = arith.addi %mul3A_183, %shift_left3A_185 : i32
          %jit3A_187 = arith.constant 8 : i32
          %eq3A = arith.constant 0 : i32
          %eq3A_188 = arith.cmpi eq, %jit3A_187, %eq3A : i32
          %jit3A_189 = arith.constant 1 : i32
          %select_n3A_190 = arith.select %eq3A_188, %jit3A_189, %jit3A_187 : i32
          %rem3A_191 = arith.remsi %add3A_164, %select_n3A_190 : i32
          %ne3A_192 = arith.constant 0 : i32
          %ne3A_193 = arith.cmpi ne, %rem3A_191, %ne3A_192 : i32
          %lt3A = arith.constant 0 : i32
          %lt3A_194 = arith.cmpi slt, %rem3A_191, %lt3A : i32
          %lt3A_195 = arith.constant 0 : i32
          %lt3A_196 = arith.cmpi slt, %select_n3A_190, %lt3A_195 : i32
          %ne3A_197 = arith.xori %lt3A_194, %lt3A_196 : i1
          %and3A_198 = arith.andi %ne3A_197, %ne3A_193 : i1
          %add3A_199 = arith.addi %rem3A_191, %select_n3A_190 : i32
          %select_n3A_200 = arith.select %and3A_198, %add3A_199, %rem3A_191 : i32
          %mul3A_201 = arith.constant 128 : i32
          %mul3A_202 = arith.muli %select_n3A_200, %mul3A_201 : i32
          %add3A_203 = arith.addi %add3A_186, %mul3A_202 : i32
          %and3A_204 = arith.constant 127 : i32
          %and3A_205 = arith.andi %mul3A_82, %and3A_204 : i32
          %add3A_206 = arith.addi %add3A_203, %and3A_205 : i32
          %swap3A = arith.index_cast %add3A_206 : i32 to index
          %swap3A_207 = tpu.vector_load %arg15[%swap3A] {strides = array<i32>} : memref<32768xf32, #tpu.memory_space<vmem>>, vector<16xf32>,
          tpu.vector_store %arg15[%swap3A], %add3A_160 {strides = array<i32>} : memref<32768xf32, #tpu.memory_space<vmem>>, vector<16xf32>,
          %broadcast_in_dim3A_208 = arith.constant 1 : i32
          %broadcast_in_dim3A_209 = vector.broadcast %broadcast_in_dim3A_208 : i32 to vector<16xi32>
          %add3A_210 = arith.constant 0 : i32
          %add3A_211 = vector.broadcast %add3A_210 : i32 to vector<16xi32>
          %add3A_212 = arith.addi %add3A_211, %add3A_106 : vector<16xi32>
          %gather3A_213 = tpu.vector_load_idx %arg14[%add3A_212, %broadcast_in_dim3A_209] : memref<8192x2xf32, #tpu.memory_space<vmem>>[vector<16xi32>, vector<16xi32>], vector<16xf32>,
          %add3A_214 = arith.constant 1024 : i32
          %add3A_215 = vector.broadcast %add3A_214 : i32 to vector<16xi32>
          %add3A_216 = arith.addi %add3A_215, %add3A_106 : vector<16xi32>
          %gather3A_217 = tpu.vector_load_idx %arg14[%add3A_216, %broadcast_in_dim3A_209] : memref<8192x2xf32, #tpu.memory_space<vmem>>[vector<16xi32>, vector<16xi32>], vector<16xf32>,
          %add3A_218 = arith.constant 2048 : i32
          %add3A_219 = vector.broadcast %add3A_218 : i32 to vector<16xi32>
          %add3A_220 = arith.addi %add3A_219, %add3A_106 : vector<16xi32>
          %gather3A_221 = tpu.vector_load_idx %arg14[%add3A_220, %broadcast_in_dim3A_209] : memref<8192x2xf32, #tpu.memory_space<vmem>>[vector<16xi32>, vector<16xi32>], vector<16xf32>,
          %add3A_222 = arith.constant 3072 : i32
          %add3A_223 = vector.broadcast %add3A_222 : i32 to vector<16xi32>
          %add3A_224 = arith.addi %add3A_223, %add3A_106 : vector<16xi32>
          %gather3A_225 = tpu.vector_load_idx %arg14[%add3A_224, %broadcast_in_dim3A_209] : memref<8192x2xf32, #tpu.memory_space<vmem>>[vector<16xi32>, vector<16xi32>], vector<16xf32>,
          %add3A_226 = arith.constant 4096 : i32
          %add3A_227 = vector.broadcast %add3A_226 : i32 to vector<16xi32>
          %add3A_228 = arith.addi %add3A_227, %add3A_106 : vector<16xi32>
          %gather3A_229 = tpu.vector_load_idx %arg14[%add3A_228, %broadcast_in_dim3A_209] : memref<8192x2xf32, #tpu.memory_space<vmem>>[vector<16xi32>, vector<16xi32>], vector<16xf32>,
          %add3A_230 = arith.constant 5120 : i32
          %add3A_231 = vector.broadcast %add3A_230 : i32 to vector<16xi32>
          %add3A_232 = arith.addi %add3A_231, %add3A_106 : vector<16xi32>
          %gather3A_233 = tpu.vector_load_idx %arg14[%add3A_232, %broadcast_in_dim3A_209] : memref<8192x2xf32, #tpu.memory_space<vmem>>[vector<16xi32>, vector<16xi32>], vector<16xf32>,
          %add3A_234 = arith.constant 6144 : i32
          %add3A_235 = vector.broadcast %add3A_234 : i32 to vector<16xi32>
          %add3A_236 = arith.addi %add3A_235, %add3A_106 : vector<16xi32>
          %gather3A_237 = tpu.vector_load_idx %arg14[%add3A_236, %broadcast_in_dim3A_209] : memref<8192x2xf32, #tpu.memory_space<vmem>>[vector<16xi32>, vector<16xi32>], vector<16xf32>,
          %add3A_238 = arith.constant 7168 : i32
          %add3A_239 = vector.broadcast %add3A_238 : i32 to vector<16xi32>
          %add3A_240 = arith.addi %add3A_239, %add3A_106 : vector<16xi32>
          %gather3A_241 = tpu.vector_load_idx %arg14[%add3A_240, %broadcast_in_dim3A_209] : memref<8192x2xf32, #tpu.memory_space<vmem>>[vector<16xi32>, vector<16xi32>], vector<16xf32>,
          %mul3A_242 = arith.mulf %gather3A_213, %sub3A_98 : vector<16xf32>
          %mul3A_243 = arith.mulf %gather3A_217, %sub3A : vector<16xf32>
          %add3A_244 = arith.addf %mul3A_242, %mul3A_243 : vector<16xf32>
          %mul3A_245 = arith.mulf %gather3A_229, %sub3A_98 : vector<16xf32>
          %mul3A_246 = arith.mulf %gather3A_233, %sub3A : vector<16xf32>
          %add3A_247 = arith.addf %mul3A_245, %mul3A_246 : vector<16xf32>
          %mul3A_248 = arith.mulf %gather3A_225, %sub3A_98 : vector<16xf32>
          %mul3A_249 = arith.mulf %gather3A_221, %sub3A : vector<16xf32>
          %add3A_250 = arith.addf %mul3A_248, %mul3A_249 : vector<16xf32>
          %mul3A_251 = arith.mulf %gather3A_241, %sub3A_98 : vector<16xf32>
          %mul3A_252 = arith.mulf %gather3A_237, %sub3A : vector<16xf32>
          %add3A_253 = arith.addf %mul3A_251, %mul3A_252 : vector<16xf32>
          %mul3A_254 = arith.mulf %add3A_244, %sub3A_101 : vector<16xf32>
          %mul3A_255 = arith.mulf %add3A_250, %sub3A_92 : vector<16xf32>
          %add3A_256 = arith.addf %mul3A_254, %mul3A_255 : vector<16xf32>
          %mul3A_257 = arith.mulf %add3A_247, %sub3A_101 : vector<16xf32>
          %mul3A_258 = arith.mulf %add3A_253, %sub3A_92 : vector<16xf32>
          %add3A_259 = arith.addf %mul3A_257, %mul3A_258 : vector<16xf32>
          %mul3A_260 = arith.mulf %add3A_256, %sub3A_104 : vector<16xf32>
          %mul3A_261 = arith.mulf %add3A_259, %sub3A_95 : vector<16xf32>
          %add3A_262 = arith.addf %mul3A_260, %mul3A_261 : vector<16xf32>
          %mul3A_263 = arith.constant 2 : i32
          %mul3A_264 = arith.muli %mul3A_263, %add3A_48 : i32
          %add3A_265 = arith.constant 1 : i32
          %add3A_266 = arith.addi %mul3A_264, %add3A_265 : i32
          %jit3A_267 = arith.constant 8 : i32
          %div3A_268 = arith.divsi %add3A_266, %jit3A_267 : i32
          %sign3A_269 = arith.constant 0 : i32
          %sign3A_270 = arith.cmpi sgt, %add3A_266, %sign3A_269 : i32
          %sign3A_271 = arith.extui %sign3A_270 : i1 to i32
          %sign3A_272 = arith.constant 0 : i32
          %sign3A_273 = arith.cmpi slt, %add3A_266, %sign3A_272 : i32
          %sign3A_274 = arith.extui %sign3A_273 : i1 to i32
          %sign3A_275 = arith.subi %sign3A_271, %sign3A_274 : i32
          %sign3A_276 = arith.constant 0 : i32
          %sign3A_277 = arith.cmpi sgt, %jit3A_267, %sign3A_276 : i32
          %sign3A_278 = arith.extui %sign3A_277 : i1 to i32
          %sign3A_279 = arith.constant 0 : i32
          %sign3A_280 = arith.cmpi slt, %jit3A_267, %sign3A_279 : i32
          %sign3A_281 = arith.extui %sign3A_280 : i1 to i32
          %sign3A_282 = arith.subi %sign3A_278, %sign3A_281 : i32
          %ne3A_283 = arith.cmpi ne, %sign3A_275, %sign3A_282 : i32
          %rem3A_284 = arith.remsi %add3A_266, %jit3A_267 : i32
          %ne3A_285 = arith.constant 0 : i32
          %ne3A_286 = arith.cmpi ne, %rem3A_284, %ne3A_285 : i32
          %and3A_287 = arith.andi %ne3A_283, %ne3A_286 : i1
          %sub3A_288 = arith.constant 1 : i32
          %sub3A_289 = arith.subi %div3A_268, %sub3A_288 : i32
          %select_n3A_290 = arith.select %and3A_287, %sub3A_289, %div3A_268 : i32
          %mul3A_291 = arith.constant 8192 : i32
          %mul3A_292 = arith.muli %select_n3A_290, %mul3A_291 : i32
          %shift_right_arithmetic3A_293 = arith.constant 7 : i32
          %shift_right_arithmetic3A_294 = arith.shrsi %mul3A_82, %shift_right_arithmetic3A_293 : i32
          %shift_left3A_295 = arith.constant 10 : i32
          %shift_left3A_296 = arith.shli %shift_right_arithmetic3A_294, %shift_left3A_295 : i32
          %add3A_297 = arith.addi %mul3A_292, %shift_left3A_296 : i32
          %jit3A_298 = arith.constant 8 : i32
          %eq3A_299 = arith.constant 0 : i32
          %eq3A_300 = arith.cmpi eq, %jit3A_298, %eq3A_299 : i32
          %jit3A_301 = arith.constant 1 : i32
          %select_n3A_302 = arith.select %eq3A_300, %jit3A_301, %jit3A_298 : i32
          %rem3A_303 = arith.remsi %add3A_266, %select_n3A_302 : i32
          %ne3A_304 = arith.constant 0 : i32
          %ne3A_305 = arith.cmpi ne, %rem3A_303, %ne3A_304 : i32
          %lt3A_306 = arith.constant 0 : i32
          %lt3A_307 = arith.cmpi slt, %rem3A_303, %lt3A_306 : i32
          %lt3A_308 = arith.constant 0 : i32
          %lt3A_309 = arith.cmpi slt, %select_n3A_302, %lt3A_308 : i32
          %ne3A_310 = arith.xori %lt3A_307, %lt3A_309 : i1
          %and3A_311 = arith.andi %ne3A_310, %ne3A_305 : i1
          %add3A_312 = arith.addi %rem3A_303, %select_n3A_302 : i32
          %select_n3A_313 = arith.select %and3A_311, %add3A_312, %rem3A_303 : i32
          %mul3A_314 = arith.constant 128 : i32
          %mul3A_315 = arith.muli %select_n3A_313, %mul3A_314 : i32
          %add3A_316 = arith.addi %add3A_297, %mul3A_315 : i32
          %and3A_317 = arith.constant 127 : i32
          %and3A_318 = arith.andi %mul3A_82, %and3A_317 : i32
          %add3A_319 = arith.addi %add3A_316, %and3A_318 : i32
          %swap3A_320 = arith.index_cast %add3A_319 : i32 to index
          %swap3A_321 = tpu.vector_load %arg15[%swap3A_320] {strides = array<i32>} : memref<32768xf32, #tpu.memory_space<vmem>>, vector<16xf32>,
          tpu.vector_store %arg15[%swap3A_320], %add3A_262 {strides = array<i32>} : memref<32768xf32, #tpu.memory_space<vmem>>, vector<16xf32>,
        }
        %scan3A_75 = arith.constant 64 : i32
      }
      %scan3A_27 = arith.constant 16 : i32
      %mul3A_28 = arith.constant 8 : i32
      %mul3A_29 = arith.muli %add3A_22, %mul3A_28 : i32
      %add3A_30 = arith.constant 0 : i32
      %add3A_31 = arith.addi %add3A_30, %mul3A_29 : i32
      "tpu.region"() ({
        %run_scoped3A = tpu.sem_alloc : memref<!tpu.dma_semaphore, #tpu.memory_space<semaphore_mem>>
        %dma_start3A = arith.constant 0 : i32
        %dma_start3A_44 = tpu.memref_slice %arg15[%dma_start3A] : memref<32768xf32, #tpu.memory_space<vmem>> -> memref<8192xf32, #tpu.memory_space<vmem>>
        %dma_start3A_45 = tpu.memref_slice %arg7[%add3A_31] : memref<8388608xf32, #tpu.memory_space<hbm>> -> memref<8192xf32, #tpu.memory_space<hbm>>
        %dma_start3A_46 = tpu.memref_slice %arg7[%add3A_31] : memref<8388608xf32, #tpu.memory_space<hbm>> -> memref<8192xf32, #tpu.memory_space<hbm>>
        %dma_start3A_47 = arith.constant 0 : i32
        %dma_start3A_48 = tpu.memref_slice %arg15[%dma_start3A_47] : memref<32768xf32, #tpu.memory_space<vmem>> -> memref<8192xf32, #tpu.memory_space<vmem>>
        tpu.enqueue_dma source(%dma_start3A_48 : memref<8192xf32, #tpu.memory_space<vmem>>) target(%dma_start3A_46 : memref<8192xf32, #tpu.memory_space<hbm>>) target_semaphore(%run_scoped3A : memref<!tpu.dma_semaphore, #tpu.memory_space<semaphore_mem>>)
        %dma_wait3A = arith.constant 0 : i32
        %dma_wait3A_49 = tpu.memref_slice %arg15[%dma_wait3A] : memref<32768xf32, #tpu.memory_space<vmem>> -> memref<8192xf32, #tpu.memory_space<vmem>>
        %dma_wait3A_50 = tpu.memref_slice %arg7[%add3A_31] : memref<8388608xf32, #tpu.memory_space<hbm>> -> memref<8192xf32, #tpu.memory_space<hbm>>
        %dma_wait3A_51 = tpu.memref_slice %arg7[%add3A_31] : memref<8388608xf32, #tpu.memory_space<hbm>> -> memref<8192xf32, #tpu.memory_space<hbm>>
        %dma_wait3A_52 = arith.constant 0 : i32
        %dma_wait3A_53 = tpu.memref_slice %arg15[%dma_wait3A_52] : memref<32768xf32, #tpu.memory_space<vmem>> -> memref<8192xf32, #tpu.memory_space<vmem>>
        tpu.wait_dma2 semaphore(%run_scoped3A : memref<!tpu.dma_semaphore, #tpu.memory_space<semaphore_mem>>) src(%dma_wait3A_53 : memref<8192xf32, #tpu.memory_space<vmem>>) dst(%dma_wait3A_51 : memref<8192xf32, #tpu.memory_space<hbm>>)
        tpu.yield
      }) : () -> ()
      %mul3A_32 = arith.constant 8 : i32
      %mul3A_33 = arith.muli %add3A_22, %mul3A_32 : i32
      %add3A_34 = arith.constant 2097152 : i32
      %add3A_35 = arith.addi %add3A_34, %mul3A_33 : i32
      "tpu.region"() ({
        %run_scoped3A = tpu.sem_alloc : memref<!tpu.dma_semaphore, #tpu.memory_space<semaphore_mem>>
        %dma_start3A = arith.constant 8192 : i32
        %dma_start3A_44 = tpu.memref_slice %arg15[%dma_start3A] : memref<32768xf32, #tpu.memory_space<vmem>> -> memref<8192xf32, #tpu.memory_space<vmem>>
        %dma_start3A_45 = tpu.memref_slice %arg7[%add3A_35] : memref<8388608xf32, #tpu.memory_space<hbm>> -> memref<8192xf32, #tpu.memory_space<hbm>>
        %dma_start3A_46 = tpu.memref_slice %arg7[%add3A_35] : memref<8388608xf32, #tpu.memory_space<hbm>> -> memref<8192xf32, #tpu.memory_space<hbm>>
        %dma_start3A_47 = arith.constant 8192 : i32
        %dma_start3A_48 = tpu.memref_slice %arg15[%dma_start3A_47] : memref<32768xf32, #tpu.memory_space<vmem>> -> memref<8192xf32, #tpu.memory_space<vmem>>
        tpu.enqueue_dma source(%dma_start3A_48 : memref<8192xf32, #tpu.memory_space<vmem>>) target(%dma_start3A_46 : memref<8192xf32, #tpu.memory_space<hbm>>) target_semaphore(%run_scoped3A : memref<!tpu.dma_semaphore, #tpu.memory_space<semaphore_mem>>)
        %dma_wait3A = arith.constant 8192 : i32
        %dma_wait3A_49 = tpu.memref_slice %arg15[%dma_wait3A] : memref<32768xf32, #tpu.memory_space<vmem>> -> memref<8192xf32, #tpu.memory_space<vmem>>
        %dma_wait3A_50 = tpu.memref_slice %arg7[%add3A_35] : memref<8388608xf32, #tpu.memory_space<hbm>> -> memref<8192xf32, #tpu.memory_space<hbm>>
        %dma_wait3A_51 = tpu.memref_slice %arg7[%add3A_35] : memref<8388608xf32, #tpu.memory_space<hbm>> -> memref<8192xf32, #tpu.memory_space<hbm>>
        %dma_wait3A_52 = arith.constant 8192 : i32
        %dma_wait3A_53 = tpu.memref_slice %arg15[%dma_wait3A_52] : memref<32768xf32, #tpu.memory_space<vmem>> -> memref<8192xf32, #tpu.memory_space<vmem>>
        tpu.wait_dma2 semaphore(%run_scoped3A : memref<!tpu.dma_semaphore, #tpu.memory_space<semaphore_mem>>) src(%dma_wait3A_53 : memref<8192xf32, #tpu.memory_space<vmem>>) dst(%dma_wait3A_51 : memref<8192xf32, #tpu.memory_space<hbm>>)
        tpu.yield
      }) : () -> ()
      %mul3A_36 = arith.constant 8 : i32
      %mul3A_37 = arith.muli %add3A_22, %mul3A_36 : i32
      %add3A_38 = arith.constant 4194304 : i32
      %add3A_39 = arith.addi %add3A_38, %mul3A_37 : i32
      "tpu.region"() ({
        %run_scoped3A = tpu.sem_alloc : memref<!tpu.dma_semaphore, #tpu.memory_space<semaphore_mem>>
        %dma_start3A = arith.constant 16384 : i32
        %dma_start3A_44 = tpu.memref_slice %arg15[%dma_start3A] : memref<32768xf32, #tpu.memory_space<vmem>> -> memref<8192xf32, #tpu.memory_space<vmem>>
        %dma_start3A_45 = tpu.memref_slice %arg7[%add3A_39] : memref<8388608xf32, #tpu.memory_space<hbm>> -> memref<8192xf32, #tpu.memory_space<hbm>>
        %dma_start3A_46 = tpu.memref_slice %arg7[%add3A_39] : memref<8388608xf32, #tpu.memory_space<hbm>> -> memref<8192xf32, #tpu.memory_space<hbm>>
        %dma_start3A_47 = arith.constant 16384 : i32
        %dma_start3A_48 = tpu.memref_slice %arg15[%dma_start3A_47] : memref<32768xf32, #tpu.memory_space<vmem>> -> memref<8192xf32, #tpu.memory_space<vmem>>
        tpu.enqueue_dma source(%dma_start3A_48 : memref<8192xf32, #tpu.memory_space<vmem>>) target(%dma_start3A_46 : memref<8192xf32, #tpu.memory_space<hbm>>) target_semaphore(%run_scoped3A : memref<!tpu.dma_semaphore, #tpu.memory_space<semaphore_mem>>)
        %dma_wait3A = arith.constant 16384 : i32
        %dma_wait3A_49 = tpu.memref_slice %arg15[%dma_wait3A] : memref<32768xf32, #tpu.memory_space<vmem>> -> memref<8192xf32, #tpu.memory_space<vmem>>
        %dma_wait3A_50 = tpu.memref_slice %arg7[%add3A_39] : memref<8388608xf32, #tpu.memory_space<hbm>> -> memref<8192xf32, #tpu.memory_space<hbm>>
        %dma_wait3A_51 = tpu.memref_slice %arg7[%add3A_39] : memref<8388608xf32, #tpu.memory_space<hbm>> -> memref<8192xf32, #tpu.memory_space<hbm>>
        %dma_wait3A_52 = arith.constant 16384 : i32
        %dma_wait3A_53 = tpu.memref_slice %arg15[%dma_wait3A_52] : memref<32768xf32, #tpu.memory_space<vmem>> -> memref<8192xf32, #tpu.memory_space<vmem>>
        tpu.wait_dma2 semaphore(%run_scoped3A : memref<!tpu.dma_semaphore, #tpu.memory_space<semaphore_mem>>) src(%dma_wait3A_53 : memref<8192xf32, #tpu.memory_space<vmem>>) dst(%dma_wait3A_51 : memref<8192xf32, #tpu.memory_space<hbm>>)
        tpu.yield
      }) : () -> ()
      %mul3A_40 = arith.constant 8 : i32
      %mul3A_41 = arith.muli %add3A_22, %mul3A_40 : i32
      %add3A_42 = arith.constant 6291456 : i32
      %add3A_43 = arith.addi %add3A_42, %mul3A_41 : i32
      "tpu.region"() ({
        %run_scoped3A = tpu.sem_alloc : memref<!tpu.dma_semaphore, #tpu.memory_space<semaphore_mem>>
        %dma_start3A = arith.constant 24576 : i32
        %dma_start3A_44 = tpu.memref_slice %arg15[%dma_start3A] : memref<32768xf32, #tpu.memory_space<vmem>> -> memref<8192xf32, #tpu.memory_space<vmem>>
        %dma_start3A_45 = tpu.memref_slice %arg7[%add3A_43] : memref<8388608xf32, #tpu.memory_space<hbm>> -> memref<8192xf32, #tpu.memory_space<hbm>>
        %dma_start3A_46 = tpu.memref_slice %arg7[%add3A_43] : memref<8388608xf32, #tpu.memory_space<hbm>> -> memref<8192xf32, #tpu.memory_space<hbm>>
        %dma_start3A_47 = arith.constant 24576 : i32
        %dma_start3A_48 = tpu.memref_slice %arg15[%dma_start3A_47] : memref<32768xf32, #tpu.memory_space<vmem>> -> memref<8192xf32, #tpu.memory_space<vmem>>
        tpu.enqueue_dma source(%dma_start3A_48 : memref<8192xf32, #tpu.memory_space<vmem>>) target(%dma_start3A_46 : memref<8192xf32, #tpu.memory_space<hbm>>) target_semaphore(%run_scoped3A : memref<!tpu.dma_semaphore, #tpu.memory_space<semaphore_mem>>)
        %dma_wait3A = arith.constant 24576 : i32
        %dma_wait3A_49 = tpu.memref_slice %arg15[%dma_wait3A] : memref<32768xf32, #tpu.memory_space<vmem>> -> memref<8192xf32, #tpu.memory_space<vmem>>
        %dma_wait3A_50 = tpu.memref_slice %arg7[%add3A_43] : memref<8388608xf32, #tpu.memory_space<hbm>> -> memref<8192xf32, #tpu.memory_space<hbm>>
        %dma_wait3A_51 = tpu.memref_slice %arg7[%add3A_43] : memref<8388608xf32, #tpu.memory_space<hbm>> -> memref<8192xf32, #tpu.memory_space<hbm>>
        %dma_wait3A_52 = arith.constant 24576 : i32
        %dma_wait3A_53 = tpu.memref_slice %arg15[%dma_wait3A_52] : memref<32768xf32, #tpu.memory_space<vmem>> -> memref<8192xf32, #tpu.memory_space<vmem>>
        tpu.wait_dma2 semaphore(%run_scoped3A : memref<!tpu.dma_semaphore, #tpu.memory_space<semaphore_mem>>) src(%dma_wait3A_53 : memref<8192xf32, #tpu.memory_space<vmem>>) dst(%dma_wait3A_51 : memref<8192xf32, #tpu.memory_space<hbm>>)
        tpu.yield
      }) : () -> ()
    }
    %scan3A_14 = arith.constant 8 : i32
    return
  }
}

</mosaic_0001>

<sc_bundles>
// kernel: kernel.3.cloned.1.call-start
scs
__scs_entry_jumppad:
0x0: {  	(pc) =	sbr.rel $0x88, $3  }
0x1: {  	(tag) =	ssettag $0x0;
	lr =	simm.s32 $0x1  }
0x2: {  	[smem:$0x3F9F] =	sst lr;
	_ =	strace $0xD0000000  }
0x3: {  	_ = 	snop  }
0x4: {  	_ = 	snop  }
0x5: {  	_ = 	snop  }
0x6: {  	_ = 	snop  }
0x7: {  	_ = 	snop  }
__scs_overlays_trampoline_lowered:
0x8: {  	[smem:$0x3FAE] =	sst s0  }
0x9: {  	[smem:$0x3FAF] =	sst s1  }
0xa: {  	[smem:$0x3FB0] =	sst s2  }
0xb: {  	[smem:$0x3FB1] =	sst s3  }
0xc: {  	[smem:$0x3FB2] =	sst s4  }
0xd: {  	[smem:$0x3FB3] =	sst s5  }
0xe: {  	[smem:$0x3FB4] =	sst s6  }
0xf: {  	[smem:$0x3FB5] =	sst s7  }
0x10: {  	[smem:$0x3FB6] =	sst s8  }
0x11: {  	[smem:$0x3FB7] =	sst s9;
	s0 =	simm.s32 @!p0 $0x0  }
0x12: {  	s1 =	sld [smem:$0x3F9D];
	s0 =	simm.s32 @p0 $0x1  }
0x13: {  	[smem:$0x3FB8] =	sst s0;
	s0 =	simm.s32 @!p1 $0x0  }
0x14: {  	s2 =	sld [smem:$0x3F9C];
	s0 =	simm.s32 @p1 $0x1  }
0x15: {  	[smem:$0x3FB9] =	sst s0;
	s0 =	simm.s32 @!p2 $0x0  }
0x16: {  	s3 =	sld [smem:$0x3FDB];
	s0 =	simm.s32 @p2 $0x1  }
0x17: {  	s4 =	simm.s32 $0x1BF5;
	[smem:$0x3FBB] =	sst s0  }
0x18: {  	s0 =	sld [smem:$0x3F9E];
	_ =	swait.ge [sflag:s4], $0x0  }
0x19: {  	s7 =	sld [smem:$0x3F9F]  }
0x1a: {  	s8 =	sadd.s32 $0xFFFFE003, lr  }
0x1b: {  	s9 =	sadd.s32 $0xFFFFFEF7, lr;
	s5 =	simm.s32 $0xFFFFFFFF;
	p2 =	slt.u32 s8, $0xFFFFF086  }
0x1c: {  	p1 =	slt.u32 s9, $0xF7A;
	s5 =	simm.s32 @!p2 $0x0  }
0x1d: {  	s5 =	simm.s32 @p1 $0x1;
	p0 =	seq.s32 s7, s2  }
0x1e: {  	s7 =	smul.u32 @!p0 $0xF7A, s2;
	p2 =	seq.s32 @!p0 s5, $0x0  }
0x1f: {  	s9 =	smul.u32 $0xF7A, s1;
	s8 =	simm.s32 @!p0 $0x1BF5;
	p2 =	por !p2, p0  }
0x20: {  	[sflag:s8] =	ssyncset.s32 @!p0 $0xFFFFF086;
	s6 =	sadd.s32 @!p0 s3, s7;
	s7 =	simm.s32 @!p0 $0x108  }
0x21: {  	s3 =	sadd.s32 s3, s9;
	s6 =	sadd.s32 @!p0 $0x88, s6;
	s7 =	simm.s32 @p2 $0x1082  }
0x22: {  	[simem:s7], [sflag:s8] =	dma.local @!p0 [hbm:s6], $0xF7A  }
0x23: {  	s9 =	sor.u32 $0xD0000000, s2;
	s6 =	simm.s32 $0x108;
	_ =	swait.ge @!p0 [sflag:s8], $0x0  }
0x24: {  	s3 =	sadd.s32 $0x88, s3;
	s6 =	simm.s32 @!p1 $0x1082;
	[sflag:s4] =	ssyncset.s32 $0xFFFFF086  }
0x25: {  	[simem:s6], [sflag:s4] =	dma.local [hbm:s3], $0xF7A  }
0x26: {  	[smem:$0x3F9F] =	sst s1;
	(tag) =	ssettag s2;
	_ =	strace s9  }
0x27: {  	s1 =	sld [smem:$0x3FAF]  }
0x28: {  	s2 =	sld [smem:$0x3FB0]  }
0x29: {  	s4 =	sld [smem:$0x3FB2]  }
0x2a: {  	p0 =	seq.s32 s5, $0x0;
	s5 =	sld [smem:$0x3FB3]  }
0x2b: {  	s6 =	sld [smem:$0x3FB4]  }
0x2c: {  	s7 =	sld [smem:$0x3FB5]  }
0x2d: {  	s3 =	simm.s32 $0x108;
	s8 =	sld [smem:$0x3FB6]  }
0x2e: {  	s3 =	simm.s32 @!p0 $0x1082;
	s9 =	sld [smem:$0x3FB7]  }
0x2f: {  	lr =	sadd.s32 s0, s3;
	s0 =	sld [smem:$0x3FAE]  }
0x30: {  	s3 =	sld [smem:$0x3FB1]  }
0x31: {  	[smem:$0x3FBA] =	sst s10  }
0x32: {  	s10 =	sld [smem:$0x3FB8];
	_ =	sdelay $0x3  }
0x33: {  	p0 =	seq.s32 s10, $0x1;
	s10 =	sld [smem:$0x3FBA];
	_ =	sdelay $0x3  }
0x34: {  	[smem:$0x3FBA] =	sst s10  }
0x35: {  	s10 =	sld [smem:$0x3FB9];
	_ =	sdelay $0x3  }
0x36: {  	p1 =	seq.s32 s10, $0x1;
	s10 =	sld [smem:$0x3FBA];
	_ =	sdelay $0x3  }
0x37: {  	[smem:$0x3FBA] =	sst s10  }
0x38: {  	s10 =	sld [smem:$0x3FBB]  }
0x39: {  	_ = 	snop;
	(pc) =	sbr.ind lr, $3  }
0x3a: {  	_ = 	snop  }
0x3b: {  	_ = 	snop  }
0x3c: {  	p2 =	seq.s32 s10, $0x1;
	s10 =	sld [smem:$0x3FBA]  }
0x3d: {  	_ =	shalt  }
0x3e: {  	_ =	shalt  }
0x3f: {  	_ =	shalt  }
0x40: {  	_ =	shalt  }
0x41: {  	_ =	shalt  }
0x42: {  	_ =	shalt  }
0x43: {  	_ =	shalt  }
0x44: {  	_ =	shalt  }
0x45: {  	_ =	shalt  }
0x46: {  	_ =	shalt  }
0x47: {  	_ =	shalt  }
0x48: {  	_ =	shalt  }
0x49: {  	_ =	shalt  }
0x4a: {  	_ =	shalt  }
0x4b: {  	_ =	shalt  }
0x4c: {  	_ =	shalt  }
0x4d: {  	_ =	shalt  }
0x4e: {  	_ =	shalt  }
0x4f: {  	_ =	shalt  }
0x50: {  	_ =	shalt  }
0x51: {  	_ =	shalt  }
0x52: {  	_ =	shalt  }
0x53: {  	_ =	shalt  }
0x54: {  	_ =	shalt  }
0x55: {  	_ =	shalt  }
0x56: {  	_ =	shalt  }
0x57: {  	_ =	shalt  }
0x58: {  	_ =	shalt  }
0x59: {  	_ =	shalt  }
0x5a: {  	_ =	shalt  }
0x5b: {  	_ =	shalt  }
0x5c: {  	_ =	shalt  }
0x5d: {  	_ =	shalt  }
0x5e: {  	_ =	shalt  }
0x5f: {  	_ =	shalt  }
0x60: {  	_ =	shalt  }
0x61: {  	_ =	shalt  }
0x62: {  	_ =	shalt  }
0x63: {  	_ =	shalt  }
0x64: {  	_ =	shalt  }
0x65: {  	_ =	shalt  }
0x66: {  	_ =	shalt  }
0x67: {  	_ =	shalt  }
0x68: {  	_ =	shalt  }
0x69: {  	_ =	shalt  }
0x6a: {  	_ =	shalt  }
0x6b: {  	_ =	shalt  }
0x6c: {  	_ =	shalt  }
0x6d: {  	_ =	shalt  }
0x6e: {  	_ =	shalt  }
0x6f: {  	_ =	shalt  }
0x70: {  	_ =	shalt  }
0x71: {  	_ =	shalt  }
0x72: {  	_ =	shalt  }
0x73: {  	_ =	shalt  }
0x74: {  	_ =	shalt  }
0x75: {  	_ =	shalt  }
0x76: {  	_ =	shalt  }
0x77: {  	_ =	shalt  }
0x78: {  	_ =	shalt  }
0x79: {  	_ =	shalt  }
0x7a: {  	_ =	shalt  }
0x7b: {  	_ =	shalt  }
0x7c: {  	_ =	shalt  }
0x7d: {  	_ =	shalt  }
0x7e: {  	_ =	shalt  }
0x7f: {  	_ =	shalt  }
0x80: {  	_ =	shalt  }
0x81: {  	_ =	shalt  }
0x82: {  	_ =	shalt  }
0x83: {  	_ =	shalt  }
0x84: {  	_ =	shalt  }
0x85: {  	_ =	shalt  }
0x86: {  	_ =	shalt  }
0x87: {  	_ =	shalt  }
.Lfunc_end0:
.L_simem_size_0:
called_computation_lowered:
.L_overlay_start_0:
0x88: {  	s2 =	sld [smem:$0x3FD9]  }
0x89: {  	s3 =	sld [smem:$0x3FFE];
	_ =	sdelay $0x1  }
0x8a: {  	s1 =	srdreg.scid  }
0x8b: {  	s0 =	sand.u32 $0x1, s1  }
0x8c: {  	s17 =	sshll.u32 s0, $0xA;
	s2 =	sadd.s32 s3, s2  }
0x8d: {  	s2 =	sadd.s32 s2, s17  }
0x8e: {  	[smem:$0x3FC6] =	sst s2  }
0x8f: {  	_ = 	snop  }
0x90: {  	s2 =	sld [smem:$0x3FC8]  }
0x91: {  	s18 =	sld [smem:$0x3FD0];
	(tm) =	ssettm $0x1  }
0x92: {  	s4 =	sld [smem:$0x3FFB];
	_ =	sdelay $0x3  }
0x93: {  	_ =	strace s4  }
0x94: {  	s4 =	sld [smem:$0x3FFC];
	_ =	sdelay $0x3  }
0x95: {  	_ =	strace s4  }
0x96: {  	s4 =	sld [smem:$0x3FFD];
	_ =	sdelay $0x3  }
0x97: {  	_ =	strace s4  }
0x98: {  	_ =	strace $0x8FFFFFFF  }
0x99: {  	s19 =	sld [smem:$0x3FDB];
	_ =	sdelay $0x1  }
0x9a: {  	s5 =	simm.s32 $_scs_section_size  }
0x9b: {  	s6 =	simm.s32 $_size__tile_overlayer_lowered;
	s7 =	simm.s32 $_tile_overlayer_lowered  }
0x9c: {  	s22 =	simm.s32 $0x1BFF;
	s21 =	sshll.u32 s7, $0x1;
	s4 =	sadd.s32 s5, s19  }
0x9d: {  	s8 =	simm.s32 $0x0;
	s20 =	sshll.u32 s6, $0x1;
	s6 =	sadd.s32 s21, s4  }
0x9e: {  	[timem:s8], [sflag:s22] =	dma.local [hbm:s6], s20  }
0x9f: {  	_ =	swait.ge [sflag:s22], s20  }
0xa0: {  	s5 =	ssub.s32 $0x0, s20;
	[sflag:s22] =	ssyncset.done $0x0  }
0xa1: {  	[sflag:s22] =	ssyncadd.s32 s5;
	_ =	sdelay $0x1  }
0xa2: {  	s23 =	simm.s32 $0x1B8B  }
0xa3: {  	_ =	swait.ge [sflag:s23], $0x1  }
0xa4: {  	[sflag:s23] =	ssyncset.done $0x0  }
0xa5: {  	s25 =	simm.s32 $0x1B8E;
	s24 =	sld [smem:$0x3FFE];
	[sflag:s23] =	ssyncadd.s32 $0xFFFFFFFF  }
0xa6: {  	s26 =	simm.s32 $execute0_lowered;
	[smem:$0x3FD2] =	sst s25  }
0xa7: {  	s6 =	sshll.u32 s26, $0x1;
	_ =	strace $0x80000046;
	[dreg:$0x1] =	wrdreg $0xFFFFFFFF  }
0xa8: {  	s28 =	simm.s32 $_size_execute0_lowered;
	s4 =	sadd.s32 s4, s6;
	[dreg:$0x0] =	wrdreg $0x0  }
0xa9: {  	s6 =	sshll.u32 s28, $0x1;
	[dreg:$0x2] =	wrdreg s4  }
0xaa: {  	[dreg:$0x3] =	wrdreg s6  }
0xab: {  	[dreg:$0x4] =	wrdreg $0xC0  }
0xac: {  	_ =	task [dreg:s8], $0x5FFFF  }
0xad: {  	[dreg:$0x1] =	wrdreg $0xFFFFFFFF  }
0xae: {  	[dreg:$0x0] =	wrdreg $0x60  }
0xaf: {  	[dreg:$0x2] =	wrdreg s24  }
0xb0: {  	[dreg:$0x3] =	wrdreg s2  }
0xb1: {  	[dreg:$0x4] =	wrdreg s18  }
0xb2: {  	[dreg:$0x5] =	wrdreg $0x9  }
0xb3: {  	_ =	task.clear_ibuf [dreg:s8], $0x6FFFF;
	_ =	strace $0x90000046  }
0xb4: {  	s29 =	simm.s32 $0x9;
	_ =	strace $0x80000048  }
0xb5: {  	_ =	swait.ge [sflag:s29], $0x1  }
0xb6: {  	[sflag:s29] =	ssyncadd.s32 $0xFFFFFFFF  }
0xb7: {  	_ =	strace $0x90000048  }
0xb8: {  	_ =	sfence  }
0xb9: {  	s30 =	sld [smem:$0x0];
	_ =	sdelay $0x2  }
0xba: {  	s31 =	sshll.u32 s1, $0xD;
	s1 =	sshrl.u32 s1, $0x2  }
0xbb: {  	s3 =	sand.u32 $0x4000, s31;
	s1 =	sadd.s32 s1, s30  }
0xbc: {  	s0 =	sor.u32 s3, s0;
	s1 =	sshll.u32 s1, $0x11  }
0xbd: {  	s0 =	sor.u32 s1, s0  }
0xbe: {  	s0 =	sadd.s32 $0x8F2B, s0  }
0xbf: {  	[sflag:s0] =	ssyncadd.remote.s32 $0x1  }
0xc0: {  	_ =	sfence.sel $0xFFFF  }
0xc1: {  	[dreg:$0x0] =	wrdreg $0xFFFFFFFF;
	(pc) =	sbr.abs _section_cstart, $3  }
0xc2: {  	[dreg:$0x1] =	wrdreg $0xFFFFFFFF  }
0xc3: {  	_ =	task.clear_ibuf [dreg:s8], $0x2FFFF;
	_ =	strace $0x9FFFFFFF  }
0xc4: {  	(tm) =	ssettm $0x7FFFFFFF  }
0xc5: {  	_ =	shalt  }
tec
execute0_lowered:
.L_overlay_start_1:
0x0: {  	(tag) =	ssettag $0x1  }
0x1: {  	v0 =	vlaneseq.u32  }
0x2: {  	s0 =	rddreg [dreg:$0x0];
	v0 =	vmul.u32 $0x8, v0  }
0x3: {  	s1 =	rddreg [dreg:$0x1];
	s6 =	simm.s32 $0x0  }
0x4: {  	[smem:$0x7FF] =	sst s6;
	v1 =	vor.u32 $0x680, v0  }
0x5: {  	s5 =	rddreg [dreg:$0x2];
	_ =	strace $0x80000047;
	v13 =	vor.u32 $0x1, v0;
	[tilespmem:$0x1FDC0] =	vst v1  }
0x6: {  	v14 =	vor.u32 $0x80, v0;
	[tilespmem:$0x1FE20] =	vst v13  }
0x7: {  	v15 =	vor.u32 $0x81, v0;
	[tilespmem:$0x1FE30] =	vst v14  }
0x8: {  	v16 =	vor.u32 $0x100, v0;
	[tilespmem:$0x1FE40] =	vst v15  }
0x9: {  	v17 =	vor.u32 $0x101, v0;
	[tilespmem:$0x1FE50] =	vst v16  }
0xa: {  	v18 =	vor.u32 $0x180, v0;
	[tilespmem:$0x1FE60] =	vst v17  }
0xb: {  	v19 =	vor.u32 $0x181, v0;
	[tilespmem:$0x1FE70] =	vst v18  }
0xc: {  	v20 =	vor.u32 $0x200, v0;
	[tilespmem:$0x1FE80] =	vst v19  }
0xd: {  	v21 =	vor.u32 $0x201, v0;
	[tilespmem:$0x1FE90] =	vst v20  }
0xe: {  	v22 =	vor.u32 $0x280, v0;
	[tilespmem:$0x1FEA0] =	vst v21  }
0xf: {  	v23 =	vor.u32 $0x281, v0;
	[tilespmem:$0x1FEB0] =	vst v22  }
0x10: {  	v24 =	vor.u32 $0x300, v0;
	[tilespmem:$0x1FEC0] =	vst v23  }
0x11: {  	v25 =	vor.u32 $0x301, v0;
	[tilespmem:$0x1FED0] =	vst v24  }
0x12: {  	v26 =	vor.u32 $0x380, v0;
	[tilespmem:$0x1FEE0] =	vst v25  }
0x13: {  	v27 =	vor.u32 $0x381, v0;
	[tilespmem:$0x1FEF0] =	vst v26  }
0x14: {  	v28 =	vor.u32 $0x400, v0;
	[tilespmem:$0x1FF00] =	vst v27  }
0x15: {  	v29 =	vor.u32 $0x401, v0;
	[tilespmem:$0x1FF10] =	vst v28  }
0x16: {  	s17 =	srdreg.scid;
	s7 =	stileid.u32;
	v30 =	vor.u32 $0x480, v0;
	[tilespmem:$0x1FF20] =	vst v29  }
0x17: {  	s13 =	simm.s32 $0x2;
	s14 =	simm.s32 $0x1AD00;
	s9 =	simm.s32 $0x2500;
	v31 =	vor.u32 $0x481, v0;
	[tilespmem:$0x1FF30] =	vst v30  }
0x18: {  	s10 =	simm.s32 $0xED00;
	s11 =	simm.s32 $0x2600;
	s12 =	simm.s32 $0xF500;
	v4 =	vor.u32 $0x500, v0;
	[tilespmem:$0x1FF40] =	vst v31  }
0x19: {  	s15 =	simm.s32 $0x2700;
	s28 =	simm.s32 $0x2A00;
	s29 =	simm.s32 $0x11500;
	v7 =	vor.u32 $0x501, v0;
	[tilespmem:$0x1FF50] =	vst v4  }
0x1a: {  	s30 =	simm.s32 $0x2B00;
	s31 =	simm.s32 $0x11D00;
	s2 =	sadd.s32 $0x10C00, s0;
	v8 =	vor.u32 $0x580, v0;
	[tilespmem:$0x1FF60] =	vst v7  }
0x1b: {  	s16 =	sadd.s32 $0x8C00, s0;
	s3 =	sadd.s32 $0xC00, s0;
	[dreg:$0x4] =	wrdreg s2;
	v5 =	vor.u32 $0x581, v0;
	v6 =	vor.u32 $0x600, v0;
	[tilespmem:$0x1FF70] =	vst v8  }
0x1c: {  	s18 =	sadd.s32 $0xA00, s0;
	s8 =	sadd.s32 $0x18C00, s0;
	[dreg:$0x5] =	wrdreg s16;
	v2 =	vor.u32 $0x601, v0;
	v32 =	vor.u32 $0x681, v0;
	v33 =	vor.u32 $0x700, v0;
	[tilespmem:$0x1FF80] =	vst v5  }
0x1d: {  	s4 =	sshll.u32 s7, $0xE;
	s21 =	sadd.s32 $0x40000, s5;
	[dreg:$0x6] =	wrdreg s3;
	v37 =	vor.u32 $0x701, v0;
	v38 =	vor.u32 $0x780, v0;
	v39 =	vor.u32 $0x781, v0;
	[tilespmem:$0x1FF90] =	vst v6  }
0x1e: {  	s22 =	sadd.s32 $0x80000, s5;
	s23 =	sadd.s32 $0xC0000, s5;
	[dreg:$0x7] =	wrdreg s18;
	v34 =	vor.u32 $0x800, v0;
	v35 =	vor.u32 $0x801, v0;
	v47 =	vor.u32 $0xE80, v0;
	[tilespmem:$0x1FFA0] =	vst v2  }
0x1f: {  	s24 =	sshll.u32 s7, $0x13;
	s26 =	sshll.u32 s7, $0x11;
	[dreg:$0x9] =	wrdreg s21;
	v36 =	vor.u32 $0x880, v0;
	v40 =	vor.u32 $0x881, v0;
	v41 =	vor.u32 $0x900, v0;
	[tilespmem:$0x1FFB0] =	vst v47  }
0x20: {  	s5 =	simm.s32 $0x12500;
	s2 =	sand.u32 $0x1, s17;
	[dreg:$0xa] =	wrdreg s22;
	v42 =	vor.u32 $0x901, v0;
	v43 =	vor.u32 $0x980, v0;
	v44 =	vor.u32 $0x981, v0;
	[tilespmem:$0x1FFC0] =	vst v34  }
0x21: {  	[dreg:$0xb] =	wrdreg s23;
	s25 =	sadd.s32 s24, s8;
	s3 =	sadd.s32 s26, s1;
	v45 =	vor.u32 $0xA00, v0;
	v46 =	vor.u32 $0xA01, v0;
	v48 =	vor.u32 $0xA80, v0;
	[tilespmem:$0x1FFD0] =	vst v35  }
0x22: {  	s22 =	simm.s32 $0x100;
	s24 =	simm.s32 $0x2D00;
	s17 =	simm.s32 $0x2800;
	v49 =	vor.u32 $0xA81, v0;
	v50 =	vor.u32 $0xB00, v0;
	v51 =	vor.u32 $0xB01, v0;
	[tilespmem:$0x1FFE0] =	vst v32  }
0x23: {  	s23 =	simm.s32 $0x10500;
	s26 =	simm.s32 $0x10D00;
	s16 =	simm.s32 $0x1;
	v52 =	vor.u32 $0xB80, v0;
	v53 =	vor.u32 $0xB81, v0;
	v1 =	vor.u32 $0xE81, v0;
	[tilespmem:$0x1FFF0] =	vst v33  }
0x24: {  	s19 =	ssub.s32 $0x2, s2;
	s2 =	sshll.u32 s2, $0xD;
	[dreg:$0xd] =	wrdreg s25;
	v54 =	vor.u32 $0xC00, v0;
	v55 =	vor.u32 $0xC01, v0;
	[tilespmem:$0x1FDD0] =	vst v1;
	v1 =	vor.u32 $0xF00, v0  }
0x25: {  	v56 =	vor.u32 $0xC80, v0;
	v57 =	vor.u32 $0xC81, v0;
	s25 =	simm.s32 $0x2900;
	[dreg:$0xe] =	wrdreg s3;
	s20 =	sshrl.u32 s19, $0x1;
	[tilespmem:$0x1FDE0] =	vst v1;
	v1 =	vor.u32 $0xF01, v0  }
0x26: {  	v58 =	vor.u32 $0xD00, v0;
	v59 =	vor.u32 $0xD01, v0;
	s2 =	sor.u32 s2, s4;
	s4 =	simm.s32 $0x0;
	s0 =	ssub.s32 s19, s20;
	[tilespmem:$0x1FDF0] =	vst v1;
	v1 =	vor.u32 $0xF80, v0  }
0x27: {  	v60 =	vor.u32 $0xD80, v0;
	v61 =	vor.u32 $0xD81, v0;
	[dreg:$0x8] =	wrdreg s2;
	s19 =	simm.s32 $0x1BD00;
	s0 =	smax.u32 s0, $0x1;
	[tilespmem:$0x1FE00] =	vst v1;
	v1 =	vor.u32 $0xF81, v0  }
0x28: {  	v62 =	vor.u32 $0xE00, v0;
	v63 =	vor.u32 $0xE01, v0;
	s2 =	simm.s32 $0xFD00;
	[dreg:$0xc] =	wrdreg s0;
	s0 =	simm.s32 $0x2C00;
	[tilespmem:$0x1FE10] =	vst v1;
	v1 =	vimm.s32 $0x0  }
.LBB2_1:
0x29: {  	[dreg:$0xf] =	wrdreg s4  }
0x2a: {  	s1 =	rddreg [dreg:$0x7];
	s21 =	simm.s32 $0xC00  }
0x2b: {  	[tilespmem:s21], [sflag:$0x2] =	stream.linear.gather [hbm4b:s1+s6], $0x100, $0x38;
	[tilespmem:$0x1FD00] =	vst v63  }
0x2c: {  	_ =	swait.ge [sflag:s13], $0x100  }
0x2d: {  	v35 =	vld [tilespmem:$0x1FDD0]  }
0x2e: {  	v9 =	vld [tilespmem:$0x1FDE0]  }
0x2f: {  	v10 =	vld [tilespmem:$0x1FDF0]  }
0x30: {  	[sflag:s13] =	ssyncset.done $0x0;
	v11 =	vld [tilespmem:$0x1FE00]  }
0x31: {  	s7 =	simm.s32 $0x0;
	v34 =	vmov v2;
	s4 =	rddreg [dreg:$0xd];
	v12 =	vld [tilespmem:$0x1FE10];
	[sflag:s13] =	ssyncadd.s32 $0xFFFFFF00  }
.LBB2_2:
0x32: {  	s1 =	sadd.s32 s7, s3  }
0x33: {  	[tilespmem:s14], [sflag:$0x2] =	stream.linear.gather [hbm4b:s1+s6], $0x1000, $0x38;
	[tilespmem:$0x1FD00] =	vst v63  }
0x34: {  	_ =	swait.ge [sflag:s13], $0x1000  }
0x35: {  	[sflag:s13] =	ssyncset.done $0x0  }
0x36: {  	[sflag:s13] =	ssyncadd.s32 $0xFFFFF000  }
0x37: {  	v2 =	vld [tilespmem:$0x1AD00]  }
0x38: {  	v3 =	vld [tilespmem:$0x1AD80];
	_ =	sdelay $0x3  }
0x39: {  	[tilespmem:v0+s19+$0x0] =	vst.idx.msk $0xffff, v2  }
0x3a: {  	[tilespmem:v13+s19+$0x0] =	vst.idx.msk $0xffff, v3  }
0x3b: {  	v2 =	vld [tilespmem:$0x1AD10]  }
0x3c: {  	v3 =	vld [tilespmem:$0x1AD90];
	_ =	sdelay $0x3  }
0x3d: {  	[tilespmem:v14+s19+$0x0] =	vst.idx.msk $0xffff, v2  }
0x3e: {  	[tilespmem:v15+s19+$0x0] =	vst.idx.msk $0xffff, v3  }
0x3f: {  	v2 =	vld [tilespmem:$0x1AD20]  }
0x40: {  	v3 =	vld [tilespmem:$0x1ADA0];
	_ =	sdelay $0x3  }
0x41: {  	[tilespmem:v16+s19+$0x0] =	vst.idx.msk $0xffff, v2  }
0x42: {  	[tilespmem:v17+s19+$0x0] =	vst.idx.msk $0xffff, v3  }
0x43: {  	v2 =	vld [tilespmem:$0x1AD30]  }
0x44: {  	v3 =	vld [tilespmem:$0x1ADB0];
	_ =	sdelay $0x3  }
0x45: {  	[tilespmem:v18+s19+$0x0] =	vst.idx.msk $0xffff, v2  }
0x46: {  	[tilespmem:v19+s19+$0x0] =	vst.idx.msk $0xffff, v3  }
0x47: {  	v2 =	vld [tilespmem:$0x1AD40]  }
0x48: {  	v3 =	vld [tilespmem:$0x1ADC0];
	_ =	sdelay $0x3  }
0x49: {  	[tilespmem:v20+s19+$0x0] =	vst.idx.msk $0xffff, v2  }
0x4a: {  	[tilespmem:v21+s19+$0x0] =	vst.idx.msk $0xffff, v3  }
0x4b: {  	v2 =	vld [tilespmem:$0x1AD50]  }
0x4c: {  	v3 =	vld [tilespmem:$0x1ADD0];
	_ =	sdelay $0x3  }
0x4d: {  	[tilespmem:v22+s19+$0x0] =	vst.idx.msk $0xffff, v2  }
0x4e: {  	[tilespmem:v23+s19+$0x0] =	vst.idx.msk $0xffff, v3  }
0x4f: {  	v2 =	vld [tilespmem:$0x1AD60]  }
0x50: {  	v3 =	vld [tilespmem:$0x1ADE0];
	_ =	sdelay $0x3  }
0x51: {  	[tilespmem:v24+s19+$0x0] =	vst.idx.msk $0xffff, v2  }
0x52: {  	[tilespmem:v25+s19+$0x0] =	vst.idx.msk $0xffff, v3  }
0x53: {  	v2 =	vld [tilespmem:$0x1AD70]  }
0x54: {  	v3 =	vld [tilespmem:$0x1ADF0];
	_ =	sdelay $0x3  }
0x55: {  	[tilespmem:v26+s19+$0x0] =	vst.idx.msk $0xffff, v2  }
0x56: {  	[tilespmem:v27+s19+$0x0] =	vst.idx.msk $0xffff, v3  }
0x57: {  	v2 =	vld [tilespmem:$0x1AE00]  }
0x58: {  	v3 =	vld [tilespmem:$0x1AE80];
	_ =	sdelay $0x3  }
0x59: {  	[tilespmem:v28+s19+$0x0] =	vst.idx.msk $0xffff, v2  }
0x5a: {  	[tilespmem:v29+s19+$0x0] =	vst.idx.msk $0xffff, v3  }
0x5b: {  	v2 =	vld [tilespmem:$0x1AE10]  }
0x5c: {  	v3 =	vld [tilespmem:$0x1AE90];
	_ =	sdelay $0x3  }
0x5d: {  	[tilespmem:v30+s19+$0x0] =	vst.idx.msk $0xffff, v2  }
0x5e: {  	[tilespmem:v31+s19+$0x0] =	vst.idx.msk $0xffff, v3  }
0x5f: {  	v2 =	vld [tilespmem:$0x1AE20]  }
0x60: {  	v3 =	vld [tilespmem:$0x1AEA0];
	_ =	sdelay $0x3  }
0x61: {  	[tilespmem:v4+s19+$0x0] =	vst.idx.msk $0xffff, v2  }
0x62: {  	[tilespmem:v7+s19+$0x0] =	vst.idx.msk $0xffff, v3  }
0x63: {  	v2 =	vld [tilespmem:$0x1AE30]  }
0x64: {  	v3 =	vld [tilespmem:$0x1AEB0];
	_ =	sdelay $0x3  }
0x65: {  	[tilespmem:v8+s19+$0x0] =	vst.idx.msk $0xffff, v2  }
0x66: {  	[tilespmem:v5+s19+$0x0] =	vst.idx.msk $0xffff, v3  }
0x67: {  	v2 =	vld [tilespmem:$0x1AE40]  }
0x68: {  	v3 =	vld [tilespmem:$0x1AEC0];
	_ =	sdelay $0x2  }
0x69: {  	v32 =	vld [tilespmem:$0x1FDC0]  }
0x6a: {  	[tilespmem:v6+s19+$0x0] =	vst.idx.msk $0xffff, v2  }
0x6b: {  	[tilespmem:v34+s19+$0x0] =	vst.idx.msk $0xffff, v3  }
0x6c: {  	v2 =	vld [tilespmem:$0x1AE50];
	_ =	sdelay $0x3  }
0x6d: {  	v3 =	vld [tilespmem:$0x1AED0]  }
0x6e: {  	[tilespmem:v32+s19+$0x0] =	vst.idx.msk $0xffff, v2;
	v2 =	vld [tilespmem:$0x1FFE0];
	_ =	sdelay $0x5  }
0x6f: {  	v47 =	vld [tilespmem:$0x1FFF0];
	_ =	sdelay $0x1  }
0x70: {  	[tilespmem:v2+s19+$0x0] =	vst.idx.msk $0xffff, v3  }
0x71: {  	v2 =	vld [tilespmem:$0x1AE60]  }
0x72: {  	v3 =	vld [tilespmem:$0x1AEE0];
	_ =	sdelay $0x3  }
0x73: {  	[tilespmem:v47+s19+$0x0] =	vst.idx.msk $0xffff, v2  }
0x74: {  	[tilespmem:v37+s19+$0x0] =	vst.idx.msk $0xffff, v3  }
0x75: {  	v2 =	vld [tilespmem:$0x1AE70]  }
0x76: {  	v3 =	vld [tilespmem:$0x1AEF0];
	_ =	sdelay $0x2  }
0x77: {  	v47 =	vld [tilespmem:$0x1FFC0]  }
0x78: {  	[tilespmem:v38+s19+$0x0] =	vst.idx.msk $0xffff, v2  }
0x79: {  	[tilespmem:v39+s19+$0x0] =	vst.idx.msk $0xffff, v3  }
0x7a: {  	v2 =	vld [tilespmem:$0x1AF00];
	_ =	sdelay $0x3  }
0x7b: {  	v3 =	vld [tilespmem:$0x1AF80]  }
0x7c: {  	[tilespmem:v47+s19+$0x0] =	vst.idx.msk $0xffff, v2;
	v2 =	vld [tilespmem:$0x1FFD0];
	_ =	sdelay $0x7  }
0x7d: {  	[tilespmem:v2+s19+$0x0] =	vst.idx.msk $0xffff, v3  }
0x7e: {  	v2 =	vld [tilespmem:$0x1AF10]  }
0x7f: {  	v3 =	vld [tilespmem:$0x1AF90];
	_ =	sdelay $0x3  }
0x80: {  	[tilespmem:v36+s19+$0x0] =	vst.idx.msk $0xffff, v2  }
0x81: {  	[tilespmem:v40+s19+$0x0] =	vst.idx.msk $0xffff, v3  }
0x82: {  	v2 =	vld [tilespmem:$0x1AF20]  }
0x83: {  	v3 =	vld [tilespmem:$0x1AFA0];
	_ =	sdelay $0x3  }
0x84: {  	[tilespmem:v41+s19+$0x0] =	vst.idx.msk $0xffff, v2  }
0x85: {  	[tilespmem:v42+s19+$0x0] =	vst.idx.msk $0xffff, v3  }
0x86: {  	v2 =	vld [tilespmem:$0x1AF30]  }
0x87: {  	v3 =	vld [tilespmem:$0x1AFB0];
	_ =	sdelay $0x3  }
0x88: {  	[tilespmem:v43+s19+$0x0] =	vst.idx.msk $0xffff, v2  }
0x89: {  	[tilespmem:v44+s19+$0x0] =	vst.idx.msk $0xffff, v3  }
0x8a: {  	v2 =	vld [tilespmem:$0x1AF40]  }
0x8b: {  	v3 =	vld [tilespmem:$0x1AFC0];
	_ =	sdelay $0x3  }
0x8c: {  	[tilespmem:v45+s19+$0x0] =	vst.idx.msk $0xffff, v2  }
0x8d: {  	[tilespmem:v46+s19+$0x0] =	vst.idx.msk $0xffff, v3  }
0x8e: {  	v2 =	vld [tilespmem:$0x1AF50]  }
0x8f: {  	v3 =	vld [tilespmem:$0x1AFD0];
	_ =	sdelay $0x3  }
0x90: {  	[tilespmem:v48+s19+$0x0] =	vst.idx.msk $0xffff, v2  }
0x91: {  	[tilespmem:v49+s19+$0x0] =	vst.idx.msk $0xffff, v3  }
0x92: {  	v2 =	vld [tilespmem:$0x1AF60]  }
0x93: {  	v3 =	vld [tilespmem:$0x1AFE0];
	_ =	sdelay $0x3  }
0x94: {  	[tilespmem:v50+s19+$0x0] =	vst.idx.msk $0xffff, v2  }
0x95: {  	[tilespmem:v51+s19+$0x0] =	vst.idx.msk $0xffff, v3  }
0x96: {  	v2 =	vld [tilespmem:$0x1AF70]  }
0x97: {  	v3 =	vld [tilespmem:$0x1AFF0];
	_ =	sdelay $0x3  }
0x98: {  	[tilespmem:v52+s19+$0x0] =	vst.idx.msk $0xffff, v2  }
0x99: {  	[tilespmem:v53+s19+$0x0] =	vst.idx.msk $0xffff, v3  }
0x9a: {  	v2 =	vld [tilespmem:$0x1B000]  }
0x9b: {  	v3 =	vld [tilespmem:$0x1B080];
	_ =	sdelay $0x3  }
0x9c: {  	[tilespmem:v54+s19+$0x0] =	vst.idx.msk $0xffff, v2  }
0x9d: {  	[tilespmem:v55+s19+$0x0] =	vst.idx.msk $0xffff, v3  }
0x9e: {  	v2 =	vld [tilespmem:$0x1B010]  }
0x9f: {  	v3 =	vld [tilespmem:$0x1B090];
	_ =	sdelay $0x3  }
0xa0: {  	[tilespmem:v56+s19+$0x0] =	vst.idx.msk $0xffff, v2  }
0xa1: {  	[tilespmem:v57+s19+$0x0] =	vst.idx.msk $0xffff, v3  }
0xa2: {  	v2 =	vld [tilespmem:$0x1B020]  }
0xa3: {  	v3 =	vld [tilespmem:$0x1B0A0];
	_ =	sdelay $0x3  }
0xa4: {  	[tilespmem:v58+s19+$0x0] =	vst.idx.msk $0xffff, v2  }
0xa5: {  	[tilespmem:v59+s19+$0x0] =	vst.idx.msk $0xffff, v3  }
0xa6: {  	v2 =	vld [tilespmem:$0x1B030]  }
0xa7: {  	v3 =	vld [tilespmem:$0x1B0B0];
	_ =	sdelay $0x3  }
0xa8: {  	[tilespmem:v60+s19+$0x0] =	vst.idx.msk $0xffff, v2  }
0xa9: {  	[tilespmem:v61+s19+$0x0] =	vst.idx.msk $0xffff, v3  }
0xaa: {  	v2 =	vld [tilespmem:$0x1B040]  }
0xab: {  	v3 =	vld [tilespmem:$0x1B0C0];
	_ =	sdelay $0x2  }
0xac: {  	v47 =	vld [tilespmem:$0x1FFB0]  }
0xad: {  	[tilespmem:v62+s19+$0x0] =	vst.idx.msk $0xffff, v2  }
0xae: {  	[tilespmem:v63+s19+$0x0] =	vst.idx.msk $0xffff, v3  }
0xaf: {  	v2 =	vld [tilespmem:$0x1B050]  }
0xb0: {  	v3 =	vld [tilespmem:$0x1B0D0];
	_ =	sdelay $0x3  }
0xb1: {  	[tilespmem:v47+s19+$0x0] =	vst.idx.msk $0xffff, v2  }
0xb2: {  	[tilespmem:v35+s19+$0x0] =	vst.idx.msk $0xffff, v3  }
0xb3: {  	v2 =	vld [tilespmem:$0x1B060]  }
0xb4: {  	v3 =	vld [tilespmem:$0x1B0E0];
	_ =	sdelay $0x3  }
0xb5: {  	[tilespmem:v9+s19+$0x0] =	vst.idx.msk $0xffff, v2  }
0xb6: {  	[tilespmem:v10+s19+$0x0] =	vst.idx.msk $0xffff, v3  }
0xb7: {  	v2 =	vld [tilespmem:$0x1B070]  }
0xb8: {  	v3 =	vld [tilespmem:$0x1B0F0];
	_ =	sdelay $0x3  }
0xb9: {  	[tilespmem:v11+s19+$0x0] =	vst.idx.msk $0xffff, v2  }
0xba: {  	[tilespmem:v12+s19+$0x0] =	vst.idx.msk $0xffff, v3  }
0xbb: {  	v3 =	vor.u32 $0x1000, v0;
	v2 =	vld [tilespmem:$0x1B100]  }
0xbc: {  	v32 =	vmov v5;
	v5 =	vor.u32 $0x1001, v0;
	v47 =	vmov v4;
	v4 =	vld [tilespmem:$0x1B180];
	_ =	sdelay $0x3  }
0xbd: {  	[tilespmem:v3+s19+$0x0] =	vst.idx.msk $0xffff, v2  }
0xbe: {  	[tilespmem:v5+s19+$0x0] =	vst.idx.msk $0xffff, v4  }
0xbf: {  	v3 =	vor.u32 $0x1080, v0;
	v2 =	vld [tilespmem:$0x1B110]  }
0xc0: {  	v5 =	vor.u32 $0x1081, v0;
	v4 =	vld [tilespmem:$0x1B190];
	_ =	sdelay $0x3  }
0xc1: {  	[tilespmem:v3+s19+$0x0] =	vst.idx.msk $0xffff, v2  }
0xc2: {  	[tilespmem:v5+s19+$0x0] =	vst.idx.msk $0xffff, v4  }
0xc3: {  	v3 =	vor.u32 $0x1100, v0;
	v2 =	vld [tilespmem:$0x1B120]  }
0xc4: {  	v5 =	vor.u32 $0x1101, v0;
	v4 =	vld [tilespmem:$0x1B1A0];
	_ =	sdelay $0x3  }
0xc5: {  	[tilespmem:v3+s19+$0x0] =	vst.idx.msk $0xffff, v2  }
0xc6: {  	[tilespmem:v5+s19+$0x0] =	vst.idx.msk $0xffff, v4  }
0xc7: {  	v3 =	vor.u32 $0x1180, v0;
	v2 =	vld [tilespmem:$0x1B130]  }
0xc8: {  	v5 =	vor.u32 $0x1181, v0;
	v4 =	vld [tilespmem:$0x1B1B0];
	_ =	sdelay $0x3  }
0xc9: {  	[tilespmem:v3+s19+$0x0] =	vst.idx.msk $0xffff, v2  }
0xca: {  	[tilespmem:v5+s19+$0x0] =	vst.idx.msk $0xffff, v4  }
0xcb: {  	v3 =	vor.u32 $0x1200, v0;
	v2 =	vld [tilespmem:$0x1B140]  }
0xcc: {  	v5 =	vor.u32 $0x1201, v0;
	v4 =	vld [tilespmem:$0x1B1C0];
	_ =	sdelay $0x3  }
0xcd: {  	[tilespmem:v3+s19+$0x0] =	vst.idx.msk $0xffff, v2  }
0xce: {  	[tilespmem:v5+s19+$0x0] =	vst.idx.msk $0xffff, v4  }
0xcf: {  	v3 =	vor.u32 $0x1280, v0;
	v2 =	vld [tilespmem:$0x1B150]  }
0xd0: {  	v5 =	vor.u32 $0x1281, v0;
	v4 =	vld [tilespmem:$0x1B1D0];
	_ =	sdelay $0x3  }
0xd1: {  	[tilespmem:v3+s19+$0x0] =	vst.idx.msk $0xffff, v2  }
0xd2: {  	[tilespmem:v5+s19+$0x0] =	vst.idx.msk $0xffff, v4  }
0xd3: {  	v3 =	vor.u32 $0x1300, v0;
	v2 =	vld [tilespmem:$0x1B160]  }
0xd4: {  	v5 =	vor.u32 $0x1301, v0;
	v4 =	vld [tilespmem:$0x1B1E0];
	_ =	sdelay $0x3  }
0xd5: {  	[tilespmem:v3+s19+$0x0] =	vst.idx.msk $0xffff, v2  }
0xd6: {  	[tilespmem:v5+s19+$0x0] =	vst.idx.msk $0xffff, v4  }
0xd7: {  	v3 =	vor.u32 $0x1380, v0;
	v2 =	vld [tilespmem:$0x1B170]  }
0xd8: {  	v5 =	vor.u32 $0x1381, v0;
	v4 =	vld [tilespmem:$0x1B1F0];
	_ =	sdelay $0x3  }
0xd9: {  	[tilespmem:v3+s19+$0x0] =	vst.idx.msk $0xffff, v2  }
0xda: {  	[tilespmem:v5+s19+$0x0] =	vst.idx.msk $0xffff, v4  }
0xdb: {  	v3 =	vor.u32 $0x1400, v0;
	v2 =	vld [tilespmem:$0x1B200]  }
0xdc: {  	v5 =	vor.u32 $0x1401, v0;
	v4 =	vld [tilespmem:$0x1B280];
	_ =	sdelay $0x3  }
0xdd: {  	[tilespmem:v3+s19+$0x0] =	vst.idx.msk $0xffff, v2  }
0xde: {  	[tilespmem:v5+s19+$0x0] =	vst.idx.msk $0xffff, v4  }
0xdf: {  	v3 =	vor.u32 $0x1480, v0;
	v2 =	vld [tilespmem:$0x1B210]  }
0xe0: {  	v5 =	vor.u32 $0x1481, v0;
	v4 =	vld [tilespmem:$0x1B290];
	_ =	sdelay $0x3  }
0xe1: {  	[tilespmem:v3+s19+$0x0] =	vst.idx.msk $0xffff, v2  }
0xe2: {  	[tilespmem:v5+s19+$0x0] =	vst.idx.msk $0xffff, v4  }
0xe3: {  	v3 =	vor.u32 $0x1500, v0;
	v2 =	vld [tilespmem:$0x1B220]  }
0xe4: {  	v5 =	vor.u32 $0x1501, v0;
	v4 =	vld [tilespmem:$0x1B2A0];
	_ =	sdelay $0x3  }
0xe5: {  	[tilespmem:v3+s19+$0x0] =	vst.idx.msk $0xffff, v2  }
0xe6: {  	[tilespmem:v5+s19+$0x0] =	vst.idx.msk $0xffff, v4  }
0xe7: {  	v3 =	vor.u32 $0x1580, v0;
	v2 =	vld [tilespmem:$0x1B230]  }
0xe8: {  	v5 =	vor.u32 $0x1581, v0;
	v4 =	vld [tilespmem:$0x1B2B0];
	_ =	sdelay $0x3  }
0xe9: {  	[tilespmem:v3+s19+$0x0] =	vst.idx.msk $0xffff, v2  }
0xea: {  	[tilespmem:v5+s19+$0x0] =	vst.idx.msk $0xffff, v4  }
0xeb: {  	v3 =	vor.u32 $0x1600, v0;
	v2 =	vld [tilespmem:$0x1B240]  }
0xec: {  	v5 =	vor.u32 $0x1601, v0;
	v4 =	vld [tilespmem:$0x1B2C0];
	_ =	sdelay $0x3  }
0xed: {  	[tilespmem:v3+s19+$0x0] =	vst.idx.msk $0xffff, v2  }
0xee: {  	[tilespmem:v5+s19+$0x0] =	vst.idx.msk $0xffff, v4  }
0xef: {  	v3 =	vor.u32 $0x1680, v0;
	v2 =	vld [tilespmem:$0x1B250]  }
0xf0: {  	v5 =	vor.u32 $0x1681, v0;
	v4 =	vld [tilespmem:$0x1B2D0];
	_ =	sdelay $0x3  }
0xf1: {  	[tilespmem:v3+s19+$0x0] =	vst.idx.msk $0xffff, v2  }
0xf2: {  	[tilespmem:v5+s19+$0x0] =	vst.idx.msk $0xffff, v4  }
0xf3: {  	v3 =	vor.u32 $0x1700, v0;
	v2 =	vld [tilespmem:$0x1B260]  }
0xf4: {  	v5 =	vor.u32 $0x1701, v0;
	v4 =	vld [tilespmem:$0x1B2E0];
	_ =	sdelay $0x3  }
0xf5: {  	[tilespmem:v3+s19+$0x0] =	vst.idx.msk $0xffff, v2  }
0xf6: {  	[tilespmem:v5+s19+$0x0] =	vst.idx.msk $0xffff, v4  }
0xf7: {  	v3 =	vor.u32 $0x1780, v0;
	v2 =	vld [tilespmem:$0x1B270]  }
0xf8: {  	v5 =	vor.u32 $0x1781, v0;
	v4 =	vld [tilespmem:$0x1B2F0];
	_ =	sdelay $0x3  }
0xf9: {  	[tilespmem:v3+s19+$0x0] =	vst.idx.msk $0xffff, v2  }
0xfa: {  	[tilespmem:v5+s19+$0x0] =	vst.idx.msk $0xffff, v4  }
0xfb: {  	v3 =	vor.u32 $0x1800, v0;
	v2 =	vld [tilespmem:$0x1B300]  }
0xfc: {  	v5 =	vor.u32 $0x1801, v0;
	v4 =	vld [tilespmem:$0x1B380];
	_ =	sdelay $0x3  }
0xfd: {  	[tilespmem:v3+s19+$0x0] =	vst.idx.msk $0xffff, v2  }
0xfe: {  	[tilespmem:v5+s19+$0x0] =	vst.idx.msk $0xffff, v4  }
0xff: {  	v3 =	vor.u32 $0x1880, v0;
	v2 =	vld [tilespmem:$0x1B310]  }
0x100: {  	v5 =	vor.u32 $0x1881, v0;
	v4 =	vld [tilespmem:$0x1B390];
	_ =	sdelay $0x3  }
0x101: {  	[tilespmem:v3+s19+$0x0] =	vst.idx.msk $0xffff, v2  }
0x102: {  	[tilespmem:v5+s19+$0x0] =	vst.idx.msk $0xffff, v4  }
0x103: {  	v3 =	vor.u32 $0x1900, v0;
	v2 =	vld [tilespmem:$0x1B320]  }
0x104: {  	v5 =	vor.u32 $0x1901, v0;
	v4 =	vld [tilespmem:$0x1B3A0];
	_ =	sdelay $0x3  }
0x105: {  	[tilespmem:v3+s19+$0x0] =	vst.idx.msk $0xffff, v2  }
0x106: {  	[tilespmem:v5+s19+$0x0] =	vst.idx.msk $0xffff, v4  }
0x107: {  	v3 =	vor.u32 $0x1980, v0;
	v2 =	vld [tilespmem:$0x1B330]  }
0x108: {  	v5 =	vor.u32 $0x1981, v0;
	v4 =	vld [tilespmem:$0x1B3B0];
	_ =	sdelay $0x3  }
0x109: {  	[tilespmem:v3+s19+$0x0] =	vst.idx.msk $0xffff, v2  }
0x10a: {  	[tilespmem:v5+s19+$0x0] =	vst.idx.msk $0xffff, v4  }
0x10b: {  	v3 =	vor.u32 $0x1A00, v0;
	v2 =	vld [tilespmem:$0x1B340]  }
0x10c: {  	v5 =	vor.u32 $0x1A01, v0;
	v4 =	vld [tilespmem:$0x1B3C0];
	_ =	sdelay $0x3  }
0x10d: {  	[tilespmem:v3+s19+$0x0] =	vst.idx.msk $0xffff, v2  }
0x10e: {  	[tilespmem:v5+s19+$0x0] =	vst.idx.msk $0xffff, v4  }
0x10f: {  	v3 =	vor.u32 $0x1A80, v0;
	v2 =	vld [tilespmem:$0x1B350]  }
0x110: {  	v5 =	vor.u32 $0x1A81, v0;
	v4 =	vld [tilespmem:$0x1B3D0];
	_ =	sdelay $0x3  }
0x111: {  	[tilespmem:v3+s19+$0x0] =	vst.idx.msk $0xffff, v2  }
0x112: {  	[tilespmem:v5+s19+$0x0] =	vst.idx.msk $0xffff, v4  }
0x113: {  	v3 =	vor.u32 $0x1B00, v0;
	v2 =	vld [tilespmem:$0x1B360]  }
0x114: {  	v5 =	vor.u32 $0x1B01, v0;
	v4 =	vld [tilespmem:$0x1B3E0];
	_ =	sdelay $0x3  }
0x115: {  	[tilespmem:v3+s19+$0x0] =	vst.idx.msk $0xffff, v2  }
0x116: {  	[tilespmem:v5+s19+$0x0] =	vst.idx.msk $0xffff, v4  }
0x117: {  	v3 =	vor.u32 $0x1B80, v0;
	v2 =	vld [tilespmem:$0x1B370]  }
0x118: {  	v5 =	vor.u32 $0x1B81, v0;
	v4 =	vld [tilespmem:$0x1B3F0];
	_ =	sdelay $0x3  }
0x119: {  	[tilespmem:v3+s19+$0x0] =	vst.idx.msk $0xffff, v2  }
0x11a: {  	[tilespmem:v5+s19+$0x0] =	vst.idx.msk $0xffff, v4  }
0x11b: {  	v3 =	vor.u32 $0x1C00, v0;
	v2 =	vld [tilespmem:$0x1B400]  }
0x11c: {  	v5 =	vor.u32 $0x1C01, v0;
	v4 =	vld [tilespmem:$0x1B480];
	_ =	sdelay $0x3  }
0x11d: {  	[tilespmem:v3+s19+$0x0] =	vst.idx.msk $0xffff, v2  }
0x11e: {  	[tilespmem:v5+s19+$0x0] =	vst.idx.msk $0xffff, v4  }
0x11f: {  	v3 =	vor.u32 $0x1C80, v0;
	v2 =	vld [tilespmem:$0x1B410]  }
0x120: {  	v5 =	vor.u32 $0x1C81, v0;
	v4 =	vld [tilespmem:$0x1B490];
	_ =	sdelay $0x3  }
0x121: {  	[tilespmem:v3+s19+$0x0] =	vst.idx.msk $0xffff, v2  }
0x122: {  	[tilespmem:v5+s19+$0x0] =	vst.idx.msk $0xffff, v4  }
0x123: {  	v3 =	vor.u32 $0x1D00, v0;
	v2 =	vld [tilespmem:$0x1B420]  }
0x124: {  	v5 =	vor.u32 $0x1D01, v0;
	v4 =	vld [tilespmem:$0x1B4A0];
	_ =	sdelay $0x3  }
0x125: {  	[tilespmem:v3+s19+$0x0] =	vst.idx.msk $0xffff, v2  }
0x126: {  	[tilespmem:v5+s19+$0x0] =	vst.idx.msk $0xffff, v4  }
0x127: {  	v3 =	vor.u32 $0x1D80, v0;
	v2 =	vld [tilespmem:$0x1B430]  }
0x128: {  	v5 =	vor.u32 $0x1D81, v0;
	v4 =	vld [tilespmem:$0x1B4B0];
	_ =	sdelay $0x3  }
0x129: {  	[tilespmem:v3+s19+$0x0] =	vst.idx.msk $0xffff, v2  }
0x12a: {  	[tilespmem:v5+s19+$0x0] =	vst.idx.msk $0xffff, v4  }
0x12b: {  	v3 =	vor.u32 $0x1E00, v0;
	v2 =	vld [tilespmem:$0x1B440]  }
0x12c: {  	v5 =	vor.u32 $0x1E01, v0;
	v4 =	vld [tilespmem:$0x1B4C0];
	_ =	sdelay $0x3  }
0x12d: {  	[tilespmem:v3+s19+$0x0] =	vst.idx.msk $0xffff, v2  }
0x12e: {  	[tilespmem:v5+s19+$0x0] =	vst.idx.msk $0xffff, v4  }
0x12f: {  	v3 =	vor.u32 $0x1E80, v0;
	v2 =	vld [tilespmem:$0x1B450]  }
0x130: {  	v5 =	vor.u32 $0x1E81, v0;
	v4 =	vld [tilespmem:$0x1B4D0];
	_ =	sdelay $0x3  }
0x131: {  	[tilespmem:v3+s19+$0x0] =	vst.idx.msk $0xffff, v2  }
0x132: {  	[tilespmem:v5+s19+$0x0] =	vst.idx.msk $0xffff, v4  }
0x133: {  	v3 =	vor.u32 $0x1F00, v0;
	v2 =	vld [tilespmem:$0x1B460]  }
0x134: {  	v5 =	vor.u32 $0x1F01, v0;
	v4 =	vld [tilespmem:$0x1B4E0];
	_ =	sdelay $0x3  }
0x135: {  	[tilespmem:v3+s19+$0x0] =	vst.idx.msk $0xffff, v2  }
0x136: {  	[tilespmem:v5+s19+$0x0] =	vst.idx.msk $0xffff, v4  }
0x137: {  	v3 =	vor.u32 $0x1F80, v0;
	v2 =	vld [tilespmem:$0x1B470]  }
0x138: {  	v5 =	vor.u32 $0x1F81, v0;
	v4 =	vld [tilespmem:$0x1B4F0];
	_ =	sdelay $0x3  }
0x139: {  	[tilespmem:v3+s19+$0x0] =	vst.idx.msk $0xffff, v2  }
0x13a: {  	[tilespmem:v5+s19+$0x0] =	vst.idx.msk $0xffff, v4  }
0x13b: {  	v2 =	vor.u32 $0x2000, v0;
	v3 =	vld [tilespmem:$0x1B500]  }
0x13c: {  	v5 =	vor.u32 $0x2001, v0;
	v4 =	vld [tilespmem:$0x1B580];
	_ =	sdelay $0x3  }
0x13d: {  	[tilespmem:v2+s19+$0x0] =	vst.idx.msk $0xffff, v3  }
0x13e: {  	[tilespmem:v5+s19+$0x0] =	vst.idx.msk $0xffff, v4  }
0x13f: {  	v4 =	vor.u32 $0x2080, v0;
	v3 =	vld [tilespmem:$0x1B510]  }
0x140: {  	v33 =	vmov v6;
	v6 =	vor.u32 $0x2081, v0;
	v5 =	vld [tilespmem:$0x1B590];
	_ =	sdelay $0x3  }
0x141: {  	[tilespmem:v4+s19+$0x0] =	vst.idx.msk $0xffff, v3  }
0x142: {  	[tilespmem:v6+s19+$0x0] =	vst.idx.msk $0xffff, v5  }
0x143: {  	v4 =	vor.u32 $0x2100, v0;
	v3 =	vld [tilespmem:$0x1B520]  }
0x144: {  	v6 =	vor.u32 $0x2101, v0;
	v5 =	vld [tilespmem:$0x1B5A0];
	_ =	sdelay $0x3  }
0x145: {  	[tilespmem:v4+s19+$0x0] =	vst.idx.msk $0xffff, v3  }
0x146: {  	[tilespmem:v6+s19+$0x0] =	vst.idx.msk $0xffff, v5  }
0x147: {  	v4 =	vor.u32 $0x2180, v0;
	v3 =	vld [tilespmem:$0x1B530]  }
0x148: {  	v6 =	vor.u32 $0x2181, v0;
	v5 =	vld [tilespmem:$0x1B5B0];
	_ =	sdelay $0x3  }
0x149: {  	[tilespmem:v4+s19+$0x0] =	vst.idx.msk $0xffff, v3  }
0x14a: {  	[tilespmem:v6+s19+$0x0] =	vst.idx.msk $0xffff, v5  }
0x14b: {  	v4 =	vor.u32 $0x2200, v0;
	v3 =	vld [tilespmem:$0x1B540]  }
0x14c: {  	v6 =	vor.u32 $0x2201, v0;
	v5 =	vld [tilespmem:$0x1B5C0];
	_ =	sdelay $0x3  }
0x14d: {  	[tilespmem:v4+s19+$0x0] =	vst.idx.msk $0xffff, v3  }
0x14e: {  	[tilespmem:v6+s19+$0x0] =	vst.idx.msk $0xffff, v5  }
0x14f: {  	v4 =	vor.u32 $0x2280, v0;
	v3 =	vld [tilespmem:$0x1B550]  }
0x150: {  	v6 =	vor.u32 $0x2281, v0;
	v5 =	vld [tilespmem:$0x1B5D0];
	_ =	sdelay $0x3  }
0x151: {  	[tilespmem:v4+s19+$0x0] =	vst.idx.msk $0xffff, v3  }
0x152: {  	[tilespmem:v6+s19+$0x0] =	vst.idx.msk $0xffff, v5  }
0x153: {  	v4 =	vor.u32 $0x2300, v0;
	v3 =	vld [tilespmem:$0x1B560]  }
0x154: {  	v6 =	vor.u32 $0x2301, v0;
	v5 =	vld [tilespmem:$0x1B5E0];
	_ =	sdelay $0x3  }
0x155: {  	[tilespmem:v4+s19+$0x0] =	vst.idx.msk $0xffff, v3  }
0x156: {  	[tilespmem:v6+s19+$0x0] =	vst.idx.msk $0xffff, v5  }
0x157: {  	v4 =	vor.u32 $0x2380, v0;
	v3 =	vld [tilespmem:$0x1B570]  }
0x158: {  	v6 =	vor.u32 $0x2381, v0;
	v5 =	vld [tilespmem:$0x1B5F0];
	_ =	sdelay $0x3  }
0x159: {  	[tilespmem:v4+s19+$0x0] =	vst.idx.msk $0xffff, v3  }
0x15a: {  	[tilespmem:v6+s19+$0x0] =	vst.idx.msk $0xffff, v5  }
0x15b: {  	v4 =	vor.u32 $0x2400, v0;
	v3 =	vld [tilespmem:$0x1B600]  }
0x15c: {  	v6 =	vor.u32 $0x2401, v0;
	v5 =	vld [tilespmem:$0x1B680];
	_ =	sdelay $0x3  }
0x15d: {  	[tilespmem:v4+s19+$0x0] =	vst.idx.msk $0xffff, v3  }
0x15e: {  	[tilespmem:v6+s19+$0x0] =	vst.idx.msk $0xffff, v5  }
0x15f: {  	v4 =	vor.u32 $0x2480, v0;
	v3 =	vld [tilespmem:$0x1B610]  }
0x160: {  	v6 =	vor.u32 $0x2481, v0;
	v5 =	vld [tilespmem:$0x1B690];
	_ =	sdelay $0x3  }
0x161: {  	[tilespmem:v4+s19+$0x0] =	vst.idx.msk $0xffff, v3  }
0x162: {  	[tilespmem:v6+s19+$0x0] =	vst.idx.msk $0xffff, v5  }
0x163: {  	v4 =	vor.u32 $0x2500, v0;
	v3 =	vld [tilespmem:$0x1B620]  }
0x164: {  	v6 =	vor.u32 $0x2501, v0;
	v5 =	vld [tilespmem:$0x1B6A0];
	_ =	sdelay $0x3  }
0x165: {  	[tilespmem:v4+s19+$0x0] =	vst.idx.msk $0xffff, v3  }
0x166: {  	[tilespmem:v6+s19+$0x0] =	vst.idx.msk $0xffff, v5  }
0x167: {  	v4 =	vor.u32 $0x2580, v0;
	v3 =	vld [tilespmem:$0x1B630]  }
0x168: {  	v6 =	vor.u32 $0x2581, v0;
	v5 =	vld [tilespmem:$0x1B6B0];
	_ =	sdelay $0x3  }
0x169: {  	[tilespmem:v4+s19+$0x0] =	vst.idx.msk $0xffff, v3  }
0x16a: {  	[tilespmem:v6+s19+$0x0] =	vst.idx.msk $0xffff, v5  }
0x16b: {  	v4 =	vor.u32 $0x2600, v0;
	v3 =	vld [tilespmem:$0x1B640]  }
0x16c: {  	v6 =	vor.u32 $0x2601, v0;
	v5 =	vld [tilespmem:$0x1B6C0];
	_ =	sdelay $0x3  }
0x16d: {  	[tilespmem:v4+s19+$0x0] =	vst.idx.msk $0xffff, v3  }
0x16e: {  	[tilespmem:v6+s19+$0x0] =	vst.idx.msk $0xffff, v5  }
0x16f: {  	v4 =	vor.u32 $0x2680, v0;
	v3 =	vld [tilespmem:$0x1B650]  }
0x170: {  	v6 =	vor.u32 $0x2681, v0;
	v5 =	vld [tilespmem:$0x1B6D0];
	_ =	sdelay $0x3  }
0x171: {  	[tilespmem:v4+s19+$0x0] =	vst.idx.msk $0xffff, v3  }
0x172: {  	[tilespmem:v6+s19+$0x0] =	vst.idx.msk $0xffff, v5  }
0x173: {  	v4 =	vor.u32 $0x2700, v0;
	v3 =	vld [tilespmem:$0x1B660]  }
0x174: {  	v6 =	vor.u32 $0x2701, v0;
	v5 =	vld [tilespmem:$0x1B6E0];
	_ =	sdelay $0x3  }
0x175: {  	[tilespmem:v4+s19+$0x0] =	vst.idx.msk $0xffff, v3  }
0x176: {  	[tilespmem:v6+s19+$0x0] =	vst.idx.msk $0xffff, v5  }
0x177: {  	v4 =	vor.u32 $0x2780, v0;
	v3 =	vld [tilespmem:$0x1B670]  }
0x178: {  	v6 =	vor.u32 $0x2781, v0;
	v5 =	vld [tilespmem:$0x1B6F0];
	_ =	sdelay $0x3  }
0x179: {  	[tilespmem:v4+s19+$0x0] =	vst.idx.msk $0xffff, v3  }
0x17a: {  	[tilespmem:v6+s19+$0x0] =	vst.idx.msk $0xffff, v5  }
0x17b: {  	v4 =	vor.u32 $0x2800, v0;
	v3 =	vld [tilespmem:$0x1B700]  }
0x17c: {  	v6 =	vor.u32 $0x2801, v0;
	v5 =	vld [tilespmem:$0x1B780];
	_ =	sdelay $0x3  }
0x17d: {  	[tilespmem:v4+s19+$0x0] =	vst.idx.msk $0xffff, v3  }
0x17e: {  	[tilespmem:v6+s19+$0x0] =	vst.idx.msk $0xffff, v5  }
0x17f: {  	v4 =	vor.u32 $0x2880, v0;
	v3 =	vld [tilespmem:$0x1B710]  }
0x180: {  	v6 =	vor.u32 $0x2881, v0;
	v5 =	vld [tilespmem:$0x1B790];
	_ =	sdelay $0x3  }
0x181: {  	[tilespmem:v4+s19+$0x0] =	vst.idx.msk $0xffff, v3  }
0x182: {  	[tilespmem:v6+s19+$0x0] =	vst.idx.msk $0xffff, v5  }
0x183: {  	v4 =	vor.u32 $0x2900, v0;
	v3 =	vld [tilespmem:$0x1B720]  }
0x184: {  	v6 =	vor.u32 $0x2901, v0;
	v5 =	vld [tilespmem:$0x1B7A0];
	_ =	sdelay $0x3  }
0x185: {  	[tilespmem:v4+s19+$0x0] =	vst.idx.msk $0xffff, v3  }
0x186: {  	[tilespmem:v6+s19+$0x0] =	vst.idx.msk $0xffff, v5  }
0x187: {  	v4 =	vor.u32 $0x2980, v0;
	v3 =	vld [tilespmem:$0x1B730]  }
0x188: {  	v6 =	vor.u32 $0x2981, v0;
	v5 =	vld [tilespmem:$0x1B7B0];
	_ =	sdelay $0x3  }
0x189: {  	[tilespmem:v4+s19+$0x0] =	vst.idx.msk $0xffff, v3  }
0x18a: {  	[tilespmem:v6+s19+$0x0] =	vst.idx.msk $0xffff, v5  }
0x18b: {  	v4 =	vor.u32 $0x2A00, v0;
	v3 =	vld [tilespmem:$0x1B740]  }
0x18c: {  	v6 =	vor.u32 $0x2A01, v0;
	v5 =	vld [tilespmem:$0x1B7C0];
	_ =	sdelay $0x3  }
0x18d: {  	[tilespmem:v4+s19+$0x0] =	vst.idx.msk $0xffff, v3  }
0x18e: {  	[tilespmem:v6+s19+$0x0] =	vst.idx.msk $0xffff, v5  }
0x18f: {  	v4 =	vor.u32 $0x2A80, v0;
	v3 =	vld [tilespmem:$0x1B750]  }
0x190: {  	v6 =	vor.u32 $0x2A81, v0;
	v5 =	vld [tilespmem:$0x1B7D0];
	_ =	sdelay $0x3  }
0x191: {  	[tilespmem:v4+s19+$0x0] =	vst.idx.msk $0xffff, v3  }
0x192: {  	[tilespmem:v6+s19+$0x0] =	vst.idx.msk $0xffff, v5  }
0x193: {  	v4 =	vor.u32 $0x2B00, v0;
	v3 =	vld [tilespmem:$0x1B760]  }
0x194: {  	v6 =	vor.u32 $0x2B01, v0;
	v5 =	vld [tilespmem:$0x1B7E0];
	_ =	sdelay $0x3  }
0x195: {  	[tilespmem:v4+s19+$0x0] =	vst.idx.msk $0xffff, v3  }
0x196: {  	[tilespmem:v6+s19+$0x0] =	vst.idx.msk $0xffff, v5  }
0x197: {  	v4 =	vor.u32 $0x2B80, v0;
	v3 =	vld [tilespmem:$0x1B770]  }
0x198: {  	v6 =	vor.u32 $0x2B81, v0;
	v5 =	vld [tilespmem:$0x1B7F0];
	_ =	sdelay $0x3  }
0x199: {  	[tilespmem:v4+s19+$0x0] =	vst.idx.msk $0xffff, v3  }
0x19a: {  	[tilespmem:v6+s19+$0x0] =	vst.idx.msk $0xffff, v5  }
0x19b: {  	v4 =	vor.u32 $0x2C00, v0;
	v3 =	vld [tilespmem:$0x1B800]  }
0x19c: {  	v6 =	vor.u32 $0x2C01, v0;
	v5 =	vld [tilespmem:$0x1B880];
	_ =	sdelay $0x3  }
0x19d: {  	[tilespmem:v4+s19+$0x0] =	vst.idx.msk $0xffff, v3  }
0x19e: {  	[tilespmem:v6+s19+$0x0] =	vst.idx.msk $0xffff, v5  }
0x19f: {  	v4 =	vor.u32 $0x2C80, v0;
	v3 =	vld [tilespmem:$0x1B810]  }
0x1a0: {  	v6 =	vor.u32 $0x2C81, v0;
	v5 =	vld [tilespmem:$0x1B890];
	_ =	sdelay $0x3  }
0x1a1: {  	[tilespmem:v4+s19+$0x0] =	vst.idx.msk $0xffff, v3  }
0x1a2: {  	[tilespmem:v6+s19+$0x0] =	vst.idx.msk $0xffff, v5  }
0x1a3: {  	v4 =	vor.u32 $0x2D00, v0;
	v3 =	vld [tilespmem:$0x1B820]  }
0x1a4: {  	v6 =	vor.u32 $0x2D01, v0;
	v5 =	vld [tilespmem:$0x1B8A0];
	_ =	sdelay $0x3  }
0x1a5: {  	[tilespmem:v4+s19+$0x0] =	vst.idx.msk $0xffff, v3  }
0x1a6: {  	[tilespmem:v6+s19+$0x0] =	vst.idx.msk $0xffff, v5  }
0x1a7: {  	v4 =	vor.u32 $0x2D80, v0;
	v3 =	vld [tilespmem:$0x1B830]  }
0x1a8: {  	v6 =	vor.u32 $0x2D81, v0;
	v5 =	vld [tilespmem:$0x1B8B0];
	_ =	sdelay $0x3  }
0x1a9: {  	[tilespmem:v4+s19+$0x0] =	vst.idx.msk $0xffff, v3  }
0x1aa: {  	[tilespmem:v6+s19+$0x0] =	vst.idx.msk $0xffff, v5  }
0x1ab: {  	v4 =	vor.u32 $0x2E00, v0;
	v3 =	vld [tilespmem:$0x1B840]  }
0x1ac: {  	v6 =	vor.u32 $0x2E01, v0;
	v5 =	vld [tilespmem:$0x1B8C0];
	_ =	sdelay $0x3  }
0x1ad: {  	[tilespmem:v4+s19+$0x0] =	vst.idx.msk $0xffff, v3  }
0x1ae: {  	[tilespmem:v6+s19+$0x0] =	vst.idx.msk $0xffff, v5  }
0x1af: {  	v4 =	vor.u32 $0x2E80, v0;
	v3 =	vld [tilespmem:$0x1B850]  }
0x1b0: {  	v6 =	vor.u32 $0x2E81, v0;
	v5 =	vld [tilespmem:$0x1B8D0];
	_ =	sdelay $0x3  }
0x1b1: {  	[tilespmem:v4+s19+$0x0] =	vst.idx.msk $0xffff, v3  }
0x1b2: {  	[tilespmem:v6+s19+$0x0] =	vst.idx.msk $0xffff, v5  }
0x1b3: {  	v4 =	vor.u32 $0x2F00, v0;
	v3 =	vld [tilespmem:$0x1B860]  }
0x1b4: {  	v6 =	vor.u32 $0x2F01, v0;
	v5 =	vld [tilespmem:$0x1B8E0];
	_ =	sdelay $0x3  }
0x1b5: {  	[tilespmem:v4+s19+$0x0] =	vst.idx.msk $0xffff, v3  }
0x1b6: {  	[tilespmem:v6+s19+$0x0] =	vst.idx.msk $0xffff, v5  }
0x1b7: {  	v4 =	vor.u32 $0x2F80, v0;
	v3 =	vld [tilespmem:$0x1B870]  }
0x1b8: {  	v6 =	vor.u32 $0x2F81, v0;
	v5 =	vld [tilespmem:$0x1B8F0];
	_ =	sdelay $0x3  }
0x1b9: {  	[tilespmem:v4+s19+$0x0] =	vst.idx.msk $0xffff, v3  }
0x1ba: {  	[tilespmem:v6+s19+$0x0] =	vst.idx.msk $0xffff, v5  }
0x1bb: {  	v4 =	vor.u32 $0x3000, v0;
	v3 =	vld [tilespmem:$0x1B900]  }
0x1bc: {  	v6 =	vor.u32 $0x3001, v0;
	v5 =	vld [tilespmem:$0x1B980];
	_ =	sdelay $0x3  }
0x1bd: {  	[tilespmem:v4+s19+$0x0] =	vst.idx.msk $0xffff, v3  }
0x1be: {  	[tilespmem:v6+s19+$0x0] =	vst.idx.msk $0xffff, v5  }
0x1bf: {  	v4 =	vor.u32 $0x3080, v0;
	v3 =	vld [tilespmem:$0x1B910]  }
0x1c0: {  	v6 =	vor.u32 $0x3081, v0;
	v5 =	vld [tilespmem:$0x1B990];
	_ =	sdelay $0x3  }
0x1c1: {  	[tilespmem:v4+s19+$0x0] =	vst.idx.msk $0xffff, v3  }
0x1c2: {  	[tilespmem:v6+s19+$0x0] =	vst.idx.msk $0xffff, v5  }
0x1c3: {  	v4 =	vor.u32 $0x3100, v0;
	v3 =	vld [tilespmem:$0x1B920]  }
0x1c4: {  	v6 =	vor.u32 $0x3101, v0;
	v5 =	vld [tilespmem:$0x1B9A0];
	_ =	sdelay $0x3  }
0x1c5: {  	[tilespmem:v4+s19+$0x0] =	vst.idx.msk $0xffff, v3  }
0x1c6: {  	[tilespmem:v6+s19+$0x0] =	vst.idx.msk $0xffff, v5  }
0x1c7: {  	v4 =	vor.u32 $0x3180, v0;
	v3 =	vld [tilespmem:$0x1B930]  }
0x1c8: {  	v6 =	vor.u32 $0x3181, v0;
	v5 =	vld [tilespmem:$0x1B9B0];
	_ =	sdelay $0x3  }
0x1c9: {  	[tilespmem:v4+s19+$0x0] =	vst.idx.msk $0xffff, v3  }
0x1ca: {  	[tilespmem:v6+s19+$0x0] =	vst.idx.msk $0xffff, v5  }
0x1cb: {  	v4 =	vor.u32 $0x3200, v0;
	v3 =	vld [tilespmem:$0x1B940]  }
0x1cc: {  	v6 =	vor.u32 $0x3201, v0;
	v5 =	vld [tilespmem:$0x1B9C0];
	_ =	sdelay $0x3  }
0x1cd: {  	[tilespmem:v4+s19+$0x0] =	vst.idx.msk $0xffff, v3  }
0x1ce: {  	[tilespmem:v6+s19+$0x0] =	vst.idx.msk $0xffff, v5  }
0x1cf: {  	v4 =	vor.u32 $0x3280, v0;
	v3 =	vld [tilespmem:$0x1B950]  }
0x1d0: {  	v6 =	vor.u32 $0x3281, v0;
	v5 =	vld [tilespmem:$0x1B9D0];
	_ =	sdelay $0x3  }
0x1d1: {  	[tilespmem:v4+s19+$0x0] =	vst.idx.msk $0xffff, v3  }
0x1d2: {  	[tilespmem:v6+s19+$0x0] =	vst.idx.msk $0xffff, v5  }
0x1d3: {  	v4 =	vor.u32 $0x3300, v0;
	v3 =	vld [tilespmem:$0x1B960]  }
0x1d4: {  	v6 =	vor.u32 $0x3301, v0;
	v5 =	vld [tilespmem:$0x1B9E0];
	_ =	sdelay $0x3  }
0x1d5: {  	[tilespmem:v4+s19+$0x0] =	vst.idx.msk $0xffff, v3  }
0x1d6: {  	[tilespmem:v6+s19+$0x0] =	vst.idx.msk $0xffff, v5  }
0x1d7: {  	v4 =	vor.u32 $0x3380, v0;
	v3 =	vld [tilespmem:$0x1B970]  }
0x1d8: {  	v6 =	vor.u32 $0x3381, v0;
	v5 =	vld [tilespmem:$0x1B9F0];
	_ =	sdelay $0x3  }
0x1d9: {  	[tilespmem:v4+s19+$0x0] =	vst.idx.msk $0xffff, v3  }
0x1da: {  	[tilespmem:v6+s19+$0x0] =	vst.idx.msk $0xffff, v5  }
0x1db: {  	v4 =	vor.u32 $0x3400, v0;
	v3 =	vld [tilespmem:$0x1BA00]  }
0x1dc: {  	v6 =	vor.u32 $0x3401, v0;
	v5 =	vld [tilespmem:$0x1BA80];
	_ =	sdelay $0x3  }
0x1dd: {  	[tilespmem:v4+s19+$0x0] =	vst.idx.msk $0xffff, v3  }
0x1de: {  	[tilespmem:v6+s19+$0x0] =	vst.idx.msk $0xffff, v5  }
0x1df: {  	v4 =	vor.u32 $0x3480, v0;
	v3 =	vld [tilespmem:$0x1BA10]  }
0x1e0: {  	v6 =	vor.u32 $0x3481, v0;
	v5 =	vld [tilespmem:$0x1BA90];
	_ =	sdelay $0x3  }
0x1e1: {  	[tilespmem:v4+s19+$0x0] =	vst.idx.msk $0xffff, v3  }
0x1e2: {  	[tilespmem:v6+s19+$0x0] =	vst.idx.msk $0xffff, v5  }
0x1e3: {  	v4 =	vor.u32 $0x3500, v0;
	v3 =	vld [tilespmem:$0x1BA20]  }
0x1e4: {  	v6 =	vor.u32 $0x3501, v0;
	v5 =	vld [tilespmem:$0x1BAA0];
	_ =	sdelay $0x3  }
0x1e5: {  	[tilespmem:v4+s19+$0x0] =	vst.idx.msk $0xffff, v3  }
0x1e6: {  	[tilespmem:v6+s19+$0x0] =	vst.idx.msk $0xffff, v5  }
0x1e7: {  	v4 =	vor.u32 $0x3580, v0;
	v3 =	vld [tilespmem:$0x1BA30]  }
0x1e8: {  	v6 =	vor.u32 $0x3581, v0;
	v5 =	vld [tilespmem:$0x1BAB0];
	_ =	sdelay $0x3  }
0x1e9: {  	[tilespmem:v4+s19+$0x0] =	vst.idx.msk $0xffff, v3  }
0x1ea: {  	[tilespmem:v6+s19+$0x0] =	vst.idx.msk $0xffff, v5  }
0x1eb: {  	v4 =	vor.u32 $0x3600, v0;
	v3 =	vld [tilespmem:$0x1BA40]  }
0x1ec: {  	v6 =	vor.u32 $0x3601, v0;
	v5 =	vld [tilespmem:$0x1BAC0];
	_ =	sdelay $0x3  }
0x1ed: {  	[tilespmem:v4+s19+$0x0] =	vst.idx.msk $0xffff, v3  }
0x1ee: {  	[tilespmem:v6+s19+$0x0] =	vst.idx.msk $0xffff, v5  }
0x1ef: {  	v4 =	vor.u32 $0x3680, v0;
	v3 =	vld [tilespmem:$0x1BA50]  }
0x1f0: {  	v6 =	vor.u32 $0x3681, v0;
	v5 =	vld [tilespmem:$0x1BAD0];
	_ =	sdelay $0x3  }
0x1f1: {  	[tilespmem:v4+s19+$0x0] =	vst.idx.msk $0xffff, v3  }
0x1f2: {  	[tilespmem:v6+s19+$0x0] =	vst.idx.msk $0xffff, v5  }
0x1f3: {  	v4 =	vor.u32 $0x3700, v0;
	v3 =	vld [tilespmem:$0x1BA60]  }
0x1f4: {  	v6 =	vor.u32 $0x3701, v0;
	v5 =	vld [tilespmem:$0x1BAE0];
	_ =	sdelay $0x3  }
0x1f5: {  	[tilespmem:v4+s19+$0x0] =	vst.idx.msk $0xffff, v3  }
0x1f6: {  	[tilespmem:v6+s19+$0x0] =	vst.idx.msk $0xffff, v5  }
0x1f7: {  	v4 =	vor.u32 $0x3780, v0;
	v3 =	vld [tilespmem:$0x1BA70]  }
0x1f8: {  	v6 =	vor.u32 $0x3781, v0;
	v5 =	vld [tilespmem:$0x1BAF0];
	_ =	sdelay $0x3  }
0x1f9: {  	[tilespmem:v4+s19+$0x0] =	vst.idx.msk $0xffff, v3  }
0x1fa: {  	[tilespmem:v6+s19+$0x0] =	vst.idx.msk $0xffff, v5  }
0x1fb: {  	v4 =	vor.u32 $0x3800, v0;
	v3 =	vld [tilespmem:$0x1BB00]  }
0x1fc: {  	v6 =	vor.u32 $0x3801, v0;
	v5 =	vld [tilespmem:$0x1BB80];
	_ =	sdelay $0x3  }
0x1fd: {  	[tilespmem:v4+s19+$0x0] =	vst.idx.msk $0xffff, v3  }
0x1fe: {  	[tilespmem:v6+s19+$0x0] =	vst.idx.msk $0xffff, v5  }
0x1ff: {  	v4 =	vor.u32 $0x3880, v0;
	v3 =	vld [tilespmem:$0x1BB10]  }
0x200: {  	v6 =	vor.u32 $0x3881, v0;
	v5 =	vld [tilespmem:$0x1BB90];
	_ =	sdelay $0x3  }
0x201: {  	[tilespmem:v4+s19+$0x0] =	vst.idx.msk $0xffff, v3  }
0x202: {  	[tilespmem:v6+s19+$0x0] =	vst.idx.msk $0xffff, v5  }
0x203: {  	v4 =	vor.u32 $0x3900, v0;
	v3 =	vld [tilespmem:$0x1BB20]  }
0x204: {  	v6 =	vor.u32 $0x3901, v0;
	v5 =	vld [tilespmem:$0x1BBA0];
	_ =	sdelay $0x3  }
0x205: {  	[tilespmem:v4+s19+$0x0] =	vst.idx.msk $0xffff, v3  }
0x206: {  	[tilespmem:v6+s19+$0x0] =	vst.idx.msk $0xffff, v5  }
0x207: {  	v4 =	vor.u32 $0x3980, v0;
	v3 =	vld [tilespmem:$0x1BB30]  }
0x208: {  	v6 =	vor.u32 $0x3981, v0;
	v5 =	vld [tilespmem:$0x1BBB0];
	_ =	sdelay $0x3  }
0x209: {  	[tilespmem:v4+s19+$0x0] =	vst.idx.msk $0xffff, v3  }
0x20a: {  	[tilespmem:v6+s19+$0x0] =	vst.idx.msk $0xffff, v5  }
0x20b: {  	v4 =	vor.u32 $0x3A00, v0;
	v3 =	vld [tilespmem:$0x1BB40]  }
0x20c: {  	v6 =	vor.u32 $0x3A01, v0;
	v5 =	vld [tilespmem:$0x1BBC0];
	_ =	sdelay $0x3  }
0x20d: {  	[tilespmem:v4+s19+$0x0] =	vst.idx.msk $0xffff, v3  }
0x20e: {  	[tilespmem:v6+s19+$0x0] =	vst.idx.msk $0xffff, v5  }
0x20f: {  	v4 =	vor.u32 $0x3A80, v0;
	v3 =	vld [tilespmem:$0x1BB50]  }
0x210: {  	v6 =	vor.u32 $0x3A81, v0;
	v5 =	vld [tilespmem:$0x1BBD0];
	_ =	sdelay $0x3  }
0x211: {  	[tilespmem:v4+s19+$0x0] =	vst.idx.msk $0xffff, v3  }
0x212: {  	[tilespmem:v6+s19+$0x0] =	vst.idx.msk $0xffff, v5  }
0x213: {  	v4 =	vor.u32 $0x3B00, v0;
	v3 =	vld [tilespmem:$0x1BB60]  }
0x214: {  	v6 =	vor.u32 $0x3B01, v0;
	v5 =	vld [tilespmem:$0x1BBE0];
	_ =	sdelay $0x3  }
0x215: {  	[tilespmem:v4+s19+$0x0] =	vst.idx.msk $0xffff, v3  }
0x216: {  	[tilespmem:v6+s19+$0x0] =	vst.idx.msk $0xffff, v5  }
0x217: {  	v4 =	vor.u32 $0x3B80, v0;
	v3 =	vld [tilespmem:$0x1BB70]  }
0x218: {  	v6 =	vor.u32 $0x3B81, v0;
	v5 =	vld [tilespmem:$0x1BBF0];
	_ =	sdelay $0x3  }
0x219: {  	[tilespmem:v4+s19+$0x0] =	vst.idx.msk $0xffff, v3  }
0x21a: {  	[tilespmem:v6+s19+$0x0] =	vst.idx.msk $0xffff, v5  }
0x21b: {  	v4 =	vor.u32 $0x3C00, v0;
	v3 =	vld [tilespmem:$0x1BC00]  }
0x21c: {  	v6 =	vor.u32 $0x3C01, v0;
	v5 =	vld [tilespmem:$0x1BC80];
	_ =	sdelay $0x3  }
0x21d: {  	[tilespmem:v4+s19+$0x0] =	vst.idx.msk $0xffff, v3  }
0x21e: {  	[tilespmem:v6+s19+$0x0] =	vst.idx.msk $0xffff, v5  }
0x21f: {  	v4 =	vor.u32 $0x3C80, v0;
	v3 =	vld [tilespmem:$0x1BC10]  }
0x220: {  	v6 =	vor.u32 $0x3C81, v0;
	v5 =	vld [tilespmem:$0x1BC90];
	_ =	sdelay $0x3  }
0x221: {  	[tilespmem:v4+s19+$0x0] =	vst.idx.msk $0xffff, v3  }
0x222: {  	[tilespmem:v6+s19+$0x0] =	vst.idx.msk $0xffff, v5  }
0x223: {  	v4 =	vor.u32 $0x3D00, v0;
	v3 =	vld [tilespmem:$0x1BC20]  }
0x224: {  	v6 =	vor.u32 $0x3D01, v0;
	v5 =	vld [tilespmem:$0x1BCA0];
	_ =	sdelay $0x3  }
0x225: {  	[tilespmem:v4+s19+$0x0] =	vst.idx.msk $0xffff, v3  }
0x226: {  	[tilespmem:v6+s19+$0x0] =	vst.idx.msk $0xffff, v5  }
0x227: {  	v4 =	vor.u32 $0x3D80, v0;
	v3 =	vld [tilespmem:$0x1BC30]  }
0x228: {  	v6 =	vor.u32 $0x3D81, v0;
	v5 =	vld [tilespmem:$0x1BCB0];
	_ =	sdelay $0x3  }
0x229: {  	[tilespmem:v4+s19+$0x0] =	vst.idx.msk $0xffff, v3  }
0x22a: {  	[tilespmem:v6+s19+$0x0] =	vst.idx.msk $0xffff, v5  }
0x22b: {  	v4 =	vor.u32 $0x3E00, v0;
	v3 =	vld [tilespmem:$0x1BC40]  }
0x22c: {  	v6 =	vor.u32 $0x3E01, v0;
	v5 =	vld [tilespmem:$0x1BCC0];
	_ =	sdelay $0x3  }
0x22d: {  	[tilespmem:v4+s19+$0x0] =	vst.idx.msk $0xffff, v3  }
0x22e: {  	[tilespmem:v6+s19+$0x0] =	vst.idx.msk $0xffff, v5  }
0x22f: {  	v4 =	vor.u32 $0x3E80, v0;
	v3 =	vld [tilespmem:$0x1BC50]  }
0x230: {  	v6 =	vor.u32 $0x3E81, v0;
	v5 =	vld [tilespmem:$0x1BCD0];
	_ =	sdelay $0x3  }
0x231: {  	[tilespmem:v4+s19+$0x0] =	vst.idx.msk $0xffff, v3  }
0x232: {  	[tilespmem:v6+s19+$0x0] =	vst.idx.msk $0xffff, v5  }
0x233: {  	v4 =	vor.u32 $0x3F00, v0;
	v3 =	vld [tilespmem:$0x1BC60]  }
0x234: {  	v6 =	vor.u32 $0x3F01, v0;
	v5 =	vld [tilespmem:$0x1BCE0];
	_ =	sdelay $0x3  }
0x235: {  	[tilespmem:v4+s19+$0x0] =	vst.idx.msk $0xffff, v3  }
0x236: {  	[tilespmem:v6+s19+$0x0] =	vst.idx.msk $0xffff, v5  }
0x237: {  	v4 =	vor.u32 $0x3F80, v0;
	v3 =	vld [tilespmem:$0x1BC70]  }
0x238: {  	v6 =	vor.u32 $0x3F81, v0;
	v5 =	vld [tilespmem:$0x1BCF0];
	_ =	sdelay $0x3  }
0x239: {  	p0 =	sne.s32 s7, $0x1FE00;
	[tilespmem:v4+s19+$0x0] =	vst.idx.msk $0xffff, v3  }
.Ltmp0:
0x23a: {  	[tilespmem:v6+s19+$0x0] =	vst.idx.msk $0xffff, v5;
	(pc) =	sbr.rel @p0 .LBB2_2-.Ltmp0, $4  }
0x23b: {  	[hbm4b:s4+s6] =	stream.linear.scatter [tilespmem:s19], [sflag:$0x2], $0x4000, $0x38;
	[tilespmem:$0x1FD00] =	vst v63  }
0x23c: {  	_ =	swait.ge [sflag:s13], $0x4000  }
0x23d: {  	[sflag:s13] =	ssyncset.done $0x0  }
0x23e: {  	s7 =	sadd.s32 $0x200, s7;
	v4 =	vmov v47;
	v6 =	vmov v33;
	v5 =	vmov v32;
	s4 =	sadd.s32 $0x800, s4;
	[sflag:s13] =	ssyncadd.s32 $0xFFFFC000  }
0x23f: {  	[bflag:$0x0] =	sbarrier.arrive $0xFFFF;
	s7 =	simm.s32 $0x0  }
.LBB2_4:
0x240: {  	s1 =	sshll.u32 s7, $0xA;
	s3 =	rddreg [dreg:$0x8]  }
0x241: {  	s14 =	rddreg [dreg:$0x4];
	s1 =	sadd.s32 s3, s1  }
0x242: {  	[dreg:$0x10] =	wrdreg s1;
	s1 =	sshrl.u32 s1, $0x3  }
0x243: {  	s6 =	simm.s32 $0x0;
	s3 =	sadd.s32 s14, s1  }
0x244: {  	[tilespmem:s6], [sflag:$0x2] =	stream.linear.gather [hbm4b:s3+s6], $0x400, $0x38;
	[tilespmem:$0x1FD00] =	vst v63  }
0x245: {  	_ =	swait.ge [sflag:s13], $0x400  }
0x246: {  	[sflag:s13] =	ssyncset.done $0x0;
	s18 =	rddreg [dreg:$0x5]  }
0x247: {  	s4 =	simm.s32 $0x400;
	[sflag:s13] =	ssyncadd.s32 $0xFFFFFC00;
	s3 =	sadd.s32 s18, s1  }
0x248: {  	[tilespmem:s4], [sflag:$0x2] =	stream.linear.gather [hbm4b:s3+s6], $0x400, $0x38;
	[tilespmem:$0x1FD00] =	vst v63  }
0x249: {  	_ =	swait.ge [sflag:s13], $0x400  }
0x24a: {  	[sflag:s13] =	ssyncset.done $0x0;
	s20 =	rddreg [dreg:$0x6]  }
0x24b: {  	s21 =	simm.s32 $0x800;
	[sflag:s13] =	ssyncadd.s32 $0xFFFFFC00;
	s1 =	sadd.s32 s20, s1  }
0x24c: {  	[tilespmem:s21], [sflag:$0x2] =	stream.linear.gather [hbm4b:s1+s6], $0x400, $0x38;
	[tilespmem:$0x1FD00] =	vst v63  }
0x24d: {  	_ =	swait.ge [sflag:s13], $0x400  }
0x24e: {  	[sflag:s13] =	ssyncset.done $0x0  }
0x24f: {  	[sflag:s13] =	ssyncadd.s32 $0xFFFFFC00;
	s13 =	simm.s32 $0x0  }
.LBB2_5:
0x250: {  	s1 =	sshll.u32 s13, $0x4  }
0x251: {  	s1 =	sand.u32 $0x3FFFFFF0, s1  }
0x252: {  	v4 =	vld [tilespmem:s1+$0xC00];
	s1 =	simm.s32 $0x0  }
0x253: {  	v3 =	vld [tilespmem:s1+$0x400]  }
0x254: {  	v5 =	vld [tilespmem:s1+$0x800];
	_ =	sdelay $0x3  }
0x255: {  	v6 =	vld [tilespmem:s1+$0x0];
	v7 =	vmul.f32 v3, v4  }
0x256: {  	v5 =	vmul.f32 v5, v4  }
0x257: {  	s3 =	sshll.u32 s13, $0x13;
	v8 =	vtrunc.f32 v7  }
0x258: {  	v3 =	vmov s3;
	v10 =	vtrunc.f32 v5;
	v9 =	vcvt.f32.s32 v8  }
0x259: {  	v11 =	vcvt.f32.s32 v10;
	vm0 =	vgt.f32 v7, v8;
	vm1 =	vgt.f32 v5, v10  }
0x25a: {  	v5 =	vmul.f32 v6, v4;
	v6 =	vsel vm0, $0x1, v1;
	v7 =	vsel vm1, $0x1, v1  }
0x25b: {  	v6 =	vadd.s32 v9, v6;
	v7 =	vadd.s32 v11, v7;
	v10 =	vmul.u32 $0x9E3779B1, v9  }
0x25c: {  	v8 =	vtrunc.f32 v5;
	v12 =	vmul.u32 $0x9E3779B1, v6;
	v7 =	vmul.u32 $0x30025795, v7  }
0x25d: {  	v6 =	vcvt.f32.s32 v8;
	vm15 =	vgt.f32 v5, v8;
	v5 =	vmul.u32 $0x30025795, v11  }
0x25e: {  	v11 =	vsel vm15, $0x1, v1;
	v8 =	vxor.u32 v10, v7;
	v9 =	vxor.u32 v12, v7  }
0x25f: {  	v7 =	vxor.u32 v10, v5;
	v12 =	vxor.u32 v5, v12;
	v5 =	vxor.u32 v6, v9  }
0x260: {  	s3 =	simm.s32 $0x10;
	v11 =	vadd.s32 v6, v11;
	v10 =	vxor.u32 v6, v12;
	v14 =	vand.u32 $0x7FFFF, v5  }
0x261: {  	s4 =	simm.s32 $0x80;
	v13 =	vxor.u32 v11, v12;
	v12 =	vxor.u32 v6, v8;
	v5 =	vld [tilespmem:s3+$0x400];
	v14 =	vor.u32 v3, v14  }
.LBB2_6:
0x262: {  	p0 =	sne.s32 s4, $0xFC0;
	v15 =	vld [tilespmem:s3+$0x800];
	v6 =	vxor.u32 v6, v7;
	v8 =	vxor.u32 v11, v8;
	v9 =	vxor.u32 v11, v9;
	[tilespmem:s1+$0x2900] =	vst v14  }
0x263: {  	v7 =	vxor.u32 v7, v11;
	v11 =	vand.u32 $0x7FFFF, v13;
	v10 =	vand.u32 $0x7FFFF, v10  }
0x264: {  	v12 =	vand.u32 $0x7FFFF, v12;
	v8 =	vand.u32 $0x7FFFF, v8;
	v9 =	vand.u32 $0x7FFFF, v9  }
0x265: {  	v6 =	vand.u32 $0x7FFFF, v6;
	v7 =	vand.u32 $0x7FFFF, v7;
	v11 =	vor.u32 v3, v11  }
0x266: {  	v10 =	vor.u32 v3, v10;
	v13 =	vld [tilespmem:s3+$0x0];
	v5 =	vmul.f32 v5, v4;
	[tilespmem:s1+$0x1500] =	vst v11;
	v11 =	vor.u32 v3, v12  }
0x267: {  	v8 =	vor.u32 v3, v8;
	v9 =	vor.u32 v3, v9;
	v12 =	vmul.f32 v15, v4;
	[tilespmem:s1+$0x1900] =	vst v10  }
0x268: {  	v6 =	vor.u32 v3, v6;
	v7 =	vor.u32 v3, v7;
	v10 =	vtrunc.f32 v5;
	[tilespmem:s1+$0x1D00] =	vst v11  }
0x269: {  	v11 =	vcvt.f32.s32 v10;
	v14 =	vtrunc.f32 v12;
	[tilespmem:s1+$0x2100] =	vst v8  }
0x26a: {  	vm0 =	vgt.f32 v5, v10;
	v8 =	vcvt.f32.s32 v14;
	vm1 =	vgt.f32 v12, v14;
	[tilespmem:s1+$0x2500] =	vst v9  }
0x26b: {  	v9 =	vsel vm0, $0x1, v1;
	v5 =	vmul.f32 v13, v4;
	v10 =	vsel vm1, $0x1, v1;
	[tilespmem:s1+$0xD00] =	vst v6  }
0x26c: {  	v6 =	vadd.s32 v11, v9;
	v9 =	vadd.s32 v8, v10;
	v10 =	vmul.u32 $0x9E3779B1, v11;
	[tilespmem:s1+$0x1100] =	vst v7;
	s1 =	smov.u32 s3  }
0x26d: {  	v11 =	vmul.u32 $0x9E3779B1, v6;
	v7 =	vtrunc.f32 v5;
	v9 =	vmul.u32 $0x30025795, v9  }
.Ltmp1:
0x26e: {  	v6 =	vcvt.f32.s32 v7;
	vm0 =	vgt.f32 v5, v7;
	v5 =	vmul.u32 $0x30025795, v8;
	(pc) =	sbr.rel @p0 .LBB2_6-.Ltmp1, $4  }
0x26f: {  	v12 =	vsel vm0, $0x1, v1;
	v8 =	vxor.u32 v10, v9;
	v9 =	vxor.u32 v11, v9  }
0x270: {  	v7 =	vxor.u32 v10, v5;
	v13 =	vxor.u32 v5, v11;
	v5 =	vxor.u32 v6, v9  }
0x271: {  	s3 =	sshra.s32 s4, $0x2;
	v11 =	vadd.s32 v6, v12;
	v10 =	vxor.u32 v6, v13;
	v14 =	vand.u32 $0x7FFFF, v5  }
0x272: {  	s4 =	sadd.s32 $0x40, s4;
	v12 =	vxor.u32 v6, v8;
	v13 =	vxor.u32 v11, v13;
	v5 =	vld [tilespmem:s3+$0x400];
	v14 =	vor.u32 v3, v14  }
0x273: {  	v15 =	vld [tilespmem:s3+$0x800];
	v6 =	vxor.u32 v6, v7;
	v8 =	vxor.u32 v11, v8;
	[tilespmem:s1+$0x2900] =	vst v14  }
0x274: {  	v9 =	vxor.u32 v11, v9;
	v7 =	vxor.u32 v7, v11;
	v11 =	vand.u32 $0x7FFFF, v13;
	v13 =	vld [tilespmem:s3+$0x0]  }
0x275: {  	v10 =	vand.u32 $0x7FFFF, v10;
	v12 =	vand.u32 $0x7FFFF, v12;
	v8 =	vand.u32 $0x7FFFF, v8  }
0x276: {  	v9 =	vand.u32 $0x7FFFF, v9;
	v6 =	vand.u32 $0x7FFFF, v6;
	v7 =	vand.u32 $0x7FFFF, v7  }
0x277: {  	v11 =	vor.u32 v3, v11;
	v10 =	vor.u32 v3, v10;
	v5 =	vmul.f32 v5, v4  }
0x278: {  	v12 =	vor.u32 v3, v12;
	v8 =	vor.u32 v3, v8;
	v14 =	vmul.f32 v15, v4  }
0x279: {  	v9 =	vor.u32 v3, v9;
	v15 =	vtrunc.f32 v5;
	v4 =	vmul.f32 v13, v4  }
0x27a: {  	v6 =	vor.u32 v3, v6;
	v16 =	vcvt.f32.s32 v15;
	v17 =	vtrunc.f32 v14  }
0x27b: {  	vm0 =	vgt.f32 v5, v15;
	v18 =	vcvt.f32.s32 v17;
	vm1 =	vgt.f32 v14, v17  }
0x27c: {  	v7 =	vor.u32 v3, v7;
	[tilespmem:s1+$0x1500] =	vst v11;
	v5 =	vsel vm0, $0x1, v1;
	v13 =	vsel vm1, $0x1, v1  }
0x27d: {  	[tilespmem:s1+$0x1900] =	vst v10;
	v10 =	vtrunc.f32 v4;
	v5 =	vadd.s32 v16, v5;
	v11 =	vadd.s32 v18, v13  }
0x27e: {  	v13 =	vmul.u32 $0x9E3779B1, v16;
	v5 =	vmul.u32 $0x9E3779B1, v5;
	v11 =	vmul.u32 $0x30025795, v11  }
0x27f: {  	[tilespmem:s1+$0x1D00] =	vst v12;
	v12 =	vcvt.f32.s32 v10;
	vm15 =	vgt.f32 v4, v10;
	v4 =	vmul.u32 $0x30025795, v18  }
0x280: {  	[tilespmem:s1+$0x2100] =	vst v8;
	v8 =	vsel vm15, $0x1, v1;
	v10 =	vxor.u32 v13, v11;
	v11 =	vxor.u32 v5, v11  }
0x281: {  	[tilespmem:s1+$0x2500] =	vst v9;
	v8 =	vadd.s32 v12, v8;
	v5 =	vxor.u32 v4, v5;
	v9 =	vxor.u32 v12, v11  }
0x282: {  	[tilespmem:s1+$0xD00] =	vst v6;
	v4 =	vxor.u32 v13, v4;
	v6 =	vand.u32 $0x7FFFF, v9;
	v9 =	vxor.u32 v8, v5  }
0x283: {  	[tilespmem:s1+$0x1100] =	vst v7;
	v5 =	vxor.u32 v12, v5;
	v6 =	vor.u32 v3, v6;
	v7 =	vand.u32 $0x7FFFF, v9  }
0x284: {  	v9 =	vxor.u32 v12, v10;
	v5 =	vand.u32 $0x7FFFF, v5;
	[tilespmem:s3+$0x2900] =	vst v6;
	v6 =	vor.u32 v3, v7  }
0x285: {  	v7 =	vxor.u32 v8, v10;
	v9 =	vand.u32 $0x7FFFF, v9;
	v5 =	vor.u32 v3, v5;
	[tilespmem:s3+$0x1500] =	vst v6  }
0x286: {  	v6 =	vxor.u32 v8, v11;
	v7 =	vand.u32 $0x7FFFF, v7;
	v9 =	vor.u32 v3, v9;
	[tilespmem:s3+$0x1900] =	vst v5  }
0x287: {  	v5 =	vxor.u32 v12, v4;
	v6 =	vand.u32 $0x7FFFF, v6;
	v7 =	vor.u32 v3, v7;
	[tilespmem:s3+$0x1D00] =	vst v9  }
0x288: {  	v4 =	vxor.u32 v4, v8;
	v5 =	vand.u32 $0x7FFFF, v5;
	v6 =	vor.u32 v3, v6;
	[tilespmem:s3+$0x2100] =	vst v7  }
0x289: {  	v4 =	vand.u32 $0x7FFFF, v4;
	v5 =	vor.u32 v3, v5;
	[tilespmem:s3+$0x2500] =	vst v6  }
0x28a: {  	v3 =	vor.u32 v3, v4;
	[tilespmem:s3+$0xD00] =	vst v5  }
0x28b: {  	s18 =	simm.s32 $0xD00;
	[tilespmem:s3+$0x1100] =	vst v3  }
0x28c: {  	[tilespmem:s24], [sflag:$0x1] =	stream.indirect.gather [hbm4b:s8+s22], $0x2, s18, s22, $0xb8;
	[tilespmem:$0x1FD00] =	vst v63  }
0x28d: {  	s20 =	simm.s32 $0xE00;
	s21 =	simm.s32 $0x3500  }
0x28e: {  	[tilespmem:s21], [sflag:$0x1] =	stream.indirect.gather [hbm4b:s8+s22], $0x2, s20, s22, $0xb8;
	[tilespmem:$0x1FD00] =	vst v63  }
0x28f: {  	s4 =	simm.s32 $0xF00;
	s6 =	simm.s32 $0x3D00  }
0x290: {  	[tilespmem:s6], [sflag:$0x1] =	stream.indirect.gather [hbm4b:s8+s22], $0x2, s4, s22, $0xb8;
	[tilespmem:$0x1FD00] =	vst v63  }
0x291: {  	s14 =	simm.s32 $0x1000;
	s18 =	simm.s32 $0x4500  }
0x292: {  	[tilespmem:s18], [sflag:$0x1] =	stream.indirect.gather [hbm4b:s8+s22], $0x2, s14, s22, $0xb8;
	[tilespmem:$0x1FD00] =	vst v63  }
0x293: {  	s20 =	simm.s32 $0x1100;
	s21 =	simm.s32 $0x4D00  }
0x294: {  	[tilespmem:s21], [sflag:$0x1] =	stream.indirect.gather [hbm4b:s8+s22], $0x2, s20, s22, $0xb8;
	[tilespmem:$0x1FD00] =	vst v63  }
0x295: {  	s4 =	simm.s32 $0x1200;
	s6 =	simm.s32 $0x5500  }
0x296: {  	[tilespmem:s6], [sflag:$0x1] =	stream.indirect.gather [hbm4b:s8+s22], $0x2, s4, s22, $0xb8;
	[tilespmem:$0x1FD00] =	vst v63  }
0x297: {  	s14 =	simm.s32 $0x1300;
	s18 =	simm.s32 $0x5D00  }
0x298: {  	[tilespmem:s18], [sflag:$0x1] =	stream.indirect.gather [hbm4b:s8+s22], $0x2, s14, s22, $0xb8;
	[tilespmem:$0x1FD00] =	vst v63  }
0x299: {  	s20 =	simm.s32 $0x1400;
	s21 =	simm.s32 $0x6500  }
0x29a: {  	[tilespmem:s21], [sflag:$0x1] =	stream.indirect.gather [hbm4b:s8+s22], $0x2, s20, s22, $0xb8;
	[tilespmem:$0x1FD00] =	vst v63  }
0x29b: {  	s4 =	simm.s32 $0x1500;
	s6 =	simm.s32 $0x6D00  }
0x29c: {  	[tilespmem:s6], [sflag:$0x1] =	stream.indirect.gather [hbm4b:s8+s22], $0x2, s4, s22, $0xb8;
	[tilespmem:$0x1FD00] =	vst v63  }
0x29d: {  	s14 =	simm.s32 $0x1600;
	s18 =	simm.s32 $0x7500  }
0x29e: {  	[tilespmem:s18], [sflag:$0x1] =	stream.indirect.gather [hbm4b:s8+s22], $0x2, s14, s22, $0xb8;
	[tilespmem:$0x1FD00] =	vst v63  }
0x29f: {  	s20 =	simm.s32 $0x1700;
	s21 =	simm.s32 $0x7D00  }
0x2a0: {  	[tilespmem:s21], [sflag:$0x1] =	stream.indirect.gather [hbm4b:s8+s22], $0x2, s20, s22, $0xb8;
	[tilespmem:$0x1FD00] =	vst v63  }
0x2a1: {  	s4 =	simm.s32 $0x1800;
	s6 =	simm.s32 $0x8500  }
0x2a2: {  	[tilespmem:s6], [sflag:$0x1] =	stream.indirect.gather [hbm4b:s8+s22], $0x2, s4, s22, $0xb8;
	[tilespmem:$0x1FD00] =	vst v63  }
0x2a3: {  	s14 =	simm.s32 $0x1900;
	s18 =	simm.s32 $0x8D00  }
0x2a4: {  	[tilespmem:s18], [sflag:$0x1] =	stream.indirect.gather [hbm4b:s8+s22], $0x2, s14, s22, $0xb8;
	[tilespmem:$0x1FD00] =	vst v63  }
0x2a5: {  	s20 =	simm.s32 $0x1A00;
	s21 =	simm.s32 $0x9500  }
0x2a6: {  	[tilespmem:s21], [sflag:$0x1] =	stream.indirect.gather [hbm4b:s8+s22], $0x2, s20, s22, $0xb8;
	[tilespmem:$0x1FD00] =	vst v63  }
0x2a7: {  	s4 =	simm.s32 $0x1B00;
	s6 =	simm.s32 $0x9D00  }
0x2a8: {  	[tilespmem:s6], [sflag:$0x1] =	stream.indirect.gather [hbm4b:s8+s22], $0x2, s4, s22, $0xb8;
	[tilespmem:$0x1FD00] =	vst v63  }
0x2a9: {  	s14 =	simm.s32 $0x1C00;
	s18 =	simm.s32 $0xA500  }
0x2aa: {  	[tilespmem:s18], [sflag:$0x1] =	stream.indirect.gather [hbm4b:s8+s22], $0x2, s14, s22, $0xb8;
	[tilespmem:$0x1FD00] =	vst v63  }
0x2ab: {  	s20 =	simm.s32 $0x1D00;
	s21 =	simm.s32 $0xAD00  }
0x2ac: {  	[tilespmem:s21], [sflag:$0x1] =	stream.indirect.gather [hbm4b:s8+s22], $0x2, s20, s22, $0xb8;
	[tilespmem:$0x1FD00] =	vst v63  }
0x2ad: {  	s4 =	simm.s32 $0x1E00;
	s6 =	simm.s32 $0xB500  }
0x2ae: {  	[tilespmem:s6], [sflag:$0x1] =	stream.indirect.gather [hbm4b:s8+s22], $0x2, s4, s22, $0xb8;
	[tilespmem:$0x1FD00] =	vst v63  }
0x2af: {  	s14 =	simm.s32 $0x1F00;
	s18 =	simm.s32 $0xBD00  }
0x2b0: {  	[tilespmem:s18], [sflag:$0x1] =	stream.indirect.gather [hbm4b:s8+s22], $0x2, s14, s22, $0xb8;
	[tilespmem:$0x1FD00] =	vst v63  }
0x2b1: {  	s20 =	simm.s32 $0x2000;
	s21 =	simm.s32 $0xC500  }
0x2b2: {  	[tilespmem:s21], [sflag:$0x1] =	stream.indirect.gather [hbm4b:s8+s22], $0x2, s20, s22, $0xb8;
	[tilespmem:$0x1FD00] =	vst v63  }
0x2b3: {  	s4 =	simm.s32 $0x2100;
	s6 =	simm.s32 $0xCD00  }
0x2b4: {  	[tilespmem:s6], [sflag:$0x1] =	stream.indirect.gather [hbm4b:s8+s22], $0x2, s4, s22, $0xb8;
	[tilespmem:$0x1FD00] =	vst v63  }
0x2b5: {  	s14 =	simm.s32 $0x2200;
	s18 =	simm.s32 $0xD500  }
0x2b6: {  	[tilespmem:s18], [sflag:$0x1] =	stream.indirect.gather [hbm4b:s8+s22], $0x2, s14, s22, $0xb8;
	[tilespmem:$0x1FD00] =	vst v63  }
0x2b7: {  	s20 =	simm.s32 $0x2300;
	s21 =	simm.s32 $0xDD00  }
0x2b8: {  	[tilespmem:s21], [sflag:$0x1] =	stream.indirect.gather [hbm4b:s8+s22], $0x2, s20, s22, $0xb8;
	[tilespmem:$0x1FD00] =	vst v63  }
0x2b9: {  	s3 =	simm.s32 $0x2400;
	s4 =	simm.s32 $0xE500  }
0x2ba: {  	[tilespmem:s4], [sflag:$0x1] =	stream.indirect.gather [hbm4b:s8+s22], $0x2, s3, s22, $0xb8;
	[tilespmem:$0x1FD00] =	vst v63  }
0x2bb: {  	_ = 	snop  }
0x2bc: {  	[tilespmem:s10], [sflag:$0x1] =	stream.indirect.gather [hbm4b:s8+s22], $0x2, s9, s22, $0xb8;
	[tilespmem:$0x1FD00] =	vst v63  }
0x2bd: {  	_ = 	snop  }
0x2be: {  	[tilespmem:s12], [sflag:$0x1] =	stream.indirect.gather [hbm4b:s8+s22], $0x2, s11, s22, $0xb8;
	[tilespmem:$0x1FD00] =	vst v63  }
0x2bf: {  	_ = 	snop  }
0x2c0: {  	[tilespmem:s2], [sflag:$0x1] =	stream.indirect.gather [hbm4b:s8+s22], $0x2, s15, s22, $0xb8;
	[tilespmem:$0x1FD00] =	vst v63  }
0x2c1: {  	_ = 	snop  }
0x2c2: {  	[tilespmem:s23], [sflag:$0x1] =	stream.indirect.gather [hbm4b:s8+s22], $0x2, s17, s22, $0xb8;
	[tilespmem:$0x1FD00] =	vst v63  }
0x2c3: {  	_ = 	snop  }
0x2c4: {  	[tilespmem:s26], [sflag:$0x1] =	stream.indirect.gather [hbm4b:s8+s22], $0x2, s25, s22, $0xb8;
	[tilespmem:$0x1FD00] =	vst v63  }
0x2c5: {  	_ = 	snop  }
0x2c6: {  	[tilespmem:s29], [sflag:$0x1] =	stream.indirect.gather [hbm4b:s8+s22], $0x2, s28, s22, $0xb8;
	[tilespmem:$0x1FD00] =	vst v63  }
0x2c7: {  	_ = 	snop  }
0x2c8: {  	[tilespmem:s31], [sflag:$0x1] =	stream.indirect.gather [hbm4b:s8+s22], $0x2, s30, s22, $0xb8;
	[tilespmem:$0x1FD00] =	vst v63  }
0x2c9: {  	_ = 	snop  }
0x2ca: {  	[tilespmem:s5], [sflag:$0x1] =	stream.indirect.gather [hbm4b:s8+s22], $0x2, s0, s22, $0xb8;
	[tilespmem:$0x1FD00] =	vst v63  }
0x2cb: {  	_ =	swait.ge [sflag:s16], $0x200  }
0x2cc: {  	[sflag:s16] =	ssyncset.done $0x0  }
0x2cd: {  	[sflag:s16] =	ssyncadd.s32 $0xFFFFFE00  }
0x2ce: {  	_ =	swait.ge [sflag:s16], $0x200  }
0x2cf: {  	[sflag:s16] =	ssyncset.done $0x0  }
0x2d0: {  	[sflag:s16] =	ssyncadd.s32 $0xFFFFFE00  }
0x2d1: {  	_ =	swait.ge [sflag:s16], $0x200  }
0x2d2: {  	[sflag:s16] =	ssyncset.done $0x0  }
0x2d3: {  	[sflag:s16] =	ssyncadd.s32 $0xFFFFFE00  }
0x2d4: {  	_ =	swait.ge [sflag:s16], $0x200  }
0x2d5: {  	[sflag:s16] =	ssyncset.done $0x0  }
0x2d6: {  	[sflag:s16] =	ssyncadd.s32 $0xFFFFFE00  }
0x2d7: {  	_ =	swait.ge [sflag:s16], $0x200  }
0x2d8: {  	[sflag:s16] =	ssyncset.done $0x0  }
0x2d9: {  	[sflag:s16] =	ssyncadd.s32 $0xFFFFFE00  }
0x2da: {  	_ =	swait.ge [sflag:s16], $0x200  }
0x2db: {  	[sflag:s16] =	ssyncset.done $0x0  }
0x2dc: {  	[sflag:s16] =	ssyncadd.s32 $0xFFFFFE00  }
0x2dd: {  	_ =	swait.ge [sflag:s16], $0x200  }
0x2de: {  	[sflag:s16] =	ssyncset.done $0x0  }
0x2df: {  	[sflag:s16] =	ssyncadd.s32 $0xFFFFFE00  }
0x2e0: {  	_ =	swait.ge [sflag:s16], $0x200  }
0x2e1: {  	[sflag:s16] =	ssyncset.done $0x0  }
0x2e2: {  	[sflag:s16] =	ssyncadd.s32 $0xFFFFFE00  }
0x2e3: {  	_ =	swait.ge [sflag:s16], $0x200  }
0x2e4: {  	[sflag:s16] =	ssyncset.done $0x0  }
0x2e5: {  	[sflag:s16] =	ssyncadd.s32 $0xFFFFFE00  }
0x2e6: {  	_ =	swait.ge [sflag:s16], $0x200  }
0x2e7: {  	[sflag:s16] =	ssyncset.done $0x0  }
0x2e8: {  	[sflag:s16] =	ssyncadd.s32 $0xFFFFFE00  }
0x2e9: {  	_ =	swait.ge [sflag:s16], $0x200  }
0x2ea: {  	[sflag:s16] =	ssyncset.done $0x0  }
0x2eb: {  	[sflag:s16] =	ssyncadd.s32 $0xFFFFFE00  }
0x2ec: {  	_ =	swait.ge [sflag:s16], $0x200  }
0x2ed: {  	[sflag:s16] =	ssyncset.done $0x0  }
0x2ee: {  	[sflag:s16] =	ssyncadd.s32 $0xFFFFFE00  }
0x2ef: {  	_ =	swait.ge [sflag:s16], $0x200  }
0x2f0: {  	[sflag:s16] =	ssyncset.done $0x0  }
0x2f1: {  	[sflag:s16] =	ssyncadd.s32 $0xFFFFFE00  }
0x2f2: {  	_ =	swait.ge [sflag:s16], $0x200  }
0x2f3: {  	[sflag:s16] =	ssyncset.done $0x0  }
0x2f4: {  	[sflag:s16] =	ssyncadd.s32 $0xFFFFFE00  }
0x2f5: {  	_ =	swait.ge [sflag:s16], $0x200  }
0x2f6: {  	[sflag:s16] =	ssyncset.done $0x0  }
0x2f7: {  	[sflag:s16] =	ssyncadd.s32 $0xFFFFFE00  }
0x2f8: {  	_ =	swait.ge [sflag:s16], $0x200  }
0x2f9: {  	[sflag:s16] =	ssyncset.done $0x0  }
0x2fa: {  	[sflag:s16] =	ssyncadd.s32 $0xFFFFFE00  }
0x2fb: {  	_ =	swait.ge [sflag:s16], $0x200  }
0x2fc: {  	[sflag:s16] =	ssyncset.done $0x0  }
0x2fd: {  	[sflag:s16] =	ssyncadd.s32 $0xFFFFFE00  }
0x2fe: {  	_ =	swait.ge [sflag:s16], $0x200  }
0x2ff: {  	[sflag:s16] =	ssyncset.done $0x0  }
0x300: {  	[sflag:s16] =	ssyncadd.s32 $0xFFFFFE00  }
0x301: {  	_ =	swait.ge [sflag:s16], $0x200  }
0x302: {  	[sflag:s16] =	ssyncset.done $0x0  }
0x303: {  	[sflag:s16] =	ssyncadd.s32 $0xFFFFFE00  }
0x304: {  	_ =	swait.ge [sflag:s16], $0x200  }
0x305: {  	[sflag:s16] =	ssyncset.done $0x0  }
0x306: {  	[sflag:s16] =	ssyncadd.s32 $0xFFFFFE00  }
0x307: {  	_ =	swait.ge [sflag:s16], $0x200  }
0x308: {  	[sflag:s16] =	ssyncset.done $0x0  }
0x309: {  	[sflag:s16] =	ssyncadd.s32 $0xFFFFFE00  }
0x30a: {  	_ =	swait.ge [sflag:s16], $0x200  }
0x30b: {  	[sflag:s16] =	ssyncset.done $0x0  }
0x30c: {  	[sflag:s16] =	ssyncadd.s32 $0xFFFFFE00  }
0x30d: {  	_ =	swait.ge [sflag:s16], $0x200  }
0x30e: {  	[sflag:s16] =	ssyncset.done $0x0  }
0x30f: {  	[sflag:s16] =	ssyncadd.s32 $0xFFFFFE00  }
0x310: {  	_ =	swait.ge [sflag:s16], $0x200  }
0x311: {  	[sflag:s16] =	ssyncset.done $0x0  }
0x312: {  	[sflag:s16] =	ssyncadd.s32 $0xFFFFFE00  }
0x313: {  	_ =	swait.ge [sflag:s16], $0x200  }
0x314: {  	[sflag:s16] =	ssyncset.done $0x0  }
0x315: {  	[sflag:s16] =	ssyncadd.s32 $0xFFFFFE00  }
0x316: {  	_ =	swait.ge [sflag:s16], $0x200  }
0x317: {  	[sflag:s16] =	ssyncset.done $0x0  }
0x318: {  	[sflag:s16] =	ssyncadd.s32 $0xFFFFFE00  }
0x319: {  	_ =	swait.ge [sflag:s16], $0x200  }
0x31a: {  	[sflag:s16] =	ssyncset.done $0x0  }
0x31b: {  	[sflag:s16] =	ssyncadd.s32 $0xFFFFFE00  }
0x31c: {  	_ =	swait.ge [sflag:s16], $0x200  }
0x31d: {  	[sflag:s16] =	ssyncset.done $0x0  }
0x31e: {  	[sflag:s16] =	ssyncadd.s32 $0xFFFFFE00  }
0x31f: {  	_ =	swait.ge [sflag:s16], $0x200  }
0x320: {  	[sflag:s16] =	ssyncset.done $0x0  }
0x321: {  	[sflag:s16] =	ssyncadd.s32 $0xFFFFFE00  }
0x322: {  	_ =	swait.ge [sflag:s16], $0x200  }
0x323: {  	[sflag:s16] =	ssyncset.done $0x0  }
0x324: {  	[sflag:s16] =	ssyncadd.s32 $0xFFFFFE00  }
0x325: {  	_ =	swait.ge [sflag:s16], $0x200  }
0x326: {  	[sflag:s16] =	ssyncset.done $0x0  }
0x327: {  	s14 =	simm.s32 $0x0;
	[sflag:s16] =	ssyncadd.s32 $0xFFFFFE00  }
0x328: {  	v4 =	vmov s14;
	_ =	swait.ge [sflag:s16], $0x200  }
0x329: {  	v3 =	vor.u32 $0xA000, v0;
	v9 =	vshll.u32 v4, $0x3;
	[sflag:s16] =	ssyncset.done $0x0  }
0x32a: {  	v4 =	vor.u32 $0xE000, v0;
	v13 =	vor.u32 v3, v9;
	[sflag:s16] =	ssyncadd.s32 $0xFFFFFE00  }
0x32b: {  	v5 =	vor.u32 $0xC000, v0;
	v14 =	vor.u32 v4, v9;
	v10 =	vld [tilespmem:s14+$0x0]  }
0x32c: {  	v6 =	vor.u32 $0x4000, v0;
	s6 =	simm.s32 $0x800;
	v15 =	vor.u32 v5, v9  }
0x32d: {  	s1 =	simm.s32 $0x400;
	v16 =	vor.u32 v6, v9;
	v12 =	vld [tilespmem:s6+$0x0]  }
0x32e: {  	v17 =	vor.u32 v2, v9;
	v11 =	vld [tilespmem:s1+$0x0]  }
0x32f: {  	v7 =	vor.u32 $0x6000, v0;
	v18 =	vor.u32 v0, v9;
	v19 =	vld.idx.msk [tilespmem:v13+s24+$0x0], $0xffff  }
0x330: {  	v8 =	vor.u32 $0x8000, v0;
	v20 =	vor.u32 v7, v9;
	v21 =	vld.idx.msk [tilespmem:v14+s24+$0x0], $0xffff;
	v22 =	vtrunc.f32 v10  }
0x331: {  	v23 =	vor.u32 v8, v9;
	v9 =	vld.idx.msk [tilespmem:v15+s24+$0x0], $0xffff;
	v22 =	vcvt.f32.s32 v22  }
0x332: {  	v24 =	vld.idx.msk [tilespmem:v16+s24+$0x0], $0xffff  }
0x333: {  	v25 =	vld.idx.msk [tilespmem:v17+s24+$0x0], $0xffff;
	v22 =	vcvt.s32.f32 v22  }
0x334: {  	v26 =	vld.idx.msk [tilespmem:v18+s24+$0x0], $0xffff  }
0x335: {  	v28 =	vld.idx.msk [tilespmem:v20+s24+$0x0], $0xffff;
	v27 =	vtrunc.f32 v11;
	v22 =	vsub.f32 v10, v22  }
0x336: {  	v29 =	vld.idx.msk [tilespmem:v23+s24+$0x0], $0xffff;
	v27 =	vcvt.f32.s32 v27;
	v10 =	vtrunc.f32 v12  }
0x337: {  	v10 =	vcvt.f32.s32 v10;
	v30 =	vsub.f32 $1.000000000e+00, v22;
	v24 =	vmul.f32 v24, v22  }
0x338: {  	v31 =	vmul.f32 v9, v22;
	v9 =	vcvt.s32.f32 v27  }
0x339: {  	v25 =	vmul.f32 v25, v22;
	v26 =	vmul.f32 v30, v26  }
0x33a: {  	v19 =	vmul.f32 v19, v22;
	v33 =	vmul.f32 v28, v30;
	v9 =	vsub.f32 v11, v9  }
0x33b: {  	v21 =	vmul.f32 v21, v30;
	v34 =	vmul.f32 v29, v30;
	v25 =	vadd.f32 v25, v26  }
0x33c: {  	v10 =	vcvt.s32.f32 v10;
	v24 =	vadd.f32 v33, v24;
	v11 =	vsub.f32 $1.000000000e+00, v9  }
0x33d: {  	v21 =	vadd.f32 v21, v31;
	v19 =	vadd.f32 v19, v34  }
0x33e: {  	v10 =	vsub.f32 v12, v10;
	v24 =	vmul.f32 v24, v9;
	v25 =	vmul.f32 v25, v11  }
0x33f: {  	v21 =	vmul.f32 v21, v9;
	v19 =	vmul.f32 v19, v11  }
0x340: {  	v12 =	vsub.f32 $1.000000000e+00, v10  }
0x341: {  	s18 =	sshll.u32 s13, $0x8;
	s4 =	sshll.u32 s13, $0xB;
	v24 =	vadd.f32 v24, v25;
	v19 =	vadd.f32 v21, v19  }
0x342: {  	s3 =	sand.u32 $0x300, s18;
	s4 =	sand.u32 $0x6000, s4  }
0x343: {  	s3 =	sor.u32 s3, s4;
	v18 =	vor.u32 $0x1, v18;
	v35 =	vmul.f32 v24, v12;
	v19 =	vmul.f32 v19, v10  }
0x344: {  	s20 =	sand.u32 $0x1C00, s14;
	s18 =	sadd.s32 $0x12D00, s3;
	v23 =	vor.u32 $0x1, v23  }
0x345: {  	s21 =	sand.u32 $0x70, s14;
	s3 =	sadd.s32 s20, s18;
	v20 =	vor.u32 $0x1, v20;
	v19 =	vadd.f32 v19, v35  }
0x346: {  	s4 =	sadd.s32 s21, s3;
	v13 =	vor.u32 $0x1, v13  }
0x347: {  	v14 =	vor.u32 $0x1, v14;
	[tilespmem:s4+$0x0] =	vst v19  }
0x348: {  	v15 =	vor.u32 $0x1, v15;
	v18 =	vld.idx.msk [tilespmem:v18+s24+$0x0], $0xffff  }
0x349: {  	v17 =	vor.u32 $0x1, v17;
	v19 =	vld.idx.msk [tilespmem:v23+s24+$0x0], $0xffff  }
0x34a: {  	v16 =	vor.u32 $0x1, v16;
	v20 =	vld.idx.msk [tilespmem:v20+s24+$0x0], $0xffff  }
0x34b: {  	v13 =	vld.idx.msk [tilespmem:v13+s24+$0x0], $0xffff  }
0x34c: {  	v14 =	vld.idx.msk [tilespmem:v14+s24+$0x0], $0xffff  }
0x34d: {  	v15 =	vld.idx.msk [tilespmem:v15+s24+$0x0], $0xffff  }
0x34e: {  	v17 =	vld.idx.msk [tilespmem:v17+s24+$0x0], $0xffff  }
0x34f: {  	v16 =	vld.idx.msk [tilespmem:v16+s24+$0x0], $0xffff;
	_ =	sdelay $0x1  }
0x350: {  	v13 =	vmul.f32 v13, v22;
	v19 =	vmul.f32 v19, v30  }
0x351: {  	v18 =	vmul.f32 v18, v30;
	v14 =	vmul.f32 v14, v30  }
0x352: {  	v15 =	vmul.f32 v15, v22;
	v47 =	vmul.f32 v17, v22;
	v19 =	vadd.f32 v13, v19  }
0x353: {  	v17 =	vmul.f32 v16, v22;
	v13 =	vmul.f32 v20, v30  }
0x354: {  	s20 =	simm.s32 $0x10;
	s21 =	simm.s32 $0x810;
	s3 =	simm.s32 $0x0;
	v15 =	vadd.f32 v14, v15;
	v16 =	vadd.f32 v47, v18;
	v14 =	vmul.f32 v19, v11  }
.LBB2_8:
0x355: {  	v13 =	vadd.f32 v13, v17;
	s14 =	sadd.s32 $0x80, s14;
	s3 =	sadd.s32 $0x10, s3;
	s1 =	sadd.s32 $0x10, s1  }
0x356: {  	p0 =	sne.s32 s20, $0x3F0;
	v15 =	vmul.f32 v15, v9;
	s6 =	smov.u32 s20;
	s20 =	sadd.s32 $0x10, s20;
	v11 =	vmul.f32 v16, v11  }
0x357: {  	v9 =	vmul.f32 v13, v9  }
0x358: {  	v13 =	vadd.f32 v15, v14  }
0x359: {  	v9 =	vadd.f32 v9, v11  }
0x35a: {  	v10 =	vmul.f32 v13, v10  }
0x35b: {  	v9 =	vmul.f32 v9, v12  }
0x35c: {  	v11 =	vmov s6  }
0x35d: {  	v11 =	vshll.u32 v11, $0x3;
	v9 =	vadd.f32 v10, v9  }
0x35e: {  	v13 =	vor.u32 v8, v11;
	v14 =	vor.u32 v3, v11;
	v15 =	vor.u32 v4, v11  }
0x35f: {  	[tilespmem:s4+$0x80] =	vst v9  }
0x360: {  	v16 =	vor.u32 v5, v11;
	v9 =	vld [tilespmem:s3+$0x0]  }
0x361: {  	v17 =	vor.u32 v6, v11;
	v10 =	vld [tilespmem:s21+$0x0]  }
0x362: {  	v18 =	vor.u32 v2, v11;
	v12 =	vld [tilespmem:s1+$0x0]  }
0x363: {  	v19 =	vor.u32 v0, v11;
	v20 =	vld.idx.msk [tilespmem:v14+s24+$0x0], $0xffff  }
0x364: {  	v21 =	vor.u32 v7, v11;
	v11 =	vld.idx.msk [tilespmem:v15+s24+$0x0], $0xffff  }
0x365: {  	v22 =	vtrunc.f32 v9;
	v23 =	vld.idx.msk [tilespmem:v16+s24+$0x0], $0xffff  }
0x366: {  	v22 =	vcvt.f32.s32 v22;
	v24 =	vtrunc.f32 v10;
	v25 =	vld.idx.msk [tilespmem:v17+s24+$0x0], $0xffff  }
0x367: {  	v24 =	vcvt.f32.s32 v24;
	v26 =	vld.idx.msk [tilespmem:v18+s24+$0x0], $0xffff  }
0x368: {  	v22 =	vcvt.s32.f32 v22;
	v27 =	vld.idx.msk [tilespmem:v19+s24+$0x0], $0xffff  }
0x369: {  	v28 =	vtrunc.f32 v12;
	v24 =	vcvt.s32.f32 v24;
	v29 =	vld.idx.msk [tilespmem:v21+s24+$0x0], $0xffff  }
0x36a: {  	v22 =	vsub.f32 v9, v22;
	v9 =	vcvt.f32.s32 v28;
	v28 =	vld.idx.msk [tilespmem:v13+s24+$0x0], $0xffff;
	_ =	sdelay $0x1  }
0x36b: {  	v30 =	vsub.f32 $1.000000000e+00, v22;
	v25 =	vmul.f32 v25, v22;
	v23 =	vmul.f32 v23, v22  }
0x36c: {  	v26 =	vmul.f32 v26, v22;
	v20 =	vmul.f32 v20, v22  }
0x36d: {  	v9 =	vcvt.s32.f32 v9;
	v27 =	vmul.f32 v30, v27  }
0x36e: {  	v29 =	vmul.f32 v29, v30;
	v31 =	vmul.f32 v11, v30  }
0x36f: {  	v9 =	vsub.f32 v12, v9;
	v12 =	vadd.f32 v26, v27;
	v26 =	vmul.f32 v28, v30  }
0x370: {  	v25 =	vadd.f32 v29, v25  }
0x371: {  	v11 =	vsub.f32 $1.000000000e+00, v9;
	v23 =	vadd.f32 v31, v23  }
0x372: {  	v20 =	vadd.f32 v20, v26;
	v25 =	vmul.f32 v25, v9  }
0x373: {  	v10 =	vsub.f32 v10, v24;
	v24 =	vmul.f32 v12, v11;
	v23 =	vmul.f32 v23, v9  }
0x374: {  	v20 =	vmul.f32 v20, v11  }
0x375: {  	v12 =	vsub.f32 $1.000000000e+00, v10;
	v24 =	vadd.f32 v25, v24  }
0x376: {  	v20 =	vadd.f32 v23, v20  }
0x377: {  	v23 =	vmul.f32 v24, v12  }
0x378: {  	v19 =	vor.u32 $0x1, v19;
	v20 =	vmul.f32 v20, v10  }
0x379: {  	s4 =	sand.u32 $0x1C00, s14;
	v13 =	vor.u32 $0x1, v13  }
0x37a: {  	s6 =	sand.u32 $0x70, s6;
	s4 =	sadd.s32 s4, s18;
	v21 =	vor.u32 $0x1, v21;
	v20 =	vadd.f32 v20, v23  }
0x37b: {  	s4 =	sadd.s32 s6, s4;
	v14 =	vor.u32 $0x1, v14  }
0x37c: {  	v15 =	vor.u32 $0x1, v15;
	[tilespmem:s4+$0x0] =	vst v20  }
0x37d: {  	v16 =	vor.u32 $0x1, v16;
	v19 =	vld.idx.msk [tilespmem:v19+s24+$0x0], $0xffff  }
0x37e: {  	v17 =	vor.u32 $0x1, v17;
	v18 =	vor.u32 $0x1, v18;
	v20 =	vld.idx.msk [tilespmem:v13+s24+$0x0], $0xffff  }
0x37f: {  	v13 =	vld.idx.msk [tilespmem:v21+s24+$0x0], $0xffff  }
0x380: {  	v14 =	vld.idx.msk [tilespmem:v14+s24+$0x0], $0xffff  }
0x381: {  	v15 =	vld.idx.msk [tilespmem:v15+s24+$0x0], $0xffff  }
0x382: {  	v16 =	vld.idx.msk [tilespmem:v16+s24+$0x0], $0xffff  }
0x383: {  	v19 =	vmul.f32 v19, v30;
	v18 =	vld.idx.msk [tilespmem:v18+s24+$0x0], $0xffff  }
0x384: {  	v17 =	vld.idx.msk [tilespmem:v17+s24+$0x0], $0xffff  }
0x385: {  	v13 =	vmul.f32 v13, v30  }
0x386: {  	v14 =	vmul.f32 v14, v22  }
.Ltmp2:
0x387: {  	v20 =	vmul.f32 v20, v30;
	v15 =	vmul.f32 v15, v30;
	(pc) =	sbr.rel @p0 .LBB2_8-.Ltmp2, $4  }
0x388: {  	v16 =	vmul.f32 v16, v22  }
0x389: {  	v14 =	vadd.f32 v14, v20;
	v18 =	vmul.f32 v18, v22  }
0x38a: {  	v17 =	vmul.f32 v17, v22;
	v15 =	vadd.f32 v15, v16  }
0x38b: {  	s21 =	sadd.s32 $0x10, s21;
	v14 =	vmul.f32 v14, v11;
	v16 =	vadd.f32 v18, v19  }
0x38c: {  	v3 =	vadd.f32 v13, v17  }
0x38d: {  	v5 =	vmul.f32 v15, v9  }
0x38e: {  	v4 =	vmul.f32 v16, v11;
	v3 =	vmul.f32 v3, v9;
	_ =	sdelay $0x1  }
0x38f: {  	s13 =	sadd.s32 $0x1, s13;
	v5 =	vadd.f32 v5, v14;
	v3 =	vadd.f32 v3, v4  }
0x390: {  	p0 =	sne.s32 s13, $0x10  }
.Ltmp3:
0x391: {  	v47 =	vmul.f32 v5, v10;
	v3 =	vmul.f32 v3, v12;
	(pc) =	sbr.rel @p0 .LBB2_5-.Ltmp3, $3  }
0x392: {  	_ = 	snop  }
0x393: {  	v3 =	vadd.f32 v47, v3;
	_ =	sdelay $0x1  }
0x394: {  	[tilespmem:s4+$0x80] =	vst v3  }
0x395: {  	s1 =	rddreg [dreg:$0x2]  }
0x396: {  	s4 =	rddreg [dreg:$0x10];
	s6 =	simm.s32 $0x0  }
0x397: {  	s3 =	simm.s32 $0x12D00;
	s13 =	simm.s32 $0x2;
	s1 =	sadd.s32 s1, s4  }
0x398: {  	[hbm4b:s1+s6] =	stream.linear.scatter [tilespmem:s3], [sflag:$0x2], $0x2000, $0x38;
	[tilespmem:$0x1FD00] =	vst v63  }
0x399: {  	_ =	swait.ge [sflag:s13], $0x2000  }
0x39a: {  	[sflag:s13] =	ssyncset.done $0x0;
	s20 =	rddreg [dreg:$0x9]  }
0x39b: {  	s21 =	simm.s32 $0x14D00;
	[sflag:s13] =	ssyncadd.s32 $0xFFFFE000;
	s1 =	sadd.s32 s4, s20  }
0x39c: {  	[hbm4b:s1+s6] =	stream.linear.scatter [tilespmem:s21], [sflag:$0x2], $0x2000, $0x38;
	[tilespmem:$0x1FD00] =	vst v63  }
0x39d: {  	_ =	swait.ge [sflag:s13], $0x2000  }
0x39e: {  	s18 =	simm.s32 $0x16D00;
	[sflag:s13] =	ssyncset.done $0x0;
	s14 =	rddreg [dreg:$0xa]  }
0x39f: {  	s7 =	sadd.s32 $0x1, s7;
	[sflag:s13] =	ssyncadd.s32 $0xFFFFE000;
	s1 =	sadd.s32 s4, s14  }
0x3a0: {  	[hbm4b:s1+s6] =	stream.linear.scatter [tilespmem:s18], [sflag:$0x2], $0x2000, $0x38;
	[tilespmem:$0x1FD00] =	vst v63  }
0x3a1: {  	p0 =	sne.s32 s7, $0x8;
	_ =	swait.ge [sflag:s13], $0x2000  }
0x3a2: {  	s21 =	simm.s32 $0x18D00;
	[sflag:s13] =	ssyncset.done $0x0;
	s20 =	rddreg [dreg:$0xb]  }
.Ltmp4:
0x3a3: {  	[sflag:s13] =	ssyncadd.s32 $0xFFFFE000;
	s1 =	sadd.s32 s4, s20;
	(pc) =	sbr.rel @p0 .LBB2_4-.Ltmp4, $4  }
0x3a4: {  	[hbm4b:s1+s6] =	stream.linear.scatter [tilespmem:s21], [sflag:$0x2], $0x2000, $0x38;
	[tilespmem:$0x1FD00] =	vst v63  }
0x3a5: {  	_ =	swait.ge [sflag:s13], $0x2000  }
0x3a6: {  	[sflag:s13] =	ssyncset.done $0x0  }
0x3a7: {  	[sflag:s13] =	ssyncadd.s32 $0xFFFFE000  }
0x3a8: {  	v13 =	vld [tilespmem:$0x1FE20]  }
0x3a9: {  	v14 =	vld [tilespmem:$0x1FE30]  }
0x3aa: {  	v15 =	vld [tilespmem:$0x1FE40]  }
0x3ab: {  	v16 =	vld [tilespmem:$0x1FE50]  }
0x3ac: {  	v17 =	vld [tilespmem:$0x1FE60]  }
0x3ad: {  	v18 =	vld [tilespmem:$0x1FE70]  }
0x3ae: {  	v19 =	vld [tilespmem:$0x1FE80]  }
0x3af: {  	v20 =	vld [tilespmem:$0x1FE90]  }
0x3b0: {  	v21 =	vld [tilespmem:$0x1FEA0]  }
0x3b1: {  	v22 =	vld [tilespmem:$0x1FEB0]  }
0x3b2: {  	v23 =	vld [tilespmem:$0x1FEC0]  }
0x3b3: {  	v24 =	vld [tilespmem:$0x1FED0]  }
0x3b4: {  	v25 =	vld [tilespmem:$0x1FEE0]  }
0x3b5: {  	v26 =	vld [tilespmem:$0x1FEF0]  }
0x3b6: {  	v27 =	vld [tilespmem:$0x1FF00]  }
0x3b7: {  	v28 =	vld [tilespmem:$0x1FF10]  }
0x3b8: {  	v29 =	vld [tilespmem:$0x1FF20]  }
0x3b9: {  	s4 =	rddreg [dreg:$0xf];
	v30 =	vld [tilespmem:$0x1FF30]  }
0x3ba: {  	s1 =	rddreg [dreg:$0xc];
	v31 =	vld [tilespmem:$0x1FF40];
	s4 =	sadd.s32 $0x1, s4  }
0x3bb: {  	v4 =	vld [tilespmem:$0x1FF50];
	p0 =	sne.s32 s4, s1  }
.Ltmp5:
0x3bc: {  	v7 =	vld [tilespmem:$0x1FF60];
	(pc) =	sbr.rel @p0 .LBB2_1-.Ltmp5, $4  }
0x3bd: {  	v8 =	vld [tilespmem:$0x1FF70]  }
0x3be: {  	v5 =	vld [tilespmem:$0x1FF80]  }
0x3bf: {  	v6 =	vld [tilespmem:$0x1FF90]  }
0x3c0: {  	s3 =	rddreg [dreg:$0xe];
	s14 =	simm.s32 $0x1AD00;
	v2 =	vld [tilespmem:$0x1FFA0]  }
0x3c1: {  	_ =	sfence.sel $0x180000  }
0x3c2: {  	[bflag:$0x0] =	sbarrier.arrive $0xFFFF  }
0x3c3: {  	_ =	strace $0x90000047  }
0x3c4: {  	s0 =	stileid.u32;
	[bflag:$0x2] =	sbarrier.arrive $0xFFFF  }
0x3c5: {  	p0 =	sne.s32 s0, $0x0;
	s0 =	rddreg [dreg:$0x3]  }
0x3c6: {  	s0 =	sadd.s32 @!p0 $0x100000, s0  }
0x3c7: {  	[sflag:s0] =	ssyncadd.tile.s32 @!p0 $0x1;
	_ =	shalt  }
.Lfunc_end2:
_tile_overlayer_lowered:
.L_overlay_start_2:
0x3c8: {  	(tag) =	ssettag $0x2  }
0x3c9: {  	s0 =	rddreg [dreg:$0x0];
	s2 =	stileid.u32  }
0x3ca: {  	s1 =	rddreg [dreg:$0x1];
	p0 =	sne.s32 s2, $0x0  }
0x3cb: {  	s3 =	rddreg [dreg:$0x2];
	[bflag:$0x3] =	sbarrier.arrive $0xFFFF;
	s2 =	simm.s32 @!p0 $0x1C02  }
0x3cc: {  	[timem:s3], [sflag:s2] =	dma.local @!p0 [hbm:s0], s1  }
0x3cd: {  	s0 =	simm.s32 @!p0 $0x2  }
0x3ce: {  	_ =	swait.ge @!p0 [sflag:s0], s1  }
0x3cf: {  	s1 =	ssub.s32 @!p0 $0x0, s1;
	[sflag:s0] =	ssyncset.done @!p0 $0x0  }
0x3d0: {  	[sflag:s0] =	ssyncadd.s32 @!p0 s1  }
0x3d1: {  	[bflag:$0x3] =	sbarrier.arrive $0xFFFF  }
0x3d2: {  	_ =	shalt  }

</sc_bundles>
